<compile_context>
chip_gen: v7x
topology: tpu7x:2x2x1
jax: 0.10.2.dev20260603
libtpu: 0.0.44.dev20260713+nightly
codegen_flags: <defaults>
</compile_context>

<pallas_src>
import functools

import jax
import jax.numpy as jnp
import numpy as np
from jax import lax
from jax.experimental import pallas as pl
from jax.experimental.pallas import tpu as pltpu
from jax.experimental.pallas import tpu_sc as plsc

N_C = 64
N_I = 128
N_OUT = N_C + N_I
NB = N_C - 1

NUM_CORES = 2
NUM_SUBCORES = 16
NW = NUM_CORES * NUM_SUBCORES
CHUNK = 128

_INV127 = np.float32(1.0) / np.float32(127.0)


def _sc_body(zv_hbm, wt_hbm, out_hbm, zv_v, wt_v, out_v, cdf_v0, zmid_v0,
             hist_v0, cdf_v1, zmid_v1, hist_v1):
    n_rays = zv_hbm.shape[0]
    rays_per_w = n_rays // NW
    n_chunks = rays_per_w // CHUNK
    cid = lax.axis_index("c")
    sid = lax.axis_index("s")
    wid = sid * NUM_CORES + cid
    iota = lax.iota(jnp.int32, 16)
    f32 = jnp.float32
    i32 = jnp.int32

    def per_ray(r, cdf_v, zmid_v, hist_v):
        rr = jnp.full((16,), r, i32)
        zA = [zv_v[r, pl.ds(16 * i, 16)] for i in range(4)]
        zB = [plsc.load_gather(
                  zv_v, [rr, jnp.minimum(iota + (16 * i + 1), N_C - 1)])
              for i in range(4)]
        wB = [plsc.load_gather(
                  wt_v, [rr, jnp.minimum(iota + (16 * i + 1), N_C - 1)])
              for i in range(4)]
        for i in range(4):
            zmid_v[pl.ds(16 * i, 16)] = f32(0.5) * (zA[i] + zB[i])
        carry = f32(0.0)
        csum = []
        for i in range(4):
            w = wB[i] + f32(1e-5)
            if i == 3:
                w = jnp.where(iota < 14, w, f32(0.0))
            c = plsc.cumsum(w) + carry
            csum.append(c)
            carry = jnp.max(c)
        rS = f32(1.0) / jnp.full((16,), carry, f32)
        cdf_v[pl.ds(0, 16)] = jnp.zeros((16,), f32)
        cdfn = []
        for i in range(4):
            cn = csum[i] * rS
            cdfn.append(cn)
            m = (iota < 14) if i == 3 else None
            plsc.store_scatter(cdf_v, [iota + (16 * i + 1)], cn, mask=m)
        for i in range(8):
            hist_v[pl.ds(16 * i, 16)] = jnp.zeros((16,), i32)
        ones = jnp.ones((16,), i32)
        for i in range(4):
            x = f32(127.0) * cdfn[i]
            ti = x.astype(i32)
            s = ti + (ti.astype(f32) < x).astype(i32)
            m = s <= 127
            if i == 3:
                m = m & (iota < 14)
            plsc.addupdate_scatter(hist_v, [jnp.minimum(s, 127)], ones, mask=m)
        icarry = i32(0)
        fcarry = f32(-1e30)
        zs = []
        bels = []
        for i in range(8):
            h = hist_v[pl.ds(16 * i, 16)]
            below = plsc.cumsum(h) + icarry
            bels.append(below)
            icarry = jnp.max(below)
            above = jnp.minimum(below + 1, NB - 1)
            c0 = plsc.load_gather(cdf_v, [below])
            c1 = plsc.load_gather(cdf_v, [above])
            b0 = plsc.load_gather(zmid_v, [below])
            b1 = plsc.load_gather(zmid_v, [above])
            u = (iota + (16 * i)).astype(f32) * _INV127
            den = c1 - c0
            den = jnp.where(den < f32(1e-5), f32(1.0), den)
            t = (u - c0) / den
            z = b0 + t * (b1 - b0)
            z = plsc.cummax(z)
            z = jnp.maximum(z, fcarry)
            fcarry = jnp.max(z)
            zs.append(z)
        for i in range(5):
            hist_v[pl.ds(16 * i, 16)] = jnp.zeros((16,), i32)
        for i in range(8):
            b = zs[i]
            znx = plsc.load_gather(zv_v, [rr, bels[i] + 1])
            cntA = bels[i] + 1 + (znx <= b).astype(i32)
            plsc.addupdate_scatter(hist_v, [cntA], ones)
            plsc.store_scatter(out_v, [rr, iota + (16 * i) + cntA], b)
        icarry = i32(0)
        for i in range(4):
            h = hist_v[pl.ds(16 * i, 16)]
            pc = plsc.cumsum(h) + icarry
            icarry = jnp.max(pc)
            plsc.store_scatter(out_v, [rr, iota + (16 * i) + pc], zA[i])

    def per_pair(q, _):
        per_ray(2 * q, cdf_v0, zmid_v0, hist_v0)
        per_ray(2 * q + 1, cdf_v1, zmid_v1, hist_v1)
        return 0

    def per_chunk(ch, _):
        base = wid * rays_per_w + ch * CHUNK
        pltpu.sync_copy(zv_hbm.at[pl.ds(base, CHUNK)], zv_v)
        pltpu.sync_copy(wt_hbm.at[pl.ds(base, CHUNK)], wt_v)
        lax.fori_loop(0, CHUNK // 2, per_pair, 0)
        pltpu.sync_copy(out_v, out_hbm.at[pl.ds(base, CHUNK)])
        return 0

    lax.fori_loop(0, n_chunks, per_chunk, 0)


def _make_sc_kernel(n_rays):
    mesh = plsc.VectorSubcoreMesh(core_axis_name="c", subcore_axis_name="s",
                                  num_cores=NUM_CORES,
                                  num_subcores=NUM_SUBCORES)
    return pl.kernel(
        _sc_body,
        out_type=jax.ShapeDtypeStruct((n_rays, N_OUT), jnp.float32),
        mesh=mesh,
        compiler_params=pltpu.CompilerParams(needs_layout_passes=False),
        scratch_types=[
            pltpu.VMEM((CHUNK, N_C), jnp.float32),
            pltpu.VMEM((CHUNK, N_C), jnp.float32),
            pltpu.VMEM((CHUNK, N_OUT), jnp.float32),
            pltpu.VMEM((64,), jnp.float32),
            pltpu.VMEM((64,), jnp.float32),
            pltpu.VMEM((128,), jnp.int32),
            pltpu.VMEM((64,), jnp.float32),
            pltpu.VMEM((64,), jnp.float32),
            pltpu.VMEM((128,), jnp.int32),
        ],
    )


_PTS_R = 512


def _pts_body(o_ref, d_ref, z_ref, out_ref):
    i32 = jnp.int32
    f32 = jnp.float32
    lane = lax.broadcasted_iota(i32, (N_OUT, 3 * N_OUT), 1)
    row = lax.broadcasted_iota(i32, (N_OUT, 3 * N_OUT), 0)
    zsel = (lane // 3 == row).astype(f32)
    lane3 = lax.broadcasted_iota(i32, (8, 3 * N_OUT), 1)
    row3 = lax.broadcasted_iota(i32, (8, 3 * N_OUT), 0)
    csel = (lane3 % 3 == row3 % 3).astype(f32) * (row3 < 3).astype(f32)
    og = jnp.dot(o_ref[...], csel, preferred_element_type=f32)
    dg = jnp.dot(d_ref[...], csel, preferred_element_type=f32)
    zg = jnp.dot(z_ref[...], zsel, preferred_element_type=f32)
    out_ref[...] = og + dg * zg


def _pts_call(rays_o, rays_d, z_all):
    n = z_all.shape[0]
    grid = n // _PTS_R
    return pl.pallas_call(
        _pts_body,
        grid=(grid,),
        in_specs=[
            pl.BlockSpec((_PTS_R, 8), lambda i: (i, 0)),
            pl.BlockSpec((_PTS_R, 8), lambda i: (i, 0)),
            pl.BlockSpec((_PTS_R, N_OUT), lambda i: (i, 0)),
        ],
        out_specs=pl.BlockSpec((_PTS_R, 3 * N_OUT), lambda i: (i, 0)),
        out_shape=jax.ShapeDtypeStruct((n, 3 * N_OUT), jnp.float32),
        compiler_params=pltpu.CompilerParams(
            dimension_semantics=("arbitrary",)),
    )(jnp.pad(rays_o, ((0, 0), (0, 5))), jnp.pad(rays_d, ((0, 0), (0, 5))),
      z_all)


def kernel(rays_o, rays_d, z_vals, weights):
    n = z_vals.shape[0]
    z_all = _make_sc_kernel(n)(z_vals, weights)
    pts = _pts_call(rays_o, rays_d, z_all).reshape(n, N_OUT, 3)
    return pts, z_all

# --- scband reference (transcript-rebuilt; emitter-appended) ---
"""Pipeline reference for scband-ne-rfpoint-sampler-73229192397439 (READ-ONLY COPY).

The authoritative reference and input builder live on the scoring server;
editing this copy changes nothing except your own understanding.
"""

import jax, jax.numpy as jnp
import numpy as np

N_RAYS = 65536
N_SAMPLES = 64
N_IMPORTANCE = 128
NEAR = 2.0
FAR = 6.0


def setup_inputs(seed: int = 0) -> dict:
    key = jax.random.key(seed)
    k1, k2, k3, k4 = jax.random.split(key, 4)
    rays_o = jax.random.normal(k1, (N_RAYS, 3), dtype=jnp.float32)
    rays_d = jax.random.normal(k2, (N_RAYS, 3), dtype=jnp.float32)
    z = jax.random.uniform(k3, (N_RAYS, N_SAMPLES), dtype=jnp.float32) * (FAR - NEAR) + NEAR
    z_vals = jnp.sort(z, axis=-1)
    weights = jax.random.uniform(k4, (N_RAYS, N_SAMPLES), dtype=jnp.float32)
    return {"rays_o": rays_o, "rays_d": rays_d, "z_vals": z_vals, "weights": weights}


def reference(rays_o, rays_d, z_vals, weights):
    # fine_sample path of NeRFPointSampler (det=True since perturb==0.0)
    N_rays = weights.shape[0]
    N_coarse = z_vals.shape[1]
    z_vals_mid = 0.5 * (z_vals[..., 1:] + z_vals[..., :-1])  # [N_rays, N_coarse-1]
    weights_ = weights[..., 1:-1] + 1e-05                    # [N_rays, N_coarse-2]
    pdf = weights_ / jnp.sum(weights_, axis=-1, keepdims=True)
    cdf = jnp.cumsum(pdf, axis=-1)
    cdf = jnp.concatenate([jnp.zeros_like(cdf[..., :1]), cdf], axis=-1)  # [N_rays, N_coarse-1]
    u = jnp.linspace(0.0, 1.0, N_IMPORTANCE, dtype=jnp.float32)
    u = jnp.broadcast_to(u, (N_rays, N_IMPORTANCE))
    inds = jax.vmap(lambda c, uu: jnp.searchsorted(c, uu, side='right'))(cdf, u)
    below = jnp.clip(inds - 1, 0, None)
    above = jnp.clip(inds, None, cdf.shape[-1] - 1)
    cdf_g0 = jnp.take_along_axis(cdf, below, axis=-1)
    cdf_g1 = jnp.take_along_axis(cdf, above, axis=-1)
    bins_g0 = jnp.take_along_axis(z_vals_mid, below, axis=-1)
    bins_g1 = jnp.take_along_axis(z_vals_mid, above, axis=-1)
    denom = cdf_g1 - cdf_g0
    denom = jnp.where(denom < 1e-05, jnp.ones_like(denom), denom)
    t = (u - cdf_g0) / denom
    z_samples = bins_g0 + t * (bins_g1 - bins_g0)
    z_all = jnp.sort(jnp.concatenate([jnp.broadcast_to(z_vals, (N_rays, N_coarse)), z_samples], axis=-1), axis=-1)
    pts = rays_o[..., None, :] + rays_d[..., None, :] * z_all[..., :, None]
    return (pts, z_all)

if __name__ == "__main__":
    import jax
    _d = setup_inputs()
    print(jax.jit(kernel)(*tuple(_d.values())))

</pallas_src>

<mosaic_0001>
#map = affine_map<(d0, d1) -> (0, 0)>
module attributes {stable_mosaic.version = 14 : i64} {
  func.func @_sc_body(%arg0: i32, %arg1: i32, %arg2: memref<65536x64xf32, #tpu.memory_space<hbm>>, %arg3: memref<65536x64xf32, #tpu.memory_space<hbm>>, %arg4: memref<65536x192xf32, #tpu.memory_space<hbm>>, %arg5: memref<128x64xf32, #tpu.memory_space<vmem>>, %arg6: memref<128x64xf32, #tpu.memory_space<vmem>>, %arg7: memref<128x192xf32, #tpu.memory_space<vmem>>, %arg8: memref<64xf32, #tpu.memory_space<vmem>>, %arg9: memref<64xf32, #tpu.memory_space<vmem>>, %arg10: memref<128xi32, #tpu.memory_space<vmem>>, %arg11: memref<64xf32, #tpu.memory_space<vmem>>, %arg12: memref<64xf32, #tpu.memory_space<vmem>>, %arg13: memref<128xi32, #tpu.memory_space<vmem>>) attributes {dimension_semantics = [#tpu.dimension_semantics<core_parallel>, #tpu.dimension_semantics<subcore_parallel>], iteration_bounds = array<i64: 2, 16>, scalar_prefetch = 0 : i64, scratch_operands = 9 : i64, tpu.core_type = #tpu.core_type<sc_vector_subcore>, window_params = [{transform_indices = #map}, {transform_indices = #map}, {transform_indices = #map}]} {
    %mul3A = arith.constant 2 : i32
    %mul3A_0 = arith.muli %arg1, %mul3A : i32
    %add3A = arith.addi %mul3A_0, %arg0 : i32
    %iota3A = tpu.iota {dimensions = array<i32: 0>} : vector<16xi32>
    %scan3A = arith.constant 0 : i32
    %scan3A_1 = arith.constant 0 : i32
    %scan3A_2 = arith.constant 16 : i32
    %scan3A_3 = arith.addi %scan3A_1, %scan3A_2 : i32
    %scan3A_4 = arith.constant 1 : i32
    %scan3A_5 = scf.for %scan3A_7 = %scan3A_1 to %scan3A_3 step %scan3A_4 iter_args(%scan3A_8 = %scan3A) -> (i32)  : i32 {
      %mul3A_9 = arith.constant 2048 : i32
      %mul3A_10 = arith.muli %add3A, %mul3A_9 : i32
      %mul3A_11 = arith.constant 128 : i32
      %mul3A_12 = arith.muli %scan3A_7, %mul3A_11 : i32
      %add3A_13 = arith.addi %mul3A_10, %mul3A_12 : i32
      "tpu.region"() ({
        %run_scoped3A = tpu.sem_alloc : memref<!tpu.dma_semaphore, #tpu.memory_space<semaphore_mem>>
        %dma_start3A = arith.constant 0 : i32
        %dma_start3A_22 = tpu.memref_slice %arg2[%add3A_13, %dma_start3A] : memref<65536x64xf32, #tpu.memory_space<hbm>> -> memref<128x64xf32, #tpu.memory_space<hbm>>
        %dma_start3A_23 = arith.constant 0 : i32
        %dma_start3A_24 = tpu.memref_slice %arg2[%add3A_13, %dma_start3A_23] : memref<65536x64xf32, #tpu.memory_space<hbm>> -> memref<128x64xf32, #tpu.memory_space<hbm>>
        tpu.enqueue_dma source(%dma_start3A_24 : memref<128x64xf32, #tpu.memory_space<hbm>>) target(%arg5 : memref<128x64xf32, #tpu.memory_space<vmem>>) target_semaphore(%run_scoped3A : memref<!tpu.dma_semaphore, #tpu.memory_space<semaphore_mem>>)
        %dma_wait3A = arith.constant 0 : i32
        %dma_wait3A_25 = tpu.memref_slice %arg2[%add3A_13, %dma_wait3A] : memref<65536x64xf32, #tpu.memory_space<hbm>> -> memref<128x64xf32, #tpu.memory_space<hbm>>
        %dma_wait3A_26 = arith.constant 0 : i32
        %dma_wait3A_27 = tpu.memref_slice %arg2[%add3A_13, %dma_wait3A_26] : memref<65536x64xf32, #tpu.memory_space<hbm>> -> memref<128x64xf32, #tpu.memory_space<hbm>>
        tpu.wait_dma2 semaphore(%run_scoped3A : memref<!tpu.dma_semaphore, #tpu.memory_space<semaphore_mem>>) src(%dma_wait3A_27 : memref<128x64xf32, #tpu.memory_space<hbm>>) dst(%arg5 : memref<128x64xf32, #tpu.memory_space<vmem>>)
        tpu.yield
      }) : () -> ()
      "tpu.region"() ({
        %run_scoped3A = tpu.sem_alloc : memref<!tpu.dma_semaphore, #tpu.memory_space<semaphore_mem>>
        %dma_start3A = arith.constant 0 : i32
        %dma_start3A_22 = tpu.memref_slice %arg3[%add3A_13, %dma_start3A] : memref<65536x64xf32, #tpu.memory_space<hbm>> -> memref<128x64xf32, #tpu.memory_space<hbm>>
        %dma_start3A_23 = arith.constant 0 : i32
        %dma_start3A_24 = tpu.memref_slice %arg3[%add3A_13, %dma_start3A_23] : memref<65536x64xf32, #tpu.memory_space<hbm>> -> memref<128x64xf32, #tpu.memory_space<hbm>>
        tpu.enqueue_dma source(%dma_start3A_24 : memref<128x64xf32, #tpu.memory_space<hbm>>) target(%arg6 : memref<128x64xf32, #tpu.memory_space<vmem>>) target_semaphore(%run_scoped3A : memref<!tpu.dma_semaphore, #tpu.memory_space<semaphore_mem>>)
        %dma_wait3A = arith.constant 0 : i32
        %dma_wait3A_25 = tpu.memref_slice %arg3[%add3A_13, %dma_wait3A] : memref<65536x64xf32, #tpu.memory_space<hbm>> -> memref<128x64xf32, #tpu.memory_space<hbm>>
        %dma_wait3A_26 = arith.constant 0 : i32
        %dma_wait3A_27 = tpu.memref_slice %arg3[%add3A_13, %dma_wait3A_26] : memref<65536x64xf32, #tpu.memory_space<hbm>> -> memref<128x64xf32, #tpu.memory_space<hbm>>
        tpu.wait_dma2 semaphore(%run_scoped3A : memref<!tpu.dma_semaphore, #tpu.memory_space<semaphore_mem>>) src(%dma_wait3A_27 : memref<128x64xf32, #tpu.memory_space<hbm>>) dst(%arg6 : memref<128x64xf32, #tpu.memory_space<vmem>>)
        tpu.yield
      }) : () -> ()
      %scan3A_14 = arith.constant 0 : i32
      %scan3A_15 = arith.constant 0 : i32
      %scan3A_16 = arith.constant 64 : i32
      %scan3A_17 = arith.addi %scan3A_15, %scan3A_16 : i32
      %scan3A_18 = arith.constant 1 : i32
      %scan3A_19 = scf.for %scan3A_22 = %scan3A_15 to %scan3A_17 step %scan3A_18 iter_args(%scan3A_23 = %scan3A_14) -> (i32)  : i32 {
        %mul3A_24 = arith.constant 2 : i32
        %mul3A_25 = arith.muli %mul3A_24, %scan3A_22 : i32
        %broadcast_in_dim3A = vector.broadcast %mul3A_25 : i32 to vector<16xi32>
        %get3A = arith.index_cast %mul3A_25 : i32 to index
        %get3A_26 = arith.constant 0 : index
        %get3A_27 = tpu.vector_load %arg5[%get3A, %get3A_26] {strides = array<i32>} : memref<128x64xf32, #tpu.memory_space<vmem>>, vector<16xf32>,
        %get3A_28 = arith.index_cast %mul3A_25 : i32 to index
        %get3A_29 = arith.constant 16 : index
        %get3A_30 = tpu.vector_load %arg5[%get3A_28, %get3A_29] {strides = array<i32>} : memref<128x64xf32, #tpu.memory_space<vmem>>, vector<16xf32>,
        %get3A_31 = arith.index_cast %mul3A_25 : i32 to index
        %get3A_32 = arith.constant 32 : index
        %get3A_33 = tpu.vector_load %arg5[%get3A_31, %get3A_32] {strides = array<i32>} : memref<128x64xf32, #tpu.memory_space<vmem>>, vector<16xf32>,
        %get3A_34 = arith.index_cast %mul3A_25 : i32 to index
        %get3A_35 = arith.constant 48 : index
        %get3A_36 = tpu.vector_load %arg5[%get3A_34, %get3A_35] {strides = array<i32>} : memref<128x64xf32, #tpu.memory_space<vmem>>, vector<16xf32>,
        %add3A_37 = arith.constant 1 : i32
        %add3A_38 = vector.broadcast %add3A_37 : i32 to vector<16xi32>
        %add3A_39 = arith.addi %iota3A, %add3A_38 : vector<16xi32>
        %min3A = arith.constant 63 : i32
        %min3A_40 = vector.broadcast %min3A : i32 to vector<16xi32>
        %min3A_41 = arith.minsi %add3A_39, %min3A_40 : vector<16xi32>
        %gather3A = tpu.vector_load_idx %arg5[%broadcast_in_dim3A, %min3A_41] : memref<128x64xf32, #tpu.memory_space<vmem>>[vector<16xi32>, vector<16xi32>], vector<16xf32>,
        %add3A_42 = arith.constant 17 : i32
        %add3A_43 = vector.broadcast %add3A_42 : i32 to vector<16xi32>
        %add3A_44 = arith.addi %iota3A, %add3A_43 : vector<16xi32>
        %min3A_45 = arith.constant 63 : i32
        %min3A_46 = vector.broadcast %min3A_45 : i32 to vector<16xi32>
        %min3A_47 = arith.minsi %add3A_44, %min3A_46 : vector<16xi32>
        %gather3A_48 = tpu.vector_load_idx %arg5[%broadcast_in_dim3A, %min3A_47] : memref<128x64xf32, #tpu.memory_space<vmem>>[vector<16xi32>, vector<16xi32>], vector<16xf32>,
        %add3A_49 = arith.constant 33 : i32
        %add3A_50 = vector.broadcast %add3A_49 : i32 to vector<16xi32>
        %add3A_51 = arith.addi %iota3A, %add3A_50 : vector<16xi32>
        %min3A_52 = arith.constant 63 : i32
        %min3A_53 = vector.broadcast %min3A_52 : i32 to vector<16xi32>
        %min3A_54 = arith.minsi %add3A_51, %min3A_53 : vector<16xi32>
        %gather3A_55 = tpu.vector_load_idx %arg5[%broadcast_in_dim3A, %min3A_54] : memref<128x64xf32, #tpu.memory_space<vmem>>[vector<16xi32>, vector<16xi32>], vector<16xf32>,
        %add3A_56 = arith.constant 49 : i32
        %add3A_57 = vector.broadcast %add3A_56 : i32 to vector<16xi32>
        %add3A_58 = arith.addi %iota3A, %add3A_57 : vector<16xi32>
        %min3A_59 = arith.constant 63 : i32
        %min3A_60 = vector.broadcast %min3A_59 : i32 to vector<16xi32>
        %min3A_61 = arith.minsi %add3A_58, %min3A_60 : vector<16xi32>
        %gather3A_62 = tpu.vector_load_idx %arg5[%broadcast_in_dim3A, %min3A_61] : memref<128x64xf32, #tpu.memory_space<vmem>>[vector<16xi32>, vector<16xi32>], vector<16xf32>,
        %add3A_63 = arith.constant 1 : i32
        %add3A_64 = vector.broadcast %add3A_63 : i32 to vector<16xi32>
        %add3A_65 = arith.addi %iota3A, %add3A_64 : vector<16xi32>
        %min3A_66 = arith.constant 63 : i32
        %min3A_67 = vector.broadcast %min3A_66 : i32 to vector<16xi32>
        %min3A_68 = arith.minsi %add3A_65, %min3A_67 : vector<16xi32>
        %gather3A_69 = tpu.vector_load_idx %arg6[%broadcast_in_dim3A, %min3A_68] : memref<128x64xf32, #tpu.memory_space<vmem>>[vector<16xi32>, vector<16xi32>], vector<16xf32>,
        %add3A_70 = arith.constant 17 : i32
        %add3A_71 = vector.broadcast %add3A_70 : i32 to vector<16xi32>
        %add3A_72 = arith.addi %iota3A, %add3A_71 : vector<16xi32>
        %min3A_73 = arith.constant 63 : i32
        %min3A_74 = vector.broadcast %min3A_73 : i32 to vector<16xi32>
        %min3A_75 = arith.minsi %add3A_72, %min3A_74 : vector<16xi32>
        %gather3A_76 = tpu.vector_load_idx %arg6[%broadcast_in_dim3A, %min3A_75] : memref<128x64xf32, #tpu.memory_space<vmem>>[vector<16xi32>, vector<16xi32>], vector<16xf32>,
        %add3A_77 = arith.constant 33 : i32
        %add3A_78 = vector.broadcast %add3A_77 : i32 to vector<16xi32>
        %add3A_79 = arith.addi %iota3A, %add3A_78 : vector<16xi32>
        %min3A_80 = arith.constant 63 : i32
        %min3A_81 = vector.broadcast %min3A_80 : i32 to vector<16xi32>
        %min3A_82 = arith.minsi %add3A_79, %min3A_81 : vector<16xi32>
        %gather3A_83 = tpu.vector_load_idx %arg6[%broadcast_in_dim3A, %min3A_82] : memref<128x64xf32, #tpu.memory_space<vmem>>[vector<16xi32>, vector<16xi32>], vector<16xf32>,
        %add3A_84 = arith.constant 49 : i32
        %add3A_85 = vector.broadcast %add3A_84 : i32 to vector<16xi32>
        %add3A_86 = arith.addi %iota3A, %add3A_85 : vector<16xi32>
        %min3A_87 = arith.constant 63 : i32
        %min3A_88 = vector.broadcast %min3A_87 : i32 to vector<16xi32>
        %min3A_89 = arith.minsi %add3A_86, %min3A_88 : vector<16xi32>
        %gather3A_90 = tpu.vector_load_idx %arg6[%broadcast_in_dim3A, %min3A_89] : memref<128x64xf32, #tpu.memory_space<vmem>>[vector<16xi32>, vector<16xi32>], vector<16xf32>,
        %add3A_91 = arith.addf %get3A_27, %gather3A : vector<16xf32>
        %mul3A_92 = arith.constant 5.000000e-01 : f32
        %mul3A_93 = vector.broadcast %mul3A_92 : f32 to vector<16xf32>
        %mul3A_94 = arith.mulf %mul3A_93, %add3A_91 : vector<16xf32>
        %swap3A = arith.constant 0 : index
        %swap3A_95 = tpu.vector_load %arg9[%swap3A] {strides = array<i32>} : memref<64xf32, #tpu.memory_space<vmem>>, vector<16xf32>,
        tpu.vector_store %arg9[%swap3A], %mul3A_94 {strides = array<i32>} : memref<64xf32, #tpu.memory_space<vmem>>, vector<16xf32>,
        %add3A_96 = arith.addf %get3A_30, %gather3A_48 : vector<16xf32>
        %mul3A_97 = arith.constant 5.000000e-01 : f32
        %mul3A_98 = vector.broadcast %mul3A_97 : f32 to vector<16xf32>
        %mul3A_99 = arith.mulf %mul3A_98, %add3A_96 : vector<16xf32>
        %swap3A_100 = arith.constant 16 : index
        %swap3A_101 = tpu.vector_load %arg9[%swap3A_100] {strides = array<i32>} : memref<64xf32, #tpu.memory_space<vmem>>, vector<16xf32>,
        tpu.vector_store %arg9[%swap3A_100], %mul3A_99 {strides = array<i32>} : memref<64xf32, #tpu.memory_space<vmem>>, vector<16xf32>,
        %add3A_102 = arith.addf %get3A_33, %gather3A_55 : vector<16xf32>
        %mul3A_103 = arith.constant 5.000000e-01 : f32
        %mul3A_104 = vector.broadcast %mul3A_103 : f32 to vector<16xf32>
        %mul3A_105 = arith.mulf %mul3A_104, %add3A_102 : vector<16xf32>
        %swap3A_106 = arith.constant 32 : index
        %swap3A_107 = tpu.vector_load %arg9[%swap3A_106] {strides = array<i32>} : memref<64xf32, #tpu.memory_space<vmem>>, vector<16xf32>,
        tpu.vector_store %arg9[%swap3A_106], %mul3A_105 {strides = array<i32>} : memref<64xf32, #tpu.memory_space<vmem>>, vector<16xf32>,
        %add3A_108 = arith.addf %get3A_36, %gather3A_62 : vector<16xf32>
        %mul3A_109 = arith.constant 5.000000e-01 : f32
        %mul3A_110 = vector.broadcast %mul3A_109 : f32 to vector<16xf32>
        %mul3A_111 = arith.mulf %mul3A_110, %add3A_108 : vector<16xf32>
        %swap3A_112 = arith.constant 48 : index
        %swap3A_113 = tpu.vector_load %arg9[%swap3A_112] {strides = array<i32>} : memref<64xf32, #tpu.memory_space<vmem>>, vector<16xf32>,
        tpu.vector_store %arg9[%swap3A_112], %mul3A_111 {strides = array<i32>} : memref<64xf32, #tpu.memory_space<vmem>>, vector<16xf32>,
        %add3A_114 = arith.constant 9.99999974E-6 : f32
        %add3A_115 = vector.broadcast %add3A_114 : f32 to vector<16xf32>
        %add3A_116 = arith.addf %gather3A_69, %add3A_115 : vector<16xf32>
        %broadcast_in_dim3A_117 = arith.constant true
        %broadcast_in_dim3A_118 = vector.broadcast %broadcast_in_dim3A_117 : i1 to vector<16xi1>
        %masked_cumsum3A = tpu.scan <sum>, %add3A_116 masked %broadcast_in_dim3A_118 : vector<16xf32>, vector<16xi1> -> vector<16xf32>
        %add3A_119 = arith.constant 0.000000e+00 : f32
        %add3A_120 = vector.broadcast %add3A_119 : f32 to vector<16xf32>
        %add3A_121 = arith.addf %masked_cumsum3A, %add3A_120 : vector<16xf32>
        %reduce_max3A = arith.constant true
        %reduce_max3A_122 = vector.broadcast %reduce_max3A : i1 to vector<16xi1>
        %reduce_max3A_123 = tpu.scan <max>, %add3A_121 masked %reduce_max3A_122 : vector<16xf32>, vector<16xi1> -> vector<16xf32>
        %reduce_max3A_124 = vector.extract %reduce_max3A_123[15] : f32 from vector<16xf32>
        %add3A_125 = arith.constant 9.99999974E-6 : f32
        %add3A_126 = vector.broadcast %add3A_125 : f32 to vector<16xf32>
        %add3A_127 = arith.addf %gather3A_76, %add3A_126 : vector<16xf32>
        %broadcast_in_dim3A_128 = arith.constant true
        %broadcast_in_dim3A_129 = vector.broadcast %broadcast_in_dim3A_128 : i1 to vector<16xi1>
        %masked_cumsum3A_130 = tpu.scan <sum>, %add3A_127 masked %broadcast_in_dim3A_129 : vector<16xf32>, vector<16xi1> -> vector<16xf32>
        %add3A_131 = vector.broadcast %reduce_max3A_124 : f32 to vector<16xf32>
        %add3A_132 = arith.addf %masked_cumsum3A_130, %add3A_131 : vector<16xf32>
        %reduce_max3A_133 = arith.constant true
        %reduce_max3A_134 = vector.broadcast %reduce_max3A_133 : i1 to vector<16xi1>
        %reduce_max3A_135 = tpu.scan <max>, %add3A_132 masked %reduce_max3A_134 : vector<16xf32>, vector<16xi1> -> vector<16xf32>
        %reduce_max3A_136 = vector.extract %reduce_max3A_135[15] : f32 from vector<16xf32>
        %add3A_137 = arith.constant 9.99999974E-6 : f32
        %add3A_138 = vector.broadcast %add3A_137 : f32 to vector<16xf32>
        %add3A_139 = arith.addf %gather3A_83, %add3A_138 : vector<16xf32>
        %broadcast_in_dim3A_140 = arith.constant true
        %broadcast_in_dim3A_141 = vector.broadcast %broadcast_in_dim3A_140 : i1 to vector<16xi1>
        %masked_cumsum3A_142 = tpu.scan <sum>, %add3A_139 masked %broadcast_in_dim3A_141 : vector<16xf32>, vector<16xi1> -> vector<16xf32>
        %add3A_143 = vector.broadcast %reduce_max3A_136 : f32 to vector<16xf32>
        %add3A_144 = arith.addf %masked_cumsum3A_142, %add3A_143 : vector<16xf32>
        %reduce_max3A_145 = arith.constant true
        %reduce_max3A_146 = vector.broadcast %reduce_max3A_145 : i1 to vector<16xi1>
        %reduce_max3A_147 = tpu.scan <max>, %add3A_144 masked %reduce_max3A_146 : vector<16xf32>, vector<16xi1> -> vector<16xf32>
        %reduce_max3A_148 = vector.extract %reduce_max3A_147[15] : f32 from vector<16xf32>
        %add3A_149 = arith.constant 9.99999974E-6 : f32
        %add3A_150 = vector.broadcast %add3A_149 : f32 to vector<16xf32>
        %add3A_151 = arith.addf %gather3A_90, %add3A_150 : vector<16xf32>
        %lt3A = arith.constant 14 : i32
        %lt3A_152 = vector.broadcast %lt3A : i32 to vector<16xi32>
        %lt3A_153 = arith.cmpi slt, %iota3A, %lt3A_152 : vector<16xi32>
        %jit3A = arith.constant 0.000000e+00 : f32
        %broadcast_in_dim3A_154 = vector.broadcast %jit3A : f32 to vector<16xf32>
        %select_n3A = arith.select %lt3A_153, %add3A_151, %broadcast_in_dim3A_154 : vector<16xi1>, vector<16xf32>
        %broadcast_in_dim3A_155 = arith.constant true
        %broadcast_in_dim3A_156 = vector.broadcast %broadcast_in_dim3A_155 : i1 to vector<16xi1>
        %masked_cumsum3A_157 = tpu.scan <sum>, %select_n3A masked %broadcast_in_dim3A_156 : vector<16xf32>, vector<16xi1> -> vector<16xf32>
        %add3A_158 = vector.broadcast %reduce_max3A_148 : f32 to vector<16xf32>
        %add3A_159 = arith.addf %masked_cumsum3A_157, %add3A_158 : vector<16xf32>
        %reduce_max3A_160 = arith.constant true
        %reduce_max3A_161 = vector.broadcast %reduce_max3A_160 : i1 to vector<16xi1>
        %reduce_max3A_162 = tpu.scan <max>, %add3A_159 masked %reduce_max3A_161 : vector<16xf32>, vector<16xi1> -> vector<16xf32>
        %reduce_max3A_163 = vector.extract %reduce_max3A_162[15] : f32 from vector<16xf32>
        %broadcast_in_dim3A_164 = vector.broadcast %reduce_max3A_163 : f32 to vector<16xf32>
        %div3A = arith.constant 1.000000e+00 : f32
        %div3A_165 = vector.broadcast %div3A : f32 to vector<16xf32>
        %div3A_166 = arith.divf %div3A_165, %broadcast_in_dim3A_164 : vector<16xf32>
        %broadcast_in_dim3A_167 = arith.constant 0.000000e+00 : f32
        %broadcast_in_dim3A_168 = vector.broadcast %broadcast_in_dim3A_167 : f32 to vector<16xf32>
        %swap3A_169 = arith.constant 0 : index
        %swap3A_170 = tpu.vector_load %arg8[%swap3A_169] {strides = array<i32>} : memref<64xf32, #tpu.memory_space<vmem>>, vector<16xf32>,
        tpu.vector_store %arg8[%swap3A_169], %broadcast_in_dim3A_168 {strides = array<i32>} : memref<64xf32, #tpu.memory_space<vmem>>, vector<16xf32>,
        %mul3A_171 = arith.mulf %add3A_121, %div3A_166 : vector<16xf32>
        %add3A_172 = arith.constant 1 : i32
        %add3A_173 = vector.broadcast %add3A_172 : i32 to vector<16xi32>
        %add3A_174 = arith.addi %iota3A, %add3A_173 : vector<16xi32>
        tpu.vector_store_idx %arg8[%add3A_174], %mul3A_171 : memref<64xf32, #tpu.memory_space<vmem>>[vector<16xi32>], vector<16xf32>,
        %mul3A_175 = arith.mulf %add3A_132, %div3A_166 : vector<16xf32>
        %add3A_176 = arith.constant 17 : i32
        %add3A_177 = vector.broadcast %add3A_176 : i32 to vector<16xi32>
        %add3A_178 = arith.addi %iota3A, %add3A_177 : vector<16xi32>
        tpu.vector_store_idx %arg8[%add3A_178], %mul3A_175 : memref<64xf32, #tpu.memory_space<vmem>>[vector<16xi32>], vector<16xf32>,
        %mul3A_179 = arith.mulf %add3A_144, %div3A_166 : vector<16xf32>
        %add3A_180 = arith.constant 33 : i32
        %add3A_181 = vector.broadcast %add3A_180 : i32 to vector<16xi32>
        %add3A_182 = arith.addi %iota3A, %add3A_181 : vector<16xi32>
        tpu.vector_store_idx %arg8[%add3A_182], %mul3A_179 : memref<64xf32, #tpu.memory_space<vmem>>[vector<16xi32>], vector<16xf32>,
        %mul3A_183 = arith.mulf %add3A_159, %div3A_166 : vector<16xf32>
        %lt3A_184 = arith.constant 14 : i32
        %lt3A_185 = vector.broadcast %lt3A_184 : i32 to vector<16xi32>
        %lt3A_186 = arith.cmpi slt, %iota3A, %lt3A_185 : vector<16xi32>
        %add3A_187 = arith.constant 49 : i32
        %add3A_188 = vector.broadcast %add3A_187 : i32 to vector<16xi32>
        %add3A_189 = arith.addi %iota3A, %add3A_188 : vector<16xi32>
        tpu.vector_store_idx %arg8[%add3A_189], %mul3A_183 masked %lt3A_186 : memref<64xf32, #tpu.memory_space<vmem>>[vector<16xi32>], vector<16xf32>, vector<16xi1>
        %broadcast_in_dim3A_190 = arith.constant 0 : i32
        %broadcast_in_dim3A_191 = vector.broadcast %broadcast_in_dim3A_190 : i32 to vector<16xi32>
        %swap3A_192 = arith.constant 0 : index
        %swap3A_193 = tpu.vector_load %arg10[%swap3A_192] {strides = array<i32>} : memref<128xi32, #tpu.memory_space<vmem>>, vector<16xi32>,
        tpu.vector_store %arg10[%swap3A_192], %broadcast_in_dim3A_191 {strides = array<i32>} : memref<128xi32, #tpu.memory_space<vmem>>, vector<16xi32>,
        %broadcast_in_dim3A_194 = arith.constant 0 : i32
        %broadcast_in_dim3A_195 = vector.broadcast %broadcast_in_dim3A_194 : i32 to vector<16xi32>
        %swap3A_196 = arith.constant 16 : index
        %swap3A_197 = tpu.vector_load %arg10[%swap3A_196] {strides = array<i32>} : memref<128xi32, #tpu.memory_space<vmem>>, vector<16xi32>,
        tpu.vector_store %arg10[%swap3A_196], %broadcast_in_dim3A_195 {strides = array<i32>} : memref<128xi32, #tpu.memory_space<vmem>>, vector<16xi32>,
        %broadcast_in_dim3A_198 = arith.constant 0 : i32
        %broadcast_in_dim3A_199 = vector.broadcast %broadcast_in_dim3A_198 : i32 to vector<16xi32>
        %swap3A_200 = arith.constant 32 : index
        %swap3A_201 = tpu.vector_load %arg10[%swap3A_200] {strides = array<i32>} : memref<128xi32, #tpu.memory_space<vmem>>, vector<16xi32>,
        tpu.vector_store %arg10[%swap3A_200], %broadcast_in_dim3A_199 {strides = array<i32>} : memref<128xi32, #tpu.memory_space<vmem>>, vector<16xi32>,
        %broadcast_in_dim3A_202 = arith.constant 0 : i32
        %broadcast_in_dim3A_203 = vector.broadcast %broadcast_in_dim3A_202 : i32 to vector<16xi32>
        %swap3A_204 = arith.constant 48 : index
        %swap3A_205 = tpu.vector_load %arg10[%swap3A_204] {strides = array<i32>} : memref<128xi32, #tpu.memory_space<vmem>>, vector<16xi32>,
        tpu.vector_store %arg10[%swap3A_204], %broadcast_in_dim3A_203 {strides = array<i32>} : memref<128xi32, #tpu.memory_space<vmem>>, vector<16xi32>,
        %broadcast_in_dim3A_206 = arith.constant 0 : i32
        %broadcast_in_dim3A_207 = vector.broadcast %broadcast_in_dim3A_206 : i32 to vector<16xi32>
        %swap3A_208 = arith.constant 64 : index
        %swap3A_209 = tpu.vector_load %arg10[%swap3A_208] {strides = array<i32>} : memref<128xi32, #tpu.memory_space<vmem>>, vector<16xi32>,
        tpu.vector_store %arg10[%swap3A_208], %broadcast_in_dim3A_207 {strides = array<i32>} : memref<128xi32, #tpu.memory_space<vmem>>, vector<16xi32>,
        %broadcast_in_dim3A_210 = arith.constant 0 : i32
        %broadcast_in_dim3A_211 = vector.broadcast %broadcast_in_dim3A_210 : i32 to vector<16xi32>
        %swap3A_212 = arith.constant 80 : index
        %swap3A_213 = tpu.vector_load %arg10[%swap3A_212] {strides = array<i32>} : memref<128xi32, #tpu.memory_space<vmem>>, vector<16xi32>,
        tpu.vector_store %arg10[%swap3A_212], %broadcast_in_dim3A_211 {strides = array<i32>} : memref<128xi32, #tpu.memory_space<vmem>>, vector<16xi32>,
        %broadcast_in_dim3A_214 = arith.constant 0 : i32
        %broadcast_in_dim3A_215 = vector.broadcast %broadcast_in_dim3A_214 : i32 to vector<16xi32>
        %swap3A_216 = arith.constant 96 : index
        %swap3A_217 = tpu.vector_load %arg10[%swap3A_216] {strides = array<i32>} : memref<128xi32, #tpu.memory_space<vmem>>, vector<16xi32>,
        tpu.vector_store %arg10[%swap3A_216], %broadcast_in_dim3A_215 {strides = array<i32>} : memref<128xi32, #tpu.memory_space<vmem>>, vector<16xi32>,
        %broadcast_in_dim3A_218 = arith.constant 0 : i32
        %broadcast_in_dim3A_219 = vector.broadcast %broadcast_in_dim3A_218 : i32 to vector<16xi32>
        %swap3A_220 = arith.constant 112 : index
        %swap3A_221 = tpu.vector_load %arg10[%swap3A_220] {strides = array<i32>} : memref<128xi32, #tpu.memory_space<vmem>>, vector<16xi32>,
        tpu.vector_store %arg10[%swap3A_220], %broadcast_in_dim3A_219 {strides = array<i32>} : memref<128xi32, #tpu.memory_space<vmem>>, vector<16xi32>,
        %broadcast_in_dim3A_222 = arith.constant 1 : i32
        %broadcast_in_dim3A_223 = vector.broadcast %broadcast_in_dim3A_222 : i32 to vector<16xi32>
        %mul3A_224 = arith.constant 1.270000e+02 : f32
        %mul3A_225 = vector.broadcast %mul3A_224 : f32 to vector<16xf32>
        %mul3A_226 = arith.mulf %mul3A_225, %mul3A_171 : vector<16xf32>
        %convert_element_type3A = arith.fptosi %mul3A_226 : vector<16xf32> to vector<16xi32>
        %convert_element_type3A_227 = arith.sitofp %convert_element_type3A : vector<16xi32> to vector<16xf32>
        %lt3A_228 = arith.cmpf olt, %convert_element_type3A_227, %mul3A_226 : vector<16xf32>
        %convert_element_type3A_229 = arith.extui %lt3A_228 : vector<16xi1> to vector<16xi32>
        %add3A_230 = arith.addi %convert_element_type3A, %convert_element_type3A_229 : vector<16xi32>
        %le3A = arith.constant 127 : i32
        %le3A_231 = vector.broadcast %le3A : i32 to vector<16xi32>
        %le3A_232 = arith.cmpi sle, %add3A_230, %le3A_231 : vector<16xi32>
        %min3A_233 = arith.constant 127 : i32
        %min3A_234 = vector.broadcast %min3A_233 : i32 to vector<16xi32>
        %min3A_235 = arith.minsi %add3A_230, %min3A_234 : vector<16xi32>
        tpu.vector_store_idx %arg10[%min3A_235], %broadcast_in_dim3A_223 masked %le3A_232 {add = true} : memref<128xi32, #tpu.memory_space<vmem>>[vector<16xi32>], vector<16xi32>, vector<16xi1>
        %mul3A_236 = arith.constant 1.270000e+02 : f32
        %mul3A_237 = vector.broadcast %mul3A_236 : f32 to vector<16xf32>
        %mul3A_238 = arith.mulf %mul3A_237, %mul3A_175 : vector<16xf32>
        %convert_element_type3A_239 = arith.fptosi %mul3A_238 : vector<16xf32> to vector<16xi32>
        %convert_element_type3A_240 = arith.sitofp %convert_element_type3A_239 : vector<16xi32> to vector<16xf32>
        %lt3A_241 = arith.cmpf olt, %convert_element_type3A_240, %mul3A_238 : vector<16xf32>
        %convert_element_type3A_242 = arith.extui %lt3A_241 : vector<16xi1> to vector<16xi32>
        %add3A_243 = arith.addi %convert_element_type3A_239, %convert_element_type3A_242 : vector<16xi32>
        %le3A_244 = arith.constant 127 : i32
        %le3A_245 = vector.broadcast %le3A_244 : i32 to vector<16xi32>
        %le3A_246 = arith.cmpi sle, %add3A_243, %le3A_245 : vector<16xi32>
        %min3A_247 = arith.constant 127 : i32
        %min3A_248 = vector.broadcast %min3A_247 : i32 to vector<16xi32>
        %min3A_249 = arith.minsi %add3A_243, %min3A_248 : vector<16xi32>
        tpu.vector_store_idx %arg10[%min3A_249], %broadcast_in_dim3A_223 masked %le3A_246 {add = true} : memref<128xi32, #tpu.memory_space<vmem>>[vector<16xi32>], vector<16xi32>, vector<16xi1>
        %mul3A_250 = arith.constant 1.270000e+02 : f32
        %mul3A_251 = vector.broadcast %mul3A_250 : f32 to vector<16xf32>
        %mul3A_252 = arith.mulf %mul3A_251, %mul3A_179 : vector<16xf32>
        %convert_element_type3A_253 = arith.fptosi %mul3A_252 : vector<16xf32> to vector<16xi32>
        %convert_element_type3A_254 = arith.sitofp %convert_element_type3A_253 : vector<16xi32> to vector<16xf32>
        %lt3A_255 = arith.cmpf olt, %convert_element_type3A_254, %mul3A_252 : vector<16xf32>
        %convert_element_type3A_256 = arith.extui %lt3A_255 : vector<16xi1> to vector<16xi32>
        %add3A_257 = arith.addi %convert_element_type3A_253, %convert_element_type3A_256 : vector<16xi32>
        %le3A_258 = arith.constant 127 : i32
        %le3A_259 = vector.broadcast %le3A_258 : i32 to vector<16xi32>
        %le3A_260 = arith.cmpi sle, %add3A_257, %le3A_259 : vector<16xi32>
        %min3A_261 = arith.constant 127 : i32
        %min3A_262 = vector.broadcast %min3A_261 : i32 to vector<16xi32>
        %min3A_263 = arith.minsi %add3A_257, %min3A_262 : vector<16xi32>
        tpu.vector_store_idx %arg10[%min3A_263], %broadcast_in_dim3A_223 masked %le3A_260 {add = true} : memref<128xi32, #tpu.memory_space<vmem>>[vector<16xi32>], vector<16xi32>, vector<16xi1>
        %mul3A_264 = arith.constant 1.270000e+02 : f32
        %mul3A_265 = vector.broadcast %mul3A_264 : f32 to vector<16xf32>
        %mul3A_266 = arith.mulf %mul3A_265, %mul3A_183 : vector<16xf32>
        %convert_element_type3A_267 = arith.fptosi %mul3A_266 : vector<16xf32> to vector<16xi32>
        %convert_element_type3A_268 = arith.sitofp %convert_element_type3A_267 : vector<16xi32> to vector<16xf32>
        %lt3A_269 = arith.cmpf olt, %convert_element_type3A_268, %mul3A_266 : vector<16xf32>
        %convert_element_type3A_270 = arith.extui %lt3A_269 : vector<16xi1> to vector<16xi32>
        %add3A_271 = arith.addi %convert_element_type3A_267, %convert_element_type3A_270 : vector<16xi32>
        %le3A_272 = arith.constant 127 : i32
        %le3A_273 = vector.broadcast %le3A_272 : i32 to vector<16xi32>
        %le3A_274 = arith.cmpi sle, %add3A_271, %le3A_273 : vector<16xi32>
        %lt3A_275 = arith.constant 14 : i32
        %lt3A_276 = vector.broadcast %lt3A_275 : i32 to vector<16xi32>
        %lt3A_277 = arith.cmpi slt, %iota3A, %lt3A_276 : vector<16xi32>
        %and3A = arith.andi %le3A_274, %lt3A_277 : vector<16xi1>
        %min3A_278 = arith.constant 127 : i32
        %min3A_279 = vector.broadcast %min3A_278 : i32 to vector<16xi32>
        %min3A_280 = arith.minsi %add3A_271, %min3A_279 : vector<16xi32>
        tpu.vector_store_idx %arg10[%min3A_280], %broadcast_in_dim3A_223 masked %and3A {add = true} : memref<128xi32, #tpu.memory_space<vmem>>[vector<16xi32>], vector<16xi32>, vector<16xi1>
        %get3A_281 = arith.constant 0 : index
        %get3A_282 = tpu.vector_load %arg10[%get3A_281] {strides = array<i32>} : memref<128xi32, #tpu.memory_space<vmem>>, vector<16xi32>,
        %broadcast_in_dim3A_283 = arith.constant true
        %broadcast_in_dim3A_284 = vector.broadcast %broadcast_in_dim3A_283 : i1 to vector<16xi1>
        %masked_cumsum3A_285 = tpu.scan <sum>, %get3A_282 masked %broadcast_in_dim3A_284 : vector<16xi32>, vector<16xi1> -> vector<16xi32>
        %add3A_286 = arith.constant 0 : i32
        %add3A_287 = vector.broadcast %add3A_286 : i32 to vector<16xi32>
        %add3A_288 = arith.addi %masked_cumsum3A_285, %add3A_287 : vector<16xi32>
        %reduce_max3A_289 = arith.constant true
        %reduce_max3A_290 = vector.broadcast %reduce_max3A_289 : i1 to vector<16xi1>
        %reduce_max3A_291 = arith.constant -2147483648 : i32
        %reduce_max3A_292 = vector.broadcast %reduce_max3A_291 : i32 to vector<16xi32>
        %reduce_max3A_293 = arith.xori %add3A_288, %reduce_max3A_292 : vector<16xi32>
        %reduce_max3A_294 = tpu.scan <max>, %reduce_max3A_293 masked %reduce_max3A_290 : vector<16xi32>, vector<16xi1> -> vector<16xi32>
        %reduce_max3A_295 = arith.xori %reduce_max3A_294, %reduce_max3A_292 : vector<16xi32>
        %reduce_max3A_296 = vector.extract %reduce_max3A_295[15] : i32 from vector<16xi32>
        %add3A_297 = arith.constant 1 : i32
        %add3A_298 = vector.broadcast %add3A_297 : i32 to vector<16xi32>
        %add3A_299 = arith.addi %add3A_288, %add3A_298 : vector<16xi32>
        %min3A_300 = arith.constant 62 : i32
        %min3A_301 = vector.broadcast %min3A_300 : i32 to vector<16xi32>
        %min3A_302 = arith.minsi %add3A_299, %min3A_301 : vector<16xi32>
        %gather3A_303 = tpu.vector_load_idx %arg8[%add3A_288] : memref<64xf32, #tpu.memory_space<vmem>>[vector<16xi32>], vector<16xf32>,
        %gather3A_304 = tpu.vector_load_idx %arg8[%min3A_302] : memref<64xf32, #tpu.memory_space<vmem>>[vector<16xi32>], vector<16xf32>,
        %gather3A_305 = tpu.vector_load_idx %arg9[%add3A_288] : memref<64xf32, #tpu.memory_space<vmem>>[vector<16xi32>], vector<16xf32>,
        %gather3A_306 = tpu.vector_load_idx %arg9[%min3A_302] : memref<64xf32, #tpu.memory_space<vmem>>[vector<16xi32>], vector<16xf32>,
        %add3A_307 = arith.constant 0 : i32
        %add3A_308 = vector.broadcast %add3A_307 : i32 to vector<16xi32>
        %add3A_309 = arith.addi %iota3A, %add3A_308 : vector<16xi32>
        %convert_element_type3A_310 = arith.sitofp %add3A_309 : vector<16xi32> to vector<16xf32>
        %mul3A_311 = arith.constant 0.00787401571 : f32
        %mul3A_312 = vector.broadcast %mul3A_311 : f32 to vector<16xf32>
        %mul3A_313 = arith.mulf %convert_element_type3A_310, %mul3A_312 : vector<16xf32>
        %sub3A = arith.subf %gather3A_304, %gather3A_303 : vector<16xf32>
        %lt3A_314 = arith.constant 9.99999974E-6 : f32
        %lt3A_315 = vector.broadcast %lt3A_314 : f32 to vector<16xf32>
        %lt3A_316 = arith.cmpf olt, %sub3A, %lt3A_315 : vector<16xf32>
        %jit3A_317 = arith.constant 1.000000e+00 : f32
        %broadcast_in_dim3A_318 = vector.broadcast %jit3A_317 : f32 to vector<16xf32>
        %select_n3A_319 = arith.select %lt3A_316, %broadcast_in_dim3A_318, %sub3A : vector<16xi1>, vector<16xf32>
        %sub3A_320 = arith.subf %mul3A_313, %gather3A_303 : vector<16xf32>
        %div3A_321 = arith.divf %sub3A_320, %select_n3A_319 : vector<16xf32>
        %sub3A_322 = arith.subf %gather3A_306, %gather3A_305 : vector<16xf32>
        %mul3A_323 = arith.mulf %div3A_321, %sub3A_322 : vector<16xf32>
        %add3A_324 = arith.addf %gather3A_305, %mul3A_323 : vector<16xf32>
        %broadcast_in_dim3A_325 = arith.constant true
        %broadcast_in_dim3A_326 = vector.broadcast %broadcast_in_dim3A_325 : i1 to vector<16xi1>
        %masked_cummax3A = tpu.scan <max>, %add3A_324 masked %broadcast_in_dim3A_326 : vector<16xf32>, vector<16xi1> -> vector<16xf32>
        %max3A = arith.constant -1.000000e+30 : f32
        %max3A_327 = vector.broadcast %max3A : f32 to vector<16xf32>
        %max3A_328 = arith.maximumf %masked_cummax3A, %max3A_327 : vector<16xf32>
        %reduce_max3A_329 = arith.constant true
        %reduce_max3A_330 = vector.broadcast %reduce_max3A_329 : i1 to vector<16xi1>
        %reduce_max3A_331 = tpu.scan <max>, %max3A_328 masked %reduce_max3A_330 : vector<16xf32>, vector<16xi1> -> vector<16xf32>
        %reduce_max3A_332 = vector.extract %reduce_max3A_331[15] : f32 from vector<16xf32>
        %get3A_333 = arith.constant 16 : index
        %get3A_334 = tpu.vector_load %arg10[%get3A_333] {strides = array<i32>} : memref<128xi32, #tpu.memory_space<vmem>>, vector<16xi32>,
        %broadcast_in_dim3A_335 = arith.constant true
        %broadcast_in_dim3A_336 = vector.broadcast %broadcast_in_dim3A_335 : i1 to vector<16xi1>
        %masked_cumsum3A_337 = tpu.scan <sum>, %get3A_334 masked %broadcast_in_dim3A_336 : vector<16xi32>, vector<16xi1> -> vector<16xi32>
        %add3A_338 = vector.broadcast %reduce_max3A_296 : i32 to vector<16xi32>
        %add3A_339 = arith.addi %masked_cumsum3A_337, %add3A_338 : vector<16xi32>
        %reduce_max3A_340 = arith.constant true
        %reduce_max3A_341 = vector.broadcast %reduce_max3A_340 : i1 to vector<16xi1>
        %reduce_max3A_342 = arith.constant -2147483648 : i32
        %reduce_max3A_343 = vector.broadcast %reduce_max3A_342 : i32 to vector<16xi32>
        %reduce_max3A_344 = arith.xori %add3A_339, %reduce_max3A_343 : vector<16xi32>
        %reduce_max3A_345 = tpu.scan <max>, %reduce_max3A_344 masked %reduce_max3A_341 : vector<16xi32>, vector<16xi1> -> vector<16xi32>
        %reduce_max3A_346 = arith.xori %reduce_max3A_345, %reduce_max3A_343 : vector<16xi32>
        %reduce_max3A_347 = vector.extract %reduce_max3A_346[15] : i32 from vector<16xi32>
        %add3A_348 = arith.constant 1 : i32
        %add3A_349 = vector.broadcast %add3A_348 : i32 to vector<16xi32>
        %add3A_350 = arith.addi %add3A_339, %add3A_349 : vector<16xi32>
        %min3A_351 = arith.constant 62 : i32
        %min3A_352 = vector.broadcast %min3A_351 : i32 to vector<16xi32>
        %min3A_353 = arith.minsi %add3A_350, %min3A_352 : vector<16xi32>
        %gather3A_354 = tpu.vector_load_idx %arg8[%add3A_339] : memref<64xf32, #tpu.memory_space<vmem>>[vector<16xi32>], vector<16xf32>,
        %gather3A_355 = tpu.vector_load_idx %arg8[%min3A_353] : memref<64xf32, #tpu.memory_space<vmem>>[vector<16xi32>], vector<16xf32>,
        %gather3A_356 = tpu.vector_load_idx %arg9[%add3A_339] : memref<64xf32, #tpu.memory_space<vmem>>[vector<16xi32>], vector<16xf32>,
        %gather3A_357 = tpu.vector_load_idx %arg9[%min3A_353] : memref<64xf32, #tpu.memory_space<vmem>>[vector<16xi32>], vector<16xf32>,
        %add3A_358 = arith.constant 16 : i32
        %add3A_359 = vector.broadcast %add3A_358 : i32 to vector<16xi32>
        %add3A_360 = arith.addi %iota3A, %add3A_359 : vector<16xi32>
        %convert_element_type3A_361 = arith.sitofp %add3A_360 : vector<16xi32> to vector<16xf32>
        %mul3A_362 = arith.constant 0.00787401571 : f32
        %mul3A_363 = vector.broadcast %mul3A_362 : f32 to vector<16xf32>
        %mul3A_364 = arith.mulf %convert_element_type3A_361, %mul3A_363 : vector<16xf32>
        %sub3A_365 = arith.subf %gather3A_355, %gather3A_354 : vector<16xf32>
        %lt3A_366 = arith.constant 9.99999974E-6 : f32
        %lt3A_367 = vector.broadcast %lt3A_366 : f32 to vector<16xf32>
        %lt3A_368 = arith.cmpf olt, %sub3A_365, %lt3A_367 : vector<16xf32>
        %jit3A_369 = arith.constant 1.000000e+00 : f32
        %broadcast_in_dim3A_370 = vector.broadcast %jit3A_369 : f32 to vector<16xf32>
        %select_n3A_371 = arith.select %lt3A_368, %broadcast_in_dim3A_370, %sub3A_365 : vector<16xi1>, vector<16xf32>
        %sub3A_372 = arith.subf %mul3A_364, %gather3A_354 : vector<16xf32>
        %div3A_373 = arith.divf %sub3A_372, %select_n3A_371 : vector<16xf32>
        %sub3A_374 = arith.subf %gather3A_357, %gather3A_356 : vector<16xf32>
        %mul3A_375 = arith.mulf %div3A_373, %sub3A_374 : vector<16xf32>
        %add3A_376 = arith.addf %gather3A_356, %mul3A_375 : vector<16xf32>
        %broadcast_in_dim3A_377 = arith.constant true
        %broadcast_in_dim3A_378 = vector.broadcast %broadcast_in_dim3A_377 : i1 to vector<16xi1>
        %masked_cummax3A_379 = tpu.scan <max>, %add3A_376 masked %broadcast_in_dim3A_378 : vector<16xf32>, vector<16xi1> -> vector<16xf32>
        %max3A_380 = vector.broadcast %reduce_max3A_332 : f32 to vector<16xf32>
        %max3A_381 = arith.maximumf %masked_cummax3A_379, %max3A_380 : vector<16xf32>
        %reduce_max3A_382 = arith.constant true
        %reduce_max3A_383 = vector.broadcast %reduce_max3A_382 : i1 to vector<16xi1>
        %reduce_max3A_384 = tpu.scan <max>, %max3A_381 masked %reduce_max3A_383 : vector<16xf32>, vector<16xi1> -> vector<16xf32>
        %reduce_max3A_385 = vector.extract %reduce_max3A_384[15] : f32 from vector<16xf32>
        %get3A_386 = arith.constant 32 : index
        %get3A_387 = tpu.vector_load %arg10[%get3A_386] {strides = array<i32>} : memref<128xi32, #tpu.memory_space<vmem>>, vector<16xi32>,
        %broadcast_in_dim3A_388 = arith.constant true
        %broadcast_in_dim3A_389 = vector.broadcast %broadcast_in_dim3A_388 : i1 to vector<16xi1>
        %masked_cumsum3A_390 = tpu.scan <sum>, %get3A_387 masked %broadcast_in_dim3A_389 : vector<16xi32>, vector<16xi1> -> vector<16xi32>
        %add3A_391 = vector.broadcast %reduce_max3A_347 : i32 to vector<16xi32>
        %add3A_392 = arith.addi %masked_cumsum3A_390, %add3A_391 : vector<16xi32>
        %reduce_max3A_393 = arith.constant true
        %reduce_max3A_394 = vector.broadcast %reduce_max3A_393 : i1 to vector<16xi1>
        %reduce_max3A_395 = arith.constant -2147483648 : i32
        %reduce_max3A_396 = vector.broadcast %reduce_max3A_395 : i32 to vector<16xi32>
        %reduce_max3A_397 = arith.xori %add3A_392, %reduce_max3A_396 : vector<16xi32>
        %reduce_max3A_398 = tpu.scan <max>, %reduce_max3A_397 masked %reduce_max3A_394 : vector<16xi32>, vector<16xi1> -> vector<16xi32>
        %reduce_max3A_399 = arith.xori %reduce_max3A_398, %reduce_max3A_396 : vector<16xi32>
        %reduce_max3A_400 = vector.extract %reduce_max3A_399[15] : i32 from vector<16xi32>
        %add3A_401 = arith.constant 1 : i32
        %add3A_402 = vector.broadcast %add3A_401 : i32 to vector<16xi32>
        %add3A_403 = arith.addi %add3A_392, %add3A_402 : vector<16xi32>
        %min3A_404 = arith.constant 62 : i32
        %min3A_405 = vector.broadcast %min3A_404 : i32 to vector<16xi32>
        %min3A_406 = arith.minsi %add3A_403, %min3A_405 : vector<16xi32>
        %gather3A_407 = tpu.vector_load_idx %arg8[%add3A_392] : memref<64xf32, #tpu.memory_space<vmem>>[vector<16xi32>], vector<16xf32>,
        %gather3A_408 = tpu.vector_load_idx %arg8[%min3A_406] : memref<64xf32, #tpu.memory_space<vmem>>[vector<16xi32>], vector<16xf32>,
        %gather3A_409 = tpu.vector_load_idx %arg9[%add3A_392] : memref<64xf32, #tpu.memory_space<vmem>>[vector<16xi32>], vector<16xf32>,
        %gather3A_410 = tpu.vector_load_idx %arg9[%min3A_406] : memref<64xf32, #tpu.memory_space<vmem>>[vector<16xi32>], vector<16xf32>,
        %add3A_411 = arith.constant 32 : i32
        %add3A_412 = vector.broadcast %add3A_411 : i32 to vector<16xi32>
        %add3A_413 = arith.addi %iota3A, %add3A_412 : vector<16xi32>
        %convert_element_type3A_414 = arith.sitofp %add3A_413 : vector<16xi32> to vector<16xf32>
        %mul3A_415 = arith.constant 0.00787401571 : f32
        %mul3A_416 = vector.broadcast %mul3A_415 : f32 to vector<16xf32>
        %mul3A_417 = arith.mulf %convert_element_type3A_414, %mul3A_416 : vector<16xf32>
        %sub3A_418 = arith.subf %gather3A_408, %gather3A_407 : vector<16xf32>
        %lt3A_419 = arith.constant 9.99999974E-6 : f32
        %lt3A_420 = vector.broadcast %lt3A_419 : f32 to vector<16xf32>
        %lt3A_421 = arith.cmpf olt, %sub3A_418, %lt3A_420 : vector<16xf32>
        %jit3A_422 = arith.constant 1.000000e+00 : f32
        %broadcast_in_dim3A_423 = vector.broadcast %jit3A_422 : f32 to vector<16xf32>
        %select_n3A_424 = arith.select %lt3A_421, %broadcast_in_dim3A_423, %sub3A_418 : vector<16xi1>, vector<16xf32>
        %sub3A_425 = arith.subf %mul3A_417, %gather3A_407 : vector<16xf32>
        %div3A_426 = arith.divf %sub3A_425, %select_n3A_424 : vector<16xf32>
        %sub3A_427 = arith.subf %gather3A_410, %gather3A_409 : vector<16xf32>
        %mul3A_428 = arith.mulf %div3A_426, %sub3A_427 : vector<16xf32>
        %add3A_429 = arith.addf %gather3A_409, %mul3A_428 : vector<16xf32>
        %broadcast_in_dim3A_430 = arith.constant true
        %broadcast_in_dim3A_431 = vector.broadcast %broadcast_in_dim3A_430 : i1 to vector<16xi1>
        %masked_cummax3A_432 = tpu.scan <max>, %add3A_429 masked %broadcast_in_dim3A_431 : vector<16xf32>, vector<16xi1> -> vector<16xf32>
        %max3A_433 = vector.broadcast %reduce_max3A_385 : f32 to vector<16xf32>
        %max3A_434 = arith.maximumf %masked_cummax3A_432, %max3A_433 : vector<16xf32>
        %reduce_max3A_435 = arith.constant true
        %reduce_max3A_436 = vector.broadcast %reduce_max3A_435 : i1 to vector<16xi1>
        %reduce_max3A_437 = tpu.scan <max>, %max3A_434 masked %reduce_max3A_436 : vector<16xf32>, vector<16xi1> -> vector<16xf32>
        %reduce_max3A_438 = vector.extract %reduce_max3A_437[15] : f32 from vector<16xf32>
        %get3A_439 = arith.constant 48 : index
        %get3A_440 = tpu.vector_load %arg10[%get3A_439] {strides = array<i32>} : memref<128xi32, #tpu.memory_space<vmem>>, vector<16xi32>,
        %broadcast_in_dim3A_441 = arith.constant true
        %broadcast_in_dim3A_442 = vector.broadcast %broadcast_in_dim3A_441 : i1 to vector<16xi1>
        %masked_cumsum3A_443 = tpu.scan <sum>, %get3A_440 masked %broadcast_in_dim3A_442 : vector<16xi32>, vector<16xi1> -> vector<16xi32>
        %add3A_444 = vector.broadcast %reduce_max3A_400 : i32 to vector<16xi32>
        %add3A_445 = arith.addi %masked_cumsum3A_443, %add3A_444 : vector<16xi32>
        %reduce_max3A_446 = arith.constant true
        %reduce_max3A_447 = vector.broadcast %reduce_max3A_446 : i1 to vector<16xi1>
        %reduce_max3A_448 = arith.constant -2147483648 : i32
        %reduce_max3A_449 = vector.broadcast %reduce_max3A_448 : i32 to vector<16xi32>
        %reduce_max3A_450 = arith.xori %add3A_445, %reduce_max3A_449 : vector<16xi32>
        %reduce_max3A_451 = tpu.scan <max>, %reduce_max3A_450 masked %reduce_max3A_447 : vector<16xi32>, vector<16xi1> -> vector<16xi32>
        %reduce_max3A_452 = arith.xori %reduce_max3A_451, %reduce_max3A_449 : vector<16xi32>
        %reduce_max3A_453 = vector.extract %reduce_max3A_452[15] : i32 from vector<16xi32>
        %add3A_454 = arith.constant 1 : i32
        %add3A_455 = vector.broadcast %add3A_454 : i32 to vector<16xi32>
        %add3A_456 = arith.addi %add3A_445, %add3A_455 : vector<16xi32>
        %min3A_457 = arith.constant 62 : i32
        %min3A_458 = vector.broadcast %min3A_457 : i32 to vector<16xi32>
        %min3A_459 = arith.minsi %add3A_456, %min3A_458 : vector<16xi32>
        %gather3A_460 = tpu.vector_load_idx %arg8[%add3A_445] : memref<64xf32, #tpu.memory_space<vmem>>[vector<16xi32>], vector<16xf32>,
        %gather3A_461 = tpu.vector_load_idx %arg8[%min3A_459] : memref<64xf32, #tpu.memory_space<vmem>>[vector<16xi32>], vector<16xf32>,
        %gather3A_462 = tpu.vector_load_idx %arg9[%add3A_445] : memref<64xf32, #tpu.memory_space<vmem>>[vector<16xi32>], vector<16xf32>,
        %gather3A_463 = tpu.vector_load_idx %arg9[%min3A_459] : memref<64xf32, #tpu.memory_space<vmem>>[vector<16xi32>], vector<16xf32>,
        %add3A_464 = arith.constant 48 : i32
        %add3A_465 = vector.broadcast %add3A_464 : i32 to vector<16xi32>
        %add3A_466 = arith.addi %iota3A, %add3A_465 : vector<16xi32>
        %convert_element_type3A_467 = arith.sitofp %add3A_466 : vector<16xi32> to vector<16xf32>
        %mul3A_468 = arith.constant 0.00787401571 : f32
        %mul3A_469 = vector.broadcast %mul3A_468 : f32 to vector<16xf32>
        %mul3A_470 = arith.mulf %convert_element_type3A_467, %mul3A_469 : vector<16xf32>
        %sub3A_471 = arith.subf %gather3A_461, %gather3A_460 : vector<16xf32>
        %lt3A_472 = arith.constant 9.99999974E-6 : f32
        %lt3A_473 = vector.broadcast %lt3A_472 : f32 to vector<16xf32>
        %lt3A_474 = arith.cmpf olt, %sub3A_471, %lt3A_473 : vector<16xf32>
        %jit3A_475 = arith.constant 1.000000e+00 : f32
        %broadcast_in_dim3A_476 = vector.broadcast %jit3A_475 : f32 to vector<16xf32>
        %select_n3A_477 = arith.select %lt3A_474, %broadcast_in_dim3A_476, %sub3A_471 : vector<16xi1>, vector<16xf32>
        %sub3A_478 = arith.subf %mul3A_470, %gather3A_460 : vector<16xf32>
        %div3A_479 = arith.divf %sub3A_478, %select_n3A_477 : vector<16xf32>
        %sub3A_480 = arith.subf %gather3A_463, %gather3A_462 : vector<16xf32>
        %mul3A_481 = arith.mulf %div3A_479, %sub3A_480 : vector<16xf32>
        %add3A_482 = arith.addf %gather3A_462, %mul3A_481 : vector<16xf32>
        %broadcast_in_dim3A_483 = arith.constant true
        %broadcast_in_dim3A_484 = vector.broadcast %broadcast_in_dim3A_483 : i1 to vector<16xi1>
        %masked_cummax3A_485 = tpu.scan <max>, %add3A_482 masked %broadcast_in_dim3A_484 : vector<16xf32>, vector<16xi1> -> vector<16xf32>
        %max3A_486 = vector.broadcast %reduce_max3A_438 : f32 to vector<16xf32>
        %max3A_487 = arith.maximumf %masked_cummax3A_485, %max3A_486 : vector<16xf32>
        %reduce_max3A_488 = arith.constant true
        %reduce_max3A_489 = vector.broadcast %reduce_max3A_488 : i1 to vector<16xi1>
        %reduce_max3A_490 = tpu.scan <max>, %max3A_487 masked %reduce_max3A_489 : vector<16xf32>, vector<16xi1> -> vector<16xf32>
        %reduce_max3A_491 = vector.extract %reduce_max3A_490[15] : f32 from vector<16xf32>
        %get3A_492 = arith.constant 64 : index
        %get3A_493 = tpu.vector_load %arg10[%get3A_492] {strides = array<i32>} : memref<128xi32, #tpu.memory_space<vmem>>, vector<16xi32>,
        %broadcast_in_dim3A_494 = arith.constant true
        %broadcast_in_dim3A_495 = vector.broadcast %broadcast_in_dim3A_494 : i1 to vector<16xi1>
        %masked_cumsum3A_496 = tpu.scan <sum>, %get3A_493 masked %broadcast_in_dim3A_495 : vector<16xi32>, vector<16xi1> -> vector<16xi32>
        %add3A_497 = vector.broadcast %reduce_max3A_453 : i32 to vector<16xi32>
        %add3A_498 = arith.addi %masked_cumsum3A_496, %add3A_497 : vector<16xi32>
        %reduce_max3A_499 = arith.constant true
        %reduce_max3A_500 = vector.broadcast %reduce_max3A_499 : i1 to vector<16xi1>
        %reduce_max3A_501 = arith.constant -2147483648 : i32
        %reduce_max3A_502 = vector.broadcast %reduce_max3A_501 : i32 to vector<16xi32>
        %reduce_max3A_503 = arith.xori %add3A_498, %reduce_max3A_502 : vector<16xi32>
        %reduce_max3A_504 = tpu.scan <max>, %reduce_max3A_503 masked %reduce_max3A_500 : vector<16xi32>, vector<16xi1> -> vector<16xi32>
        %reduce_max3A_505 = arith.xori %reduce_max3A_504, %reduce_max3A_502 : vector<16xi32>
        %reduce_max3A_506 = vector.extract %reduce_max3A_505[15] : i32 from vector<16xi32>
        %add3A_507 = arith.constant 1 : i32
        %add3A_508 = vector.broadcast %add3A_507 : i32 to vector<16xi32>
        %add3A_509 = arith.addi %add3A_498, %add3A_508 : vector<16xi32>
        %min3A_510 = arith.constant 62 : i32
        %min3A_511 = vector.broadcast %min3A_510 : i32 to vector<16xi32>
        %min3A_512 = arith.minsi %add3A_509, %min3A_511 : vector<16xi32>
        %gather3A_513 = tpu.vector_load_idx %arg8[%add3A_498] : memref<64xf32, #tpu.memory_space<vmem>>[vector<16xi32>], vector<16xf32>,
        %gather3A_514 = tpu.vector_load_idx %arg8[%min3A_512] : memref<64xf32, #tpu.memory_space<vmem>>[vector<16xi32>], vector<16xf32>,
        %gather3A_515 = tpu.vector_load_idx %arg9[%add3A_498] : memref<64xf32, #tpu.memory_space<vmem>>[vector<16xi32>], vector<16xf32>,
        %gather3A_516 = tpu.vector_load_idx %arg9[%min3A_512] : memref<64xf32, #tpu.memory_space<vmem>>[vector<16xi32>], vector<16xf32>,
        %add3A_517 = arith.constant 64 : i32
        %add3A_518 = vector.broadcast %add3A_517 : i32 to vector<16xi32>
        %add3A_519 = arith.addi %iota3A, %add3A_518 : vector<16xi32>
        %convert_element_type3A_520 = arith.sitofp %add3A_519 : vector<16xi32> to vector<16xf32>
        %mul3A_521 = arith.constant 0.00787401571 : f32
        %mul3A_522 = vector.broadcast %mul3A_521 : f32 to vector<16xf32>
        %mul3A_523 = arith.mulf %convert_element_type3A_520, %mul3A_522 : vector<16xf32>
        %sub3A_524 = arith.subf %gather3A_514, %gather3A_513 : vector<16xf32>
        %lt3A_525 = arith.constant 9.99999974E-6 : f32
        %lt3A_526 = vector.broadcast %lt3A_525 : f32 to vector<16xf32>
        %lt3A_527 = arith.cmpf olt, %sub3A_524, %lt3A_526 : vector<16xf32>
        %jit3A_528 = arith.constant 1.000000e+00 : f32
        %broadcast_in_dim3A_529 = vector.broadcast %jit3A_528 : f32 to vector<16xf32>
        %select_n3A_530 = arith.select %lt3A_527, %broadcast_in_dim3A_529, %sub3A_524 : vector<16xi1>, vector<16xf32>
        %sub3A_531 = arith.subf %mul3A_523, %gather3A_513 : vector<16xf32>
        %div3A_532 = arith.divf %sub3A_531, %select_n3A_530 : vector<16xf32>
        %sub3A_533 = arith.subf %gather3A_516, %gather3A_515 : vector<16xf32>
        %mul3A_534 = arith.mulf %div3A_532, %sub3A_533 : vector<16xf32>
        %add3A_535 = arith.addf %gather3A_515, %mul3A_534 : vector<16xf32>
        %broadcast_in_dim3A_536 = arith.constant true
        %broadcast_in_dim3A_537 = vector.broadcast %broadcast_in_dim3A_536 : i1 to vector<16xi1>
        %masked_cummax3A_538 = tpu.scan <max>, %add3A_535 masked %broadcast_in_dim3A_537 : vector<16xf32>, vector<16xi1> -> vector<16xf32>
        %max3A_539 = vector.broadcast %reduce_max3A_491 : f32 to vector<16xf32>
        %max3A_540 = arith.maximumf %masked_cummax3A_538, %max3A_539 : vector<16xf32>
        %reduce_max3A_541 = arith.constant true
        %reduce_max3A_542 = vector.broadcast %reduce_max3A_541 : i1 to vector<16xi1>
        %reduce_max3A_543 = tpu.scan <max>, %max3A_540 masked %reduce_max3A_542 : vector<16xf32>, vector<16xi1> -> vector<16xf32>
        %reduce_max3A_544 = vector.extract %reduce_max3A_543[15] : f32 from vector<16xf32>
        %get3A_545 = arith.constant 80 : index
        %get3A_546 = tpu.vector_load %arg10[%get3A_545] {strides = array<i32>} : memref<128xi32, #tpu.memory_space<vmem>>, vector<16xi32>,
        %broadcast_in_dim3A_547 = arith.constant true
        %broadcast_in_dim3A_548 = vector.broadcast %broadcast_in_dim3A_547 : i1 to vector<16xi1>
        %masked_cumsum3A_549 = tpu.scan <sum>, %get3A_546 masked %broadcast_in_dim3A_548 : vector<16xi32>, vector<16xi1> -> vector<16xi32>
        %add3A_550 = vector.broadcast %reduce_max3A_506 : i32 to vector<16xi32>
        %add3A_551 = arith.addi %masked_cumsum3A_549, %add3A_550 : vector<16xi32>
        %reduce_max3A_552 = arith.constant true
        %reduce_max3A_553 = vector.broadcast %reduce_max3A_552 : i1 to vector<16xi1>
        %reduce_max3A_554 = arith.constant -2147483648 : i32
        %reduce_max3A_555 = vector.broadcast %reduce_max3A_554 : i32 to vector<16xi32>
        %reduce_max3A_556 = arith.xori %add3A_551, %reduce_max3A_555 : vector<16xi32>
        %reduce_max3A_557 = tpu.scan <max>, %reduce_max3A_556 masked %reduce_max3A_553 : vector<16xi32>, vector<16xi1> -> vector<16xi32>
        %reduce_max3A_558 = arith.xori %reduce_max3A_557, %reduce_max3A_555 : vector<16xi32>
        %reduce_max3A_559 = vector.extract %reduce_max3A_558[15] : i32 from vector<16xi32>
        %add3A_560 = arith.constant 1 : i32
        %add3A_561 = vector.broadcast %add3A_560 : i32 to vector<16xi32>
        %add3A_562 = arith.addi %add3A_551, %add3A_561 : vector<16xi32>
        %min3A_563 = arith.constant 62 : i32
        %min3A_564 = vector.broadcast %min3A_563 : i32 to vector<16xi32>
        %min3A_565 = arith.minsi %add3A_562, %min3A_564 : vector<16xi32>
        %gather3A_566 = tpu.vector_load_idx %arg8[%add3A_551] : memref<64xf32, #tpu.memory_space<vmem>>[vector<16xi32>], vector<16xf32>,
        %gather3A_567 = tpu.vector_load_idx %arg8[%min3A_565] : memref<64xf32, #tpu.memory_space<vmem>>[vector<16xi32>], vector<16xf32>,
        %gather3A_568 = tpu.vector_load_idx %arg9[%add3A_551] : memref<64xf32, #tpu.memory_space<vmem>>[vector<16xi32>], vector<16xf32>,
        %gather3A_569 = tpu.vector_load_idx %arg9[%min3A_565] : memref<64xf32, #tpu.memory_space<vmem>>[vector<16xi32>], vector<16xf32>,
        %add3A_570 = arith.constant 80 : i32
        %add3A_571 = vector.broadcast %add3A_570 : i32 to vector<16xi32>
        %add3A_572 = arith.addi %iota3A, %add3A_571 : vector<16xi32>
        %convert_element_type3A_573 = arith.sitofp %add3A_572 : vector<16xi32> to vector<16xf32>
        %mul3A_574 = arith.constant 0.00787401571 : f32
        %mul3A_575 = vector.broadcast %mul3A_574 : f32 to vector<16xf32>
        %mul3A_576 = arith.mulf %convert_element_type3A_573, %mul3A_575 : vector<16xf32>
        %sub3A_577 = arith.subf %gather3A_567, %gather3A_566 : vector<16xf32>
        %lt3A_578 = arith.constant 9.99999974E-6 : f32
        %lt3A_579 = vector.broadcast %lt3A_578 : f32 to vector<16xf32>
        %lt3A_580 = arith.cmpf olt, %sub3A_577, %lt3A_579 : vector<16xf32>
        %jit3A_581 = arith.constant 1.000000e+00 : f32
        %broadcast_in_dim3A_582 = vector.broadcast %jit3A_581 : f32 to vector<16xf32>
        %select_n3A_583 = arith.select %lt3A_580, %broadcast_in_dim3A_582, %sub3A_577 : vector<16xi1>, vector<16xf32>
        %sub3A_584 = arith.subf %mul3A_576, %gather3A_566 : vector<16xf32>
        %div3A_585 = arith.divf %sub3A_584, %select_n3A_583 : vector<16xf32>
        %sub3A_586 = arith.subf %gather3A_569, %gather3A_568 : vector<16xf32>
        %mul3A_587 = arith.mulf %div3A_585, %sub3A_586 : vector<16xf32>
        %add3A_588 = arith.addf %gather3A_568, %mul3A_587 : vector<16xf32>
        %broadcast_in_dim3A_589 = arith.constant true
        %broadcast_in_dim3A_590 = vector.broadcast %broadcast_in_dim3A_589 : i1 to vector<16xi1>
        %masked_cummax3A_591 = tpu.scan <max>, %add3A_588 masked %broadcast_in_dim3A_590 : vector<16xf32>, vector<16xi1> -> vector<16xf32>
        %max3A_592 = vector.broadcast %reduce_max3A_544 : f32 to vector<16xf32>
        %max3A_593 = arith.maximumf %masked_cummax3A_591, %max3A_592 : vector<16xf32>
        %reduce_max3A_594 = arith.constant true
        %reduce_max3A_595 = vector.broadcast %reduce_max3A_594 : i1 to vector<16xi1>
        %reduce_max3A_596 = tpu.scan <max>, %max3A_593 masked %reduce_max3A_595 : vector<16xf32>, vector<16xi1> -> vector<16xf32>
        %reduce_max3A_597 = vector.extract %reduce_max3A_596[15] : f32 from vector<16xf32>
        %get3A_598 = arith.constant 96 : index
        %get3A_599 = tpu.vector_load %arg10[%get3A_598] {strides = array<i32>} : memref<128xi32, #tpu.memory_space<vmem>>, vector<16xi32>,
        %broadcast_in_dim3A_600 = arith.constant true
        %broadcast_in_dim3A_601 = vector.broadcast %broadcast_in_dim3A_600 : i1 to vector<16xi1>
        %masked_cumsum3A_602 = tpu.scan <sum>, %get3A_599 masked %broadcast_in_dim3A_601 : vector<16xi32>, vector<16xi1> -> vector<16xi32>
        %add3A_603 = vector.broadcast %reduce_max3A_559 : i32 to vector<16xi32>
        %add3A_604 = arith.addi %masked_cumsum3A_602, %add3A_603 : vector<16xi32>
        %reduce_max3A_605 = arith.constant true
        %reduce_max3A_606 = vector.broadcast %reduce_max3A_605 : i1 to vector<16xi1>
        %reduce_max3A_607 = arith.constant -2147483648 : i32
        %reduce_max3A_608 = vector.broadcast %reduce_max3A_607 : i32 to vector<16xi32>
        %reduce_max3A_609 = arith.xori %add3A_604, %reduce_max3A_608 : vector<16xi32>
        %reduce_max3A_610 = tpu.scan <max>, %reduce_max3A_609 masked %reduce_max3A_606 : vector<16xi32>, vector<16xi1> -> vector<16xi32>
        %reduce_max3A_611 = arith.xori %reduce_max3A_610, %reduce_max3A_608 : vector<16xi32>
        %reduce_max3A_612 = vector.extract %reduce_max3A_611[15] : i32 from vector<16xi32>
        %add3A_613 = arith.constant 1 : i32
        %add3A_614 = vector.broadcast %add3A_613 : i32 to vector<16xi32>
        %add3A_615 = arith.addi %add3A_604, %add3A_614 : vector<16xi32>
        %min3A_616 = arith.constant 62 : i32
        %min3A_617 = vector.broadcast %min3A_616 : i32 to vector<16xi32>
        %min3A_618 = arith.minsi %add3A_615, %min3A_617 : vector<16xi32>
        %gather3A_619 = tpu.vector_load_idx %arg8[%add3A_604] : memref<64xf32, #tpu.memory_space<vmem>>[vector<16xi32>], vector<16xf32>,
        %gather3A_620 = tpu.vector_load_idx %arg8[%min3A_618] : memref<64xf32, #tpu.memory_space<vmem>>[vector<16xi32>], vector<16xf32>,
        %gather3A_621 = tpu.vector_load_idx %arg9[%add3A_604] : memref<64xf32, #tpu.memory_space<vmem>>[vector<16xi32>], vector<16xf32>,
        %gather3A_622 = tpu.vector_load_idx %arg9[%min3A_618] : memref<64xf32, #tpu.memory_space<vmem>>[vector<16xi32>], vector<16xf32>,
        %add3A_623 = arith.constant 96 : i32
        %add3A_624 = vector.broadcast %add3A_623 : i32 to vector<16xi32>
        %add3A_625 = arith.addi %iota3A, %add3A_624 : vector<16xi32>
        %convert_element_type3A_626 = arith.sitofp %add3A_625 : vector<16xi32> to vector<16xf32>
        %mul3A_627 = arith.constant 0.00787401571 : f32
        %mul3A_628 = vector.broadcast %mul3A_627 : f32 to vector<16xf32>
        %mul3A_629 = arith.mulf %convert_element_type3A_626, %mul3A_628 : vector<16xf32>
        %sub3A_630 = arith.subf %gather3A_620, %gather3A_619 : vector<16xf32>
        %lt3A_631 = arith.constant 9.99999974E-6 : f32
        %lt3A_632 = vector.broadcast %lt3A_631 : f32 to vector<16xf32>
        %lt3A_633 = arith.cmpf olt, %sub3A_630, %lt3A_632 : vector<16xf32>
        %jit3A_634 = arith.constant 1.000000e+00 : f32
        %broadcast_in_dim3A_635 = vector.broadcast %jit3A_634 : f32 to vector<16xf32>
        %select_n3A_636 = arith.select %lt3A_633, %broadcast_in_dim3A_635, %sub3A_630 : vector<16xi1>, vector<16xf32>
        %sub3A_637 = arith.subf %mul3A_629, %gather3A_619 : vector<16xf32>
        %div3A_638 = arith.divf %sub3A_637, %select_n3A_636 : vector<16xf32>
        %sub3A_639 = arith.subf %gather3A_622, %gather3A_621 : vector<16xf32>
        %mul3A_640 = arith.mulf %div3A_638, %sub3A_639 : vector<16xf32>
        %add3A_641 = arith.addf %gather3A_621, %mul3A_640 : vector<16xf32>
        %broadcast_in_dim3A_642 = arith.constant true
        %broadcast_in_dim3A_643 = vector.broadcast %broadcast_in_dim3A_642 : i1 to vector<16xi1>
        %masked_cummax3A_644 = tpu.scan <max>, %add3A_641 masked %broadcast_in_dim3A_643 : vector<16xf32>, vector<16xi1> -> vector<16xf32>
        %max3A_645 = vector.broadcast %reduce_max3A_597 : f32 to vector<16xf32>
        %max3A_646 = arith.maximumf %masked_cummax3A_644, %max3A_645 : vector<16xf32>
        %reduce_max3A_647 = arith.constant true
        %reduce_max3A_648 = vector.broadcast %reduce_max3A_647 : i1 to vector<16xi1>
        %reduce_max3A_649 = tpu.scan <max>, %max3A_646 masked %reduce_max3A_648 : vector<16xf32>, vector<16xi1> -> vector<16xf32>
        %reduce_max3A_650 = vector.extract %reduce_max3A_649[15] : f32 from vector<16xf32>
        %get3A_651 = arith.constant 112 : index
        %get3A_652 = tpu.vector_load %arg10[%get3A_651] {strides = array<i32>} : memref<128xi32, #tpu.memory_space<vmem>>, vector<16xi32>,
        %broadcast_in_dim3A_653 = arith.constant true
        %broadcast_in_dim3A_654 = vector.broadcast %broadcast_in_dim3A_653 : i1 to vector<16xi1>
        %masked_cumsum3A_655 = tpu.scan <sum>, %get3A_652 masked %broadcast_in_dim3A_654 : vector<16xi32>, vector<16xi1> -> vector<16xi32>
        %add3A_656 = vector.broadcast %reduce_max3A_612 : i32 to vector<16xi32>
        %add3A_657 = arith.addi %masked_cumsum3A_655, %add3A_656 : vector<16xi32>
        %reduce_max3A_658 = arith.constant true
        %reduce_max3A_659 = vector.broadcast %reduce_max3A_658 : i1 to vector<16xi1>
        %reduce_max3A_660 = arith.constant -2147483648 : i32
        %reduce_max3A_661 = vector.broadcast %reduce_max3A_660 : i32 to vector<16xi32>
        %reduce_max3A_662 = arith.xori %add3A_657, %reduce_max3A_661 : vector<16xi32>
        %reduce_max3A_663 = tpu.scan <max>, %reduce_max3A_662 masked %reduce_max3A_659 : vector<16xi32>, vector<16xi1> -> vector<16xi32>
        %reduce_max3A_664 = arith.xori %reduce_max3A_663, %reduce_max3A_661 : vector<16xi32>
        %reduce_max3A_665 = vector.extract %reduce_max3A_664[15] : i32 from vector<16xi32>
        %add3A_666 = arith.constant 1 : i32
        %add3A_667 = vector.broadcast %add3A_666 : i32 to vector<16xi32>
        %add3A_668 = arith.addi %add3A_657, %add3A_667 : vector<16xi32>
        %min3A_669 = arith.constant 62 : i32
        %min3A_670 = vector.broadcast %min3A_669 : i32 to vector<16xi32>
        %min3A_671 = arith.minsi %add3A_668, %min3A_670 : vector<16xi32>
        %gather3A_672 = tpu.vector_load_idx %arg8[%add3A_657] : memref<64xf32, #tpu.memory_space<vmem>>[vector<16xi32>], vector<16xf32>,
        %gather3A_673 = tpu.vector_load_idx %arg8[%min3A_671] : memref<64xf32, #tpu.memory_space<vmem>>[vector<16xi32>], vector<16xf32>,
        %gather3A_674 = tpu.vector_load_idx %arg9[%add3A_657] : memref<64xf32, #tpu.memory_space<vmem>>[vector<16xi32>], vector<16xf32>,
        %gather3A_675 = tpu.vector_load_idx %arg9[%min3A_671] : memref<64xf32, #tpu.memory_space<vmem>>[vector<16xi32>], vector<16xf32>,
        %add3A_676 = arith.constant 112 : i32
        %add3A_677 = vector.broadcast %add3A_676 : i32 to vector<16xi32>
        %add3A_678 = arith.addi %iota3A, %add3A_677 : vector<16xi32>
        %convert_element_type3A_679 = arith.sitofp %add3A_678 : vector<16xi32> to vector<16xf32>
        %mul3A_680 = arith.constant 0.00787401571 : f32
        %mul3A_681 = vector.broadcast %mul3A_680 : f32 to vector<16xf32>
        %mul3A_682 = arith.mulf %convert_element_type3A_679, %mul3A_681 : vector<16xf32>
        %sub3A_683 = arith.subf %gather3A_673, %gather3A_672 : vector<16xf32>
        %lt3A_684 = arith.constant 9.99999974E-6 : f32
        %lt3A_685 = vector.broadcast %lt3A_684 : f32 to vector<16xf32>
        %lt3A_686 = arith.cmpf olt, %sub3A_683, %lt3A_685 : vector<16xf32>
        %jit3A_687 = arith.constant 1.000000e+00 : f32
        %broadcast_in_dim3A_688 = vector.broadcast %jit3A_687 : f32 to vector<16xf32>
        %select_n3A_689 = arith.select %lt3A_686, %broadcast_in_dim3A_688, %sub3A_683 : vector<16xi1>, vector<16xf32>
        %sub3A_690 = arith.subf %mul3A_682, %gather3A_672 : vector<16xf32>
        %div3A_691 = arith.divf %sub3A_690, %select_n3A_689 : vector<16xf32>
        %sub3A_692 = arith.subf %gather3A_675, %gather3A_674 : vector<16xf32>
        %mul3A_693 = arith.mulf %div3A_691, %sub3A_692 : vector<16xf32>
        %add3A_694 = arith.addf %gather3A_674, %mul3A_693 : vector<16xf32>
        %broadcast_in_dim3A_695 = arith.constant true
        %broadcast_in_dim3A_696 = vector.broadcast %broadcast_in_dim3A_695 : i1 to vector<16xi1>
        %masked_cummax3A_697 = tpu.scan <max>, %add3A_694 masked %broadcast_in_dim3A_696 : vector<16xf32>, vector<16xi1> -> vector<16xf32>
        %max3A_698 = vector.broadcast %reduce_max3A_650 : f32 to vector<16xf32>
        %max3A_699 = arith.maximumf %masked_cummax3A_697, %max3A_698 : vector<16xf32>
        %reduce_max3A_700 = arith.constant true
        %reduce_max3A_701 = vector.broadcast %reduce_max3A_700 : i1 to vector<16xi1>
        %reduce_max3A_702 = tpu.scan <max>, %max3A_699 masked %reduce_max3A_701 : vector<16xf32>, vector<16xi1> -> vector<16xf32>
        %reduce_max3A_703 = vector.extract %reduce_max3A_702[15] : f32 from vector<16xf32>
        %broadcast_in_dim3A_704 = arith.constant 0 : i32
        %broadcast_in_dim3A_705 = vector.broadcast %broadcast_in_dim3A_704 : i32 to vector<16xi32>
        %swap3A_706 = arith.constant 0 : index
        %swap3A_707 = tpu.vector_load %arg10[%swap3A_706] {strides = array<i32>} : memref<128xi32, #tpu.memory_space<vmem>>, vector<16xi32>,
        tpu.vector_store %arg10[%swap3A_706], %broadcast_in_dim3A_705 {strides = array<i32>} : memref<128xi32, #tpu.memory_space<vmem>>, vector<16xi32>,
        %broadcast_in_dim3A_708 = arith.constant 0 : i32
        %broadcast_in_dim3A_709 = vector.broadcast %broadcast_in_dim3A_708 : i32 to vector<16xi32>
        %swap3A_710 = arith.constant 16 : index
        %swap3A_711 = tpu.vector_load %arg10[%swap3A_710] {strides = array<i32>} : memref<128xi32, #tpu.memory_space<vmem>>, vector<16xi32>,
        tpu.vector_store %arg10[%swap3A_710], %broadcast_in_dim3A_709 {strides = array<i32>} : memref<128xi32, #tpu.memory_space<vmem>>, vector<16xi32>,
        %broadcast_in_dim3A_712 = arith.constant 0 : i32
        %broadcast_in_dim3A_713 = vector.broadcast %broadcast_in_dim3A_712 : i32 to vector<16xi32>
        %swap3A_714 = arith.constant 32 : index
        %swap3A_715 = tpu.vector_load %arg10[%swap3A_714] {strides = array<i32>} : memref<128xi32, #tpu.memory_space<vmem>>, vector<16xi32>,
        tpu.vector_store %arg10[%swap3A_714], %broadcast_in_dim3A_713 {strides = array<i32>} : memref<128xi32, #tpu.memory_space<vmem>>, vector<16xi32>,
        %broadcast_in_dim3A_716 = arith.constant 0 : i32
        %broadcast_in_dim3A_717 = vector.broadcast %broadcast_in_dim3A_716 : i32 to vector<16xi32>
        %swap3A_718 = arith.constant 48 : index
        %swap3A_719 = tpu.vector_load %arg10[%swap3A_718] {strides = array<i32>} : memref<128xi32, #tpu.memory_space<vmem>>, vector<16xi32>,
        tpu.vector_store %arg10[%swap3A_718], %broadcast_in_dim3A_717 {strides = array<i32>} : memref<128xi32, #tpu.memory_space<vmem>>, vector<16xi32>,
        %broadcast_in_dim3A_720 = arith.constant 0 : i32
        %broadcast_in_dim3A_721 = vector.broadcast %broadcast_in_dim3A_720 : i32 to vector<16xi32>
        %swap3A_722 = arith.constant 64 : index
        %swap3A_723 = tpu.vector_load %arg10[%swap3A_722] {strides = array<i32>} : memref<128xi32, #tpu.memory_space<vmem>>, vector<16xi32>,
        tpu.vector_store %arg10[%swap3A_722], %broadcast_in_dim3A_721 {strides = array<i32>} : memref<128xi32, #tpu.memory_space<vmem>>, vector<16xi32>,
        %add3A_724 = arith.constant 1 : i32
        %add3A_725 = vector.broadcast %add3A_724 : i32 to vector<16xi32>
        %add3A_726 = arith.addi %add3A_288, %add3A_725 : vector<16xi32>
        %gather3A_727 = tpu.vector_load_idx %arg5[%broadcast_in_dim3A, %add3A_726] : memref<128x64xf32, #tpu.memory_space<vmem>>[vector<16xi32>, vector<16xi32>], vector<16xf32>,
        %add3A_728 = arith.constant 1 : i32
        %add3A_729 = vector.broadcast %add3A_728 : i32 to vector<16xi32>
        %add3A_730 = arith.addi %add3A_288, %add3A_729 : vector<16xi32>
        %le3A_731 = arith.cmpf ole, %gather3A_727, %max3A_328 : vector<16xf32>
        %convert_element_type3A_732 = arith.extui %le3A_731 : vector<16xi1> to vector<16xi32>
        %add3A_733 = arith.addi %add3A_730, %convert_element_type3A_732 : vector<16xi32>
        tpu.vector_store_idx %arg10[%add3A_733], %broadcast_in_dim3A_223 {add = true} : memref<128xi32, #tpu.memory_space<vmem>>[vector<16xi32>], vector<16xi32>,
        %add3A_734 = arith.constant 0 : i32
        %add3A_735 = vector.broadcast %add3A_734 : i32 to vector<16xi32>
        %add3A_736 = arith.addi %iota3A, %add3A_735 : vector<16xi32>
        %add3A_737 = arith.addi %add3A_736, %add3A_733 : vector<16xi32>
        tpu.vector_store_idx %arg7[%broadcast_in_dim3A, %add3A_737], %max3A_328 : memref<128x192xf32, #tpu.memory_space<vmem>>[vector<16xi32>, vector<16xi32>], vector<16xf32>,
        %add3A_738 = arith.constant 1 : i32
        %add3A_739 = vector.broadcast %add3A_738 : i32 to vector<16xi32>
        %add3A_740 = arith.addi %add3A_339, %add3A_739 : vector<16xi32>
        %gather3A_741 = tpu.vector_load_idx %arg5[%broadcast_in_dim3A, %add3A_740] : memref<128x64xf32, #tpu.memory_space<vmem>>[vector<16xi32>, vector<16xi32>], vector<16xf32>,
        %add3A_742 = arith.constant 1 : i32
        %add3A_743 = vector.broadcast %add3A_742 : i32 to vector<16xi32>
        %add3A_744 = arith.addi %add3A_339, %add3A_743 : vector<16xi32>
        %le3A_745 = arith.cmpf ole, %gather3A_741, %max3A_381 : vector<16xf32>
        %convert_element_type3A_746 = arith.extui %le3A_745 : vector<16xi1> to vector<16xi32>
        %add3A_747 = arith.addi %add3A_744, %convert_element_type3A_746 : vector<16xi32>
        tpu.vector_store_idx %arg10[%add3A_747], %broadcast_in_dim3A_223 {add = true} : memref<128xi32, #tpu.memory_space<vmem>>[vector<16xi32>], vector<16xi32>,
        %add3A_748 = arith.constant 16 : i32
        %add3A_749 = vector.broadcast %add3A_748 : i32 to vector<16xi32>
        %add3A_750 = arith.addi %iota3A, %add3A_749 : vector<16xi32>
        %add3A_751 = arith.addi %add3A_750, %add3A_747 : vector<16xi32>
        tpu.vector_store_idx %arg7[%broadcast_in_dim3A, %add3A_751], %max3A_381 : memref<128x192xf32, #tpu.memory_space<vmem>>[vector<16xi32>, vector<16xi32>], vector<16xf32>,
        %add3A_752 = arith.constant 1 : i32
        %add3A_753 = vector.broadcast %add3A_752 : i32 to vector<16xi32>
        %add3A_754 = arith.addi %add3A_392, %add3A_753 : vector<16xi32>
        %gather3A_755 = tpu.vector_load_idx %arg5[%broadcast_in_dim3A, %add3A_754] : memref<128x64xf32, #tpu.memory_space<vmem>>[vector<16xi32>, vector<16xi32>], vector<16xf32>,
        %add3A_756 = arith.constant 1 : i32
        %add3A_757 = vector.broadcast %add3A_756 : i32 to vector<16xi32>
        %add3A_758 = arith.addi %add3A_392, %add3A_757 : vector<16xi32>
        %le3A_759 = arith.cmpf ole, %gather3A_755, %max3A_434 : vector<16xf32>
        %convert_element_type3A_760 = arith.extui %le3A_759 : vector<16xi1> to vector<16xi32>
        %add3A_761 = arith.addi %add3A_758, %convert_element_type3A_760 : vector<16xi32>
        tpu.vector_store_idx %arg10[%add3A_761], %broadcast_in_dim3A_223 {add = true} : memref<128xi32, #tpu.memory_space<vmem>>[vector<16xi32>], vector<16xi32>,
        %add3A_762 = arith.constant 32 : i32
        %add3A_763 = vector.broadcast %add3A_762 : i32 to vector<16xi32>
        %add3A_764 = arith.addi %iota3A, %add3A_763 : vector<16xi32>
        %add3A_765 = arith.addi %add3A_764, %add3A_761 : vector<16xi32>
        tpu.vector_store_idx %arg7[%broadcast_in_dim3A, %add3A_765], %max3A_434 : memref<128x192xf32, #tpu.memory_space<vmem>>[vector<16xi32>, vector<16xi32>], vector<16xf32>,
        %add3A_766 = arith.constant 1 : i32
        %add3A_767 = vector.broadcast %add3A_766 : i32 to vector<16xi32>
        %add3A_768 = arith.addi %add3A_445, %add3A_767 : vector<16xi32>
        %gather3A_769 = tpu.vector_load_idx %arg5[%broadcast_in_dim3A, %add3A_768] : memref<128x64xf32, #tpu.memory_space<vmem>>[vector<16xi32>, vector<16xi32>], vector<16xf32>,
        %add3A_770 = arith.constant 1 : i32
        %add3A_771 = vector.broadcast %add3A_770 : i32 to vector<16xi32>
        %add3A_772 = arith.addi %add3A_445, %add3A_771 : vector<16xi32>
        %le3A_773 = arith.cmpf ole, %gather3A_769, %max3A_487 : vector<16xf32>
        %convert_element_type3A_774 = arith.extui %le3A_773 : vector<16xi1> to vector<16xi32>
        %add3A_775 = arith.addi %add3A_772, %convert_element_type3A_774 : vector<16xi32>
        tpu.vector_store_idx %arg10[%add3A_775], %broadcast_in_dim3A_223 {add = true} : memref<128xi32, #tpu.memory_space<vmem>>[vector<16xi32>], vector<16xi32>,
        %add3A_776 = arith.constant 48 : i32
        %add3A_777 = vector.broadcast %add3A_776 : i32 to vector<16xi32>
        %add3A_778 = arith.addi %iota3A, %add3A_777 : vector<16xi32>
        %add3A_779 = arith.addi %add3A_778, %add3A_775 : vector<16xi32>
        tpu.vector_store_idx %arg7[%broadcast_in_dim3A, %add3A_779], %max3A_487 : memref<128x192xf32, #tpu.memory_space<vmem>>[vector<16xi32>, vector<16xi32>], vector<16xf32>,
        %add3A_780 = arith.constant 1 : i32
        %add3A_781 = vector.broadcast %add3A_780 : i32 to vector<16xi32>
        %add3A_782 = arith.addi %add3A_498, %add3A_781 : vector<16xi32>
        %gather3A_783 = tpu.vector_load_idx %arg5[%broadcast_in_dim3A, %add3A_782] : memref<128x64xf32, #tpu.memory_space<vmem>>[vector<16xi32>, vector<16xi32>], vector<16xf32>,
        %add3A_784 = arith.constant 1 : i32
        %add3A_785 = vector.broadcast %add3A_784 : i32 to vector<16xi32>
        %add3A_786 = arith.addi %add3A_498, %add3A_785 : vector<16xi32>
        %le3A_787 = arith.cmpf ole, %gather3A_783, %max3A_540 : vector<16xf32>
        %convert_element_type3A_788 = arith.extui %le3A_787 : vector<16xi1> to vector<16xi32>
        %add3A_789 = arith.addi %add3A_786, %convert_element_type3A_788 : vector<16xi32>
        tpu.vector_store_idx %arg10[%add3A_789], %broadcast_in_dim3A_223 {add = true} : memref<128xi32, #tpu.memory_space<vmem>>[vector<16xi32>], vector<16xi32>,
        %add3A_790 = arith.constant 64 : i32
        %add3A_791 = vector.broadcast %add3A_790 : i32 to vector<16xi32>
        %add3A_792 = arith.addi %iota3A, %add3A_791 : vector<16xi32>
        %add3A_793 = arith.addi %add3A_792, %add3A_789 : vector<16xi32>
        tpu.vector_store_idx %arg7[%broadcast_in_dim3A, %add3A_793], %max3A_540 : memref<128x192xf32, #tpu.memory_space<vmem>>[vector<16xi32>, vector<16xi32>], vector<16xf32>,
        %add3A_794 = arith.constant 1 : i32
        %add3A_795 = vector.broadcast %add3A_794 : i32 to vector<16xi32>
        %add3A_796 = arith.addi %add3A_551, %add3A_795 : vector<16xi32>
        %gather3A_797 = tpu.vector_load_idx %arg5[%broadcast_in_dim3A, %add3A_796] : memref<128x64xf32, #tpu.memory_space<vmem>>[vector<16xi32>, vector<16xi32>], vector<16xf32>,
        %add3A_798 = arith.constant 1 : i32
        %add3A_799 = vector.broadcast %add3A_798 : i32 to vector<16xi32>
        %add3A_800 = arith.addi %add3A_551, %add3A_799 : vector<16xi32>
        %le3A_801 = arith.cmpf ole, %gather3A_797, %max3A_593 : vector<16xf32>
        %convert_element_type3A_802 = arith.extui %le3A_801 : vector<16xi1> to vector<16xi32>
        %add3A_803 = arith.addi %add3A_800, %convert_element_type3A_802 : vector<16xi32>
        tpu.vector_store_idx %arg10[%add3A_803], %broadcast_in_dim3A_223 {add = true} : memref<128xi32, #tpu.memory_space<vmem>>[vector<16xi32>], vector<16xi32>,
        %add3A_804 = arith.constant 80 : i32
        %add3A_805 = vector.broadcast %add3A_804 : i32 to vector<16xi32>
        %add3A_806 = arith.addi %iota3A, %add3A_805 : vector<16xi32>
        %add3A_807 = arith.addi %add3A_806, %add3A_803 : vector<16xi32>
        tpu.vector_store_idx %arg7[%broadcast_in_dim3A, %add3A_807], %max3A_593 : memref<128x192xf32, #tpu.memory_space<vmem>>[vector<16xi32>, vector<16xi32>], vector<16xf32>,
        %add3A_808 = arith.constant 1 : i32
        %add3A_809 = vector.broadcast %add3A_808 : i32 to vector<16xi32>
        %add3A_810 = arith.addi %add3A_604, %add3A_809 : vector<16xi32>
        %gather3A_811 = tpu.vector_load_idx %arg5[%broadcast_in_dim3A, %add3A_810] : memref<128x64xf32, #tpu.memory_space<vmem>>[vector<16xi32>, vector<16xi32>], vector<16xf32>,
        %add3A_812 = arith.constant 1 : i32
        %add3A_813 = vector.broadcast %add3A_812 : i32 to vector<16xi32>
        %add3A_814 = arith.addi %add3A_604, %add3A_813 : vector<16xi32>
        %le3A_815 = arith.cmpf ole, %gather3A_811, %max3A_646 : vector<16xf32>
        %convert_element_type3A_816 = arith.extui %le3A_815 : vector<16xi1> to vector<16xi32>
        %add3A_817 = arith.addi %add3A_814, %convert_element_type3A_816 : vector<16xi32>
        tpu.vector_store_idx %arg10[%add3A_817], %broadcast_in_dim3A_223 {add = true} : memref<128xi32, #tpu.memory_space<vmem>>[vector<16xi32>], vector<16xi32>,
        %add3A_818 = arith.constant 96 : i32
        %add3A_819 = vector.broadcast %add3A_818 : i32 to vector<16xi32>
        %add3A_820 = arith.addi %iota3A, %add3A_819 : vector<16xi32>
        %add3A_821 = arith.addi %add3A_820, %add3A_817 : vector<16xi32>
        tpu.vector_store_idx %arg7[%broadcast_in_dim3A, %add3A_821], %max3A_646 : memref<128x192xf32, #tpu.memory_space<vmem>>[vector<16xi32>, vector<16xi32>], vector<16xf32>,
        %add3A_822 = arith.constant 1 : i32
        %add3A_823 = vector.broadcast %add3A_822 : i32 to vector<16xi32>
        %add3A_824 = arith.addi %add3A_657, %add3A_823 : vector<16xi32>
        %gather3A_825 = tpu.vector_load_idx %arg5[%broadcast_in_dim3A, %add3A_824] : memref<128x64xf32, #tpu.memory_space<vmem>>[vector<16xi32>, vector<16xi32>], vector<16xf32>,
        %add3A_826 = arith.constant 1 : i32
        %add3A_827 = vector.broadcast %add3A_826 : i32 to vector<16xi32>
        %add3A_828 = arith.addi %add3A_657, %add3A_827 : vector<16xi32>
        %le3A_829 = arith.cmpf ole, %gather3A_825, %max3A_699 : vector<16xf32>
        %convert_element_type3A_830 = arith.extui %le3A_829 : vector<16xi1> to vector<16xi32>
        %add3A_831 = arith.addi %add3A_828, %convert_element_type3A_830 : vector<16xi32>
        tpu.vector_store_idx %arg10[%add3A_831], %broadcast_in_dim3A_223 {add = true} : memref<128xi32, #tpu.memory_space<vmem>>[vector<16xi32>], vector<16xi32>,
        %add3A_832 = arith.constant 112 : i32
        %add3A_833 = vector.broadcast %add3A_832 : i32 to vector<16xi32>
        %add3A_834 = arith.addi %iota3A, %add3A_833 : vector<16xi32>
        %add3A_835 = arith.addi %add3A_834, %add3A_831 : vector<16xi32>
        tpu.vector_store_idx %arg7[%broadcast_in_dim3A, %add3A_835], %max3A_699 : memref<128x192xf32, #tpu.memory_space<vmem>>[vector<16xi32>, vector<16xi32>], vector<16xf32>,
        %get3A_836 = arith.constant 0 : index
        %get3A_837 = tpu.vector_load %arg10[%get3A_836] {strides = array<i32>} : memref<128xi32, #tpu.memory_space<vmem>>, vector<16xi32>,
        %broadcast_in_dim3A_838 = arith.constant true
        %broadcast_in_dim3A_839 = vector.broadcast %broadcast_in_dim3A_838 : i1 to vector<16xi1>
        %masked_cumsum3A_840 = tpu.scan <sum>, %get3A_837 masked %broadcast_in_dim3A_839 : vector<16xi32>, vector<16xi1> -> vector<16xi32>
        %add3A_841 = arith.constant 0 : i32
        %add3A_842 = vector.broadcast %add3A_841 : i32 to vector<16xi32>
        %add3A_843 = arith.addi %masked_cumsum3A_840, %add3A_842 : vector<16xi32>
        %reduce_max3A_844 = arith.constant true
        %reduce_max3A_845 = vector.broadcast %reduce_max3A_844 : i1 to vector<16xi1>
        %reduce_max3A_846 = arith.constant -2147483648 : i32
        %reduce_max3A_847 = vector.broadcast %reduce_max3A_846 : i32 to vector<16xi32>
        %reduce_max3A_848 = arith.xori %add3A_843, %reduce_max3A_847 : vector<16xi32>
        %reduce_max3A_849 = tpu.scan <max>, %reduce_max3A_848 masked %reduce_max3A_845 : vector<16xi32>, vector<16xi1> -> vector<16xi32>
        %reduce_max3A_850 = arith.xori %reduce_max3A_849, %reduce_max3A_847 : vector<16xi32>
        %reduce_max3A_851 = vector.extract %reduce_max3A_850[15] : i32 from vector<16xi32>
        %add3A_852 = arith.constant 0 : i32
        %add3A_853 = vector.broadcast %add3A_852 : i32 to vector<16xi32>
        %add3A_854 = arith.addi %iota3A, %add3A_853 : vector<16xi32>
        %add3A_855 = arith.addi %add3A_854, %add3A_843 : vector<16xi32>
        tpu.vector_store_idx %arg7[%broadcast_in_dim3A, %add3A_855], %get3A_27 : memref<128x192xf32, #tpu.memory_space<vmem>>[vector<16xi32>, vector<16xi32>], vector<16xf32>,
        %get3A_856 = arith.constant 16 : index
        %get3A_857 = tpu.vector_load %arg10[%get3A_856] {strides = array<i32>} : memref<128xi32, #tpu.memory_space<vmem>>, vector<16xi32>,
        %broadcast_in_dim3A_858 = arith.constant true
        %broadcast_in_dim3A_859 = vector.broadcast %broadcast_in_dim3A_858 : i1 to vector<16xi1>
        %masked_cumsum3A_860 = tpu.scan <sum>, %get3A_857 masked %broadcast_in_dim3A_859 : vector<16xi32>, vector<16xi1> -> vector<16xi32>
        %add3A_861 = vector.broadcast %reduce_max3A_851 : i32 to vector<16xi32>
        %add3A_862 = arith.addi %masked_cumsum3A_860, %add3A_861 : vector<16xi32>
        %reduce_max3A_863 = arith.constant true
        %reduce_max3A_864 = vector.broadcast %reduce_max3A_863 : i1 to vector<16xi1>
        %reduce_max3A_865 = arith.constant -2147483648 : i32
        %reduce_max3A_866 = vector.broadcast %reduce_max3A_865 : i32 to vector<16xi32>
        %reduce_max3A_867 = arith.xori %add3A_862, %reduce_max3A_866 : vector<16xi32>
        %reduce_max3A_868 = tpu.scan <max>, %reduce_max3A_867 masked %reduce_max3A_864 : vector<16xi32>, vector<16xi1> -> vector<16xi32>
        %reduce_max3A_869 = arith.xori %reduce_max3A_868, %reduce_max3A_866 : vector<16xi32>
        %reduce_max3A_870 = vector.extract %reduce_max3A_869[15] : i32 from vector<16xi32>
        %add3A_871 = arith.constant 16 : i32
        %add3A_872 = vector.broadcast %add3A_871 : i32 to vector<16xi32>
        %add3A_873 = arith.addi %iota3A, %add3A_872 : vector<16xi32>
        %add3A_874 = arith.addi %add3A_873, %add3A_862 : vector<16xi32>
        tpu.vector_store_idx %arg7[%broadcast_in_dim3A, %add3A_874], %get3A_30 : memref<128x192xf32, #tpu.memory_space<vmem>>[vector<16xi32>, vector<16xi32>], vector<16xf32>,
        %get3A_875 = arith.constant 32 : index
        %get3A_876 = tpu.vector_load %arg10[%get3A_875] {strides = array<i32>} : memref<128xi32, #tpu.memory_space<vmem>>, vector<16xi32>,
        %broadcast_in_dim3A_877 = arith.constant true
        %broadcast_in_dim3A_878 = vector.broadcast %broadcast_in_dim3A_877 : i1 to vector<16xi1>
        %masked_cumsum3A_879 = tpu.scan <sum>, %get3A_876 masked %broadcast_in_dim3A_878 : vector<16xi32>, vector<16xi1> -> vector<16xi32>
        %add3A_880 = vector.broadcast %reduce_max3A_870 : i32 to vector<16xi32>
        %add3A_881 = arith.addi %masked_cumsum3A_879, %add3A_880 : vector<16xi32>
        %reduce_max3A_882 = arith.constant true
        %reduce_max3A_883 = vector.broadcast %reduce_max3A_882 : i1 to vector<16xi1>
        %reduce_max3A_884 = arith.constant -2147483648 : i32
        %reduce_max3A_885 = vector.broadcast %reduce_max3A_884 : i32 to vector<16xi32>
        %reduce_max3A_886 = arith.xori %add3A_881, %reduce_max3A_885 : vector<16xi32>
        %reduce_max3A_887 = tpu.scan <max>, %reduce_max3A_886 masked %reduce_max3A_883 : vector<16xi32>, vector<16xi1> -> vector<16xi32>
        %reduce_max3A_888 = arith.xori %reduce_max3A_887, %reduce_max3A_885 : vector<16xi32>
        %reduce_max3A_889 = vector.extract %reduce_max3A_888[15] : i32 from vector<16xi32>
        %add3A_890 = arith.constant 32 : i32
        %add3A_891 = vector.broadcast %add3A_890 : i32 to vector<16xi32>
        %add3A_892 = arith.addi %iota3A, %add3A_891 : vector<16xi32>
        %add3A_893 = arith.addi %add3A_892, %add3A_881 : vector<16xi32>
        tpu.vector_store_idx %arg7[%broadcast_in_dim3A, %add3A_893], %get3A_33 : memref<128x192xf32, #tpu.memory_space<vmem>>[vector<16xi32>, vector<16xi32>], vector<16xf32>,
        %get3A_894 = arith.constant 48 : index
        %get3A_895 = tpu.vector_load %arg10[%get3A_894] {strides = array<i32>} : memref<128xi32, #tpu.memory_space<vmem>>, vector<16xi32>,
        %broadcast_in_dim3A_896 = arith.constant true
        %broadcast_in_dim3A_897 = vector.broadcast %broadcast_in_dim3A_896 : i1 to vector<16xi1>
        %masked_cumsum3A_898 = tpu.scan <sum>, %get3A_895 masked %broadcast_in_dim3A_897 : vector<16xi32>, vector<16xi1> -> vector<16xi32>
        %add3A_899 = vector.broadcast %reduce_max3A_889 : i32 to vector<16xi32>
        %add3A_900 = arith.addi %masked_cumsum3A_898, %add3A_899 : vector<16xi32>
        %reduce_max3A_901 = arith.constant true
        %reduce_max3A_902 = vector.broadcast %reduce_max3A_901 : i1 to vector<16xi1>
        %reduce_max3A_903 = arith.constant -2147483648 : i32
        %reduce_max3A_904 = vector.broadcast %reduce_max3A_903 : i32 to vector<16xi32>
        %reduce_max3A_905 = arith.xori %add3A_900, %reduce_max3A_904 : vector<16xi32>
        %reduce_max3A_906 = tpu.scan <max>, %reduce_max3A_905 masked %reduce_max3A_902 : vector<16xi32>, vector<16xi1> -> vector<16xi32>
        %reduce_max3A_907 = arith.xori %reduce_max3A_906, %reduce_max3A_904 : vector<16xi32>
        %reduce_max3A_908 = vector.extract %reduce_max3A_907[15] : i32 from vector<16xi32>
        %add3A_909 = arith.constant 48 : i32
        %add3A_910 = vector.broadcast %add3A_909 : i32 to vector<16xi32>
        %add3A_911 = arith.addi %iota3A, %add3A_910 : vector<16xi32>
        %add3A_912 = arith.addi %add3A_911, %add3A_900 : vector<16xi32>
        tpu.vector_store_idx %arg7[%broadcast_in_dim3A, %add3A_912], %get3A_36 : memref<128x192xf32, #tpu.memory_space<vmem>>[vector<16xi32>, vector<16xi32>], vector<16xf32>,
        %mul3A_913 = arith.constant 2 : i32
        %mul3A_914 = arith.muli %mul3A_913, %scan3A_22 : i32
        %add3A_915 = arith.constant 1 : i32
        %add3A_916 = arith.addi %mul3A_914, %add3A_915 : i32
        %broadcast_in_dim3A_917 = vector.broadcast %add3A_916 : i32 to vector<16xi32>
        %get3A_918 = arith.index_cast %add3A_916 : i32 to index
        %get3A_919 = arith.constant 0 : index
        %get3A_920 = tpu.vector_load %arg5[%get3A_918, %get3A_919] {strides = array<i32>} : memref<128x64xf32, #tpu.memory_space<vmem>>, vector<16xf32>,
        %get3A_921 = arith.index_cast %add3A_916 : i32 to index
        %get3A_922 = arith.constant 16 : index
        %get3A_923 = tpu.vector_load %arg5[%get3A_921, %get3A_922] {strides = array<i32>} : memref<128x64xf32, #tpu.memory_space<vmem>>, vector<16xf32>,
        %get3A_924 = arith.index_cast %add3A_916 : i32 to index
        %get3A_925 = arith.constant 32 : index
        %get3A_926 = tpu.vector_load %arg5[%get3A_924, %get3A_925] {strides = array<i32>} : memref<128x64xf32, #tpu.memory_space<vmem>>, vector<16xf32>,
        %get3A_927 = arith.index_cast %add3A_916 : i32 to index
        %get3A_928 = arith.constant 48 : index
        %get3A_929 = tpu.vector_load %arg5[%get3A_927, %get3A_928] {strides = array<i32>} : memref<128x64xf32, #tpu.memory_space<vmem>>, vector<16xf32>,
        %add3A_930 = arith.constant 1 : i32
        %add3A_931 = vector.broadcast %add3A_930 : i32 to vector<16xi32>
        %add3A_932 = arith.addi %iota3A, %add3A_931 : vector<16xi32>
        %min3A_933 = arith.constant 63 : i32
        %min3A_934 = vector.broadcast %min3A_933 : i32 to vector<16xi32>
        %min3A_935 = arith.minsi %add3A_932, %min3A_934 : vector<16xi32>
        %gather3A_936 = tpu.vector_load_idx %arg5[%broadcast_in_dim3A_917, %min3A_935] : memref<128x64xf32, #tpu.memory_space<vmem>>[vector<16xi32>, vector<16xi32>], vector<16xf32>,
        %add3A_937 = arith.constant 17 : i32
        %add3A_938 = vector.broadcast %add3A_937 : i32 to vector<16xi32>
        %add3A_939 = arith.addi %iota3A, %add3A_938 : vector<16xi32>
        %min3A_940 = arith.constant 63 : i32
        %min3A_941 = vector.broadcast %min3A_940 : i32 to vector<16xi32>
        %min3A_942 = arith.minsi %add3A_939, %min3A_941 : vector<16xi32>
        %gather3A_943 = tpu.vector_load_idx %arg5[%broadcast_in_dim3A_917, %min3A_942] : memref<128x64xf32, #tpu.memory_space<vmem>>[vector<16xi32>, vector<16xi32>], vector<16xf32>,
        %add3A_944 = arith.constant 33 : i32
        %add3A_945 = vector.broadcast %add3A_944 : i32 to vector<16xi32>
        %add3A_946 = arith.addi %iota3A, %add3A_945 : vector<16xi32>
        %min3A_947 = arith.constant 63 : i32
        %min3A_948 = vector.broadcast %min3A_947 : i32 to vector<16xi32>
        %min3A_949 = arith.minsi %add3A_946, %min3A_948 : vector<16xi32>
        %gather3A_950 = tpu.vector_load_idx %arg5[%broadcast_in_dim3A_917, %min3A_949] : memref<128x64xf32, #tpu.memory_space<vmem>>[vector<16xi32>, vector<16xi32>], vector<16xf32>,
        %add3A_951 = arith.constant 49 : i32
        %add3A_952 = vector.broadcast %add3A_951 : i32 to vector<16xi32>
        %add3A_953 = arith.addi %iota3A, %add3A_952 : vector<16xi32>
        %min3A_954 = arith.constant 63 : i32
        %min3A_955 = vector.broadcast %min3A_954 : i32 to vector<16xi32>
        %min3A_956 = arith.minsi %add3A_953, %min3A_955 : vector<16xi32>
        %gather3A_957 = tpu.vector_load_idx %arg5[%broadcast_in_dim3A_917, %min3A_956] : memref<128x64xf32, #tpu.memory_space<vmem>>[vector<16xi32>, vector<16xi32>], vector<16xf32>,
        %add3A_958 = arith.constant 1 : i32
        %add3A_959 = vector.broadcast %add3A_958 : i32 to vector<16xi32>
        %add3A_960 = arith.addi %iota3A, %add3A_959 : vector<16xi32>
        %min3A_961 = arith.constant 63 : i32
        %min3A_962 = vector.broadcast %min3A_961 : i32 to vector<16xi32>
        %min3A_963 = arith.minsi %add3A_960, %min3A_962 : vector<16xi32>
        %gather3A_964 = tpu.vector_load_idx %arg6[%broadcast_in_dim3A_917, %min3A_963] : memref<128x64xf32, #tpu.memory_space<vmem>>[vector<16xi32>, vector<16xi32>], vector<16xf32>,
        %add3A_965 = arith.constant 17 : i32
        %add3A_966 = vector.broadcast %add3A_965 : i32 to vector<16xi32>
        %add3A_967 = arith.addi %iota3A, %add3A_966 : vector<16xi32>
        %min3A_968 = arith.constant 63 : i32
        %min3A_969 = vector.broadcast %min3A_968 : i32 to vector<16xi32>
        %min3A_970 = arith.minsi %add3A_967, %min3A_969 : vector<16xi32>
        %gather3A_971 = tpu.vector_load_idx %arg6[%broadcast_in_dim3A_917, %min3A_970] : memref<128x64xf32, #tpu.memory_space<vmem>>[vector<16xi32>, vector<16xi32>], vector<16xf32>,
        %add3A_972 = arith.constant 33 : i32
        %add3A_973 = vector.broadcast %add3A_972 : i32 to vector<16xi32>
        %add3A_974 = arith.addi %iota3A, %add3A_973 : vector<16xi32>
        %min3A_975 = arith.constant 63 : i32
        %min3A_976 = vector.broadcast %min3A_975 : i32 to vector<16xi32>
        %min3A_977 = arith.minsi %add3A_974, %min3A_976 : vector<16xi32>
        %gather3A_978 = tpu.vector_load_idx %arg6[%broadcast_in_dim3A_917, %min3A_977] : memref<128x64xf32, #tpu.memory_space<vmem>>[vector<16xi32>, vector<16xi32>], vector<16xf32>,
        %add3A_979 = arith.constant 49 : i32
        %add3A_980 = vector.broadcast %add3A_979 : i32 to vector<16xi32>
        %add3A_981 = arith.addi %iota3A, %add3A_980 : vector<16xi32>
        %min3A_982 = arith.constant 63 : i32
        %min3A_983 = vector.broadcast %min3A_982 : i32 to vector<16xi32>
        %min3A_984 = arith.minsi %add3A_981, %min3A_983 : vector<16xi32>
        %gather3A_985 = tpu.vector_load_idx %arg6[%broadcast_in_dim3A_917, %min3A_984] : memref<128x64xf32, #tpu.memory_space<vmem>>[vector<16xi32>, vector<16xi32>], vector<16xf32>,
        %add3A_986 = arith.addf %get3A_920, %gather3A_936 : vector<16xf32>
        %mul3A_987 = arith.constant 5.000000e-01 : f32
        %mul3A_988 = vector.broadcast %mul3A_987 : f32 to vector<16xf32>
        %mul3A_989 = arith.mulf %mul3A_988, %add3A_986 : vector<16xf32>
        %swap3A_990 = arith.constant 0 : index
        %swap3A_991 = tpu.vector_load %arg12[%swap3A_990] {strides = array<i32>} : memref<64xf32, #tpu.memory_space<vmem>>, vector<16xf32>,
        tpu.vector_store %arg12[%swap3A_990], %mul3A_989 {strides = array<i32>} : memref<64xf32, #tpu.memory_space<vmem>>, vector<16xf32>,
        %add3A_992 = arith.addf %get3A_923, %gather3A_943 : vector<16xf32>
        %mul3A_993 = arith.constant 5.000000e-01 : f32
        %mul3A_994 = vector.broadcast %mul3A_993 : f32 to vector<16xf32>
        %mul3A_995 = arith.mulf %mul3A_994, %add3A_992 : vector<16xf32>
        %swap3A_996 = arith.constant 16 : index
        %swap3A_997 = tpu.vector_load %arg12[%swap3A_996] {strides = array<i32>} : memref<64xf32, #tpu.memory_space<vmem>>, vector<16xf32>,
        tpu.vector_store %arg12[%swap3A_996], %mul3A_995 {strides = array<i32>} : memref<64xf32, #tpu.memory_space<vmem>>, vector<16xf32>,
        %add3A_998 = arith.addf %get3A_926, %gather3A_950 : vector<16xf32>
        %mul3A_999 = arith.constant 5.000000e-01 : f32
        %mul3A_1000 = vector.broadcast %mul3A_999 : f32 to vector<16xf32>
        %mul3A_1001 = arith.mulf %mul3A_1000, %add3A_998 : vector<16xf32>
        %swap3A_1002 = arith.constant 32 : index
        %swap3A_1003 = tpu.vector_load %arg12[%swap3A_1002] {strides = array<i32>} : memref<64xf32, #tpu.memory_space<vmem>>, vector<16xf32>,
        tpu.vector_store %arg12[%swap3A_1002], %mul3A_1001 {strides = array<i32>} : memref<64xf32, #tpu.memory_space<vmem>>, vector<16xf32>,
        %add3A_1004 = arith.addf %get3A_929, %gather3A_957 : vector<16xf32>
        %mul3A_1005 = arith.constant 5.000000e-01 : f32
        %mul3A_1006 = vector.broadcast %mul3A_1005 : f32 to vector<16xf32>
        %mul3A_1007 = arith.mulf %mul3A_1006, %add3A_1004 : vector<16xf32>
        %swap3A_1008 = arith.constant 48 : index
        %swap3A_1009 = tpu.vector_load %arg12[%swap3A_1008] {strides = array<i32>} : memref<64xf32, #tpu.memory_space<vmem>>, vector<16xf32>,
        tpu.vector_store %arg12[%swap3A_1008], %mul3A_1007 {strides = array<i32>} : memref<64xf32, #tpu.memory_space<vmem>>, vector<16xf32>,
        %add3A_1010 = arith.constant 9.99999974E-6 : f32
        %add3A_1011 = vector.broadcast %add3A_1010 : f32 to vector<16xf32>
        %add3A_1012 = arith.addf %gather3A_964, %add3A_1011 : vector<16xf32>
        %broadcast_in_dim3A_1013 = arith.constant true
        %broadcast_in_dim3A_1014 = vector.broadcast %broadcast_in_dim3A_1013 : i1 to vector<16xi1>
        %masked_cumsum3A_1015 = tpu.scan <sum>, %add3A_1012 masked %broadcast_in_dim3A_1014 : vector<16xf32>, vector<16xi1> -> vector<16xf32>
        %add3A_1016 = arith.constant 0.000000e+00 : f32
        %add3A_1017 = vector.broadcast %add3A_1016 : f32 to vector<16xf32>
        %add3A_1018 = arith.addf %masked_cumsum3A_1015, %add3A_1017 : vector<16xf32>
        %reduce_max3A_1019 = arith.constant true
        %reduce_max3A_1020 = vector.broadcast %reduce_max3A_1019 : i1 to vector<16xi1>
        %reduce_max3A_1021 = tpu.scan <max>, %add3A_1018 masked %reduce_max3A_1020 : vector<16xf32>, vector<16xi1> -> vector<16xf32>
        %reduce_max3A_1022 = vector.extract %reduce_max3A_1021[15] : f32 from vector<16xf32>
        %add3A_1023 = arith.constant 9.99999974E-6 : f32
        %add3A_1024 = vector.broadcast %add3A_1023 : f32 to vector<16xf32>
        %add3A_1025 = arith.addf %gather3A_971, %add3A_1024 : vector<16xf32>
        %broadcast_in_dim3A_1026 = arith.constant true
        %broadcast_in_dim3A_1027 = vector.broadcast %broadcast_in_dim3A_1026 : i1 to vector<16xi1>
        %masked_cumsum3A_1028 = tpu.scan <sum>, %add3A_1025 masked %broadcast_in_dim3A_1027 : vector<16xf32>, vector<16xi1> -> vector<16xf32>
        %add3A_1029 = vector.broadcast %reduce_max3A_1022 : f32 to vector<16xf32>
        %add3A_1030 = arith.addf %masked_cumsum3A_1028, %add3A_1029 : vector<16xf32>
        %reduce_max3A_1031 = arith.constant true
        %reduce_max3A_1032 = vector.broadcast %reduce_max3A_1031 : i1 to vector<16xi1>
        %reduce_max3A_1033 = tpu.scan <max>, %add3A_1030 masked %reduce_max3A_1032 : vector<16xf32>, vector<16xi1> -> vector<16xf32>
        %reduce_max3A_1034 = vector.extract %reduce_max3A_1033[15] : f32 from vector<16xf32>
        %add3A_1035 = arith.constant 9.99999974E-6 : f32
        %add3A_1036 = vector.broadcast %add3A_1035 : f32 to vector<16xf32>
        %add3A_1037 = arith.addf %gather3A_978, %add3A_1036 : vector<16xf32>
        %broadcast_in_dim3A_1038 = arith.constant true
        %broadcast_in_dim3A_1039 = vector.broadcast %broadcast_in_dim3A_1038 : i1 to vector<16xi1>
        %masked_cumsum3A_1040 = tpu.scan <sum>, %add3A_1037 masked %broadcast_in_dim3A_1039 : vector<16xf32>, vector<16xi1> -> vector<16xf32>
        %add3A_1041 = vector.broadcast %reduce_max3A_1034 : f32 to vector<16xf32>
        %add3A_1042 = arith.addf %masked_cumsum3A_1040, %add3A_1041 : vector<16xf32>
        %reduce_max3A_1043 = arith.constant true
        %reduce_max3A_1044 = vector.broadcast %reduce_max3A_1043 : i1 to vector<16xi1>
        %reduce_max3A_1045 = tpu.scan <max>, %add3A_1042 masked %reduce_max3A_1044 : vector<16xf32>, vector<16xi1> -> vector<16xf32>
        %reduce_max3A_1046 = vector.extract %reduce_max3A_1045[15] : f32 from vector<16xf32>
        %add3A_1047 = arith.constant 9.99999974E-6 : f32
        %add3A_1048 = vector.broadcast %add3A_1047 : f32 to vector<16xf32>
        %add3A_1049 = arith.addf %gather3A_985, %add3A_1048 : vector<16xf32>
        %lt3A_1050 = arith.constant 14 : i32
        %lt3A_1051 = vector.broadcast %lt3A_1050 : i32 to vector<16xi32>
        %lt3A_1052 = arith.cmpi slt, %iota3A, %lt3A_1051 : vector<16xi32>
        %jit3A_1053 = arith.constant 0.000000e+00 : f32
        %broadcast_in_dim3A_1054 = vector.broadcast %jit3A_1053 : f32 to vector<16xf32>
        %select_n3A_1055 = arith.select %lt3A_1052, %add3A_1049, %broadcast_in_dim3A_1054 : vector<16xi1>, vector<16xf32>
        %broadcast_in_dim3A_1056 = arith.constant true
        %broadcast_in_dim3A_1057 = vector.broadcast %broadcast_in_dim3A_1056 : i1 to vector<16xi1>
        %masked_cumsum3A_1058 = tpu.scan <sum>, %select_n3A_1055 masked %broadcast_in_dim3A_1057 : vector<16xf32>, vector<16xi1> -> vector<16xf32>
        %add3A_1059 = vector.broadcast %reduce_max3A_1046 : f32 to vector<16xf32>
        %add3A_1060 = arith.addf %masked_cumsum3A_1058, %add3A_1059 : vector<16xf32>
        %reduce_max3A_1061 = arith.constant true
        %reduce_max3A_1062 = vector.broadcast %reduce_max3A_1061 : i1 to vector<16xi1>
        %reduce_max3A_1063 = tpu.scan <max>, %add3A_1060 masked %reduce_max3A_1062 : vector<16xf32>, vector<16xi1> -> vector<16xf32>
        %reduce_max3A_1064 = vector.extract %reduce_max3A_1063[15] : f32 from vector<16xf32>
        %broadcast_in_dim3A_1065 = vector.broadcast %reduce_max3A_1064 : f32 to vector<16xf32>
        %div3A_1066 = arith.constant 1.000000e+00 : f32
        %div3A_1067 = vector.broadcast %div3A_1066 : f32 to vector<16xf32>
        %div3A_1068 = arith.divf %div3A_1067, %broadcast_in_dim3A_1065 : vector<16xf32>
        %broadcast_in_dim3A_1069 = arith.constant 0.000000e+00 : f32
        %broadcast_in_dim3A_1070 = vector.broadcast %broadcast_in_dim3A_1069 : f32 to vector<16xf32>
        %swap3A_1071 = arith.constant 0 : index
        %swap3A_1072 = tpu.vector_load %arg11[%swap3A_1071] {strides = array<i32>} : memref<64xf32, #tpu.memory_space<vmem>>, vector<16xf32>,
        tpu.vector_store %arg11[%swap3A_1071], %broadcast_in_dim3A_1070 {strides = array<i32>} : memref<64xf32, #tpu.memory_space<vmem>>, vector<16xf32>,
        %mul3A_1073 = arith.mulf %add3A_1018, %div3A_1068 : vector<16xf32>
        %add3A_1074 = arith.constant 1 : i32
        %add3A_1075 = vector.broadcast %add3A_1074 : i32 to vector<16xi32>
        %add3A_1076 = arith.addi %iota3A, %add3A_1075 : vector<16xi32>
        tpu.vector_store_idx %arg11[%add3A_1076], %mul3A_1073 : memref<64xf32, #tpu.memory_space<vmem>>[vector<16xi32>], vector<16xf32>,
        %mul3A_1077 = arith.mulf %add3A_1030, %div3A_1068 : vector<16xf32>
        %add3A_1078 = arith.constant 17 : i32
        %add3A_1079 = vector.broadcast %add3A_1078 : i32 to vector<16xi32>
        %add3A_1080 = arith.addi %iota3A, %add3A_1079 : vector<16xi32>
        tpu.vector_store_idx %arg11[%add3A_1080], %mul3A_1077 : memref<64xf32, #tpu.memory_space<vmem>>[vector<16xi32>], vector<16xf32>,
        %mul3A_1081 = arith.mulf %add3A_1042, %div3A_1068 : vector<16xf32>
        %add3A_1082 = arith.constant 33 : i32
        %add3A_1083 = vector.broadcast %add3A_1082 : i32 to vector<16xi32>
        %add3A_1084 = arith.addi %iota3A, %add3A_1083 : vector<16xi32>
        tpu.vector_store_idx %arg11[%add3A_1084], %mul3A_1081 : memref<64xf32, #tpu.memory_space<vmem>>[vector<16xi32>], vector<16xf32>,
        %mul3A_1085 = arith.mulf %add3A_1060, %div3A_1068 : vector<16xf32>
        %lt3A_1086 = arith.constant 14 : i32
        %lt3A_1087 = vector.broadcast %lt3A_1086 : i32 to vector<16xi32>
        %lt3A_1088 = arith.cmpi slt, %iota3A, %lt3A_1087 : vector<16xi32>
        %add3A_1089 = arith.constant 49 : i32
        %add3A_1090 = vector.broadcast %add3A_1089 : i32 to vector<16xi32>
        %add3A_1091 = arith.addi %iota3A, %add3A_1090 : vector<16xi32>
        tpu.vector_store_idx %arg11[%add3A_1091], %mul3A_1085 masked %lt3A_1088 : memref<64xf32, #tpu.memory_space<vmem>>[vector<16xi32>], vector<16xf32>, vector<16xi1>
        %broadcast_in_dim3A_1092 = arith.constant 0 : i32
        %broadcast_in_dim3A_1093 = vector.broadcast %broadcast_in_dim3A_1092 : i32 to vector<16xi32>
        %swap3A_1094 = arith.constant 0 : index
        %swap3A_1095 = tpu.vector_load %arg13[%swap3A_1094] {strides = array<i32>} : memref<128xi32, #tpu.memory_space<vmem>>, vector<16xi32>,
        tpu.vector_store %arg13[%swap3A_1094], %broadcast_in_dim3A_1093 {strides = array<i32>} : memref<128xi32, #tpu.memory_space<vmem>>, vector<16xi32>,
        %broadcast_in_dim3A_1096 = arith.constant 0 : i32
        %broadcast_in_dim3A_1097 = vector.broadcast %broadcast_in_dim3A_1096 : i32 to vector<16xi32>
        %swap3A_1098 = arith.constant 16 : index
        %swap3A_1099 = tpu.vector_load %arg13[%swap3A_1098] {strides = array<i32>} : memref<128xi32, #tpu.memory_space<vmem>>, vector<16xi32>,
        tpu.vector_store %arg13[%swap3A_1098], %broadcast_in_dim3A_1097 {strides = array<i32>} : memref<128xi32, #tpu.memory_space<vmem>>, vector<16xi32>,
        %broadcast_in_dim3A_1100 = arith.constant 0 : i32
        %broadcast_in_dim3A_1101 = vector.broadcast %broadcast_in_dim3A_1100 : i32 to vector<16xi32>
        %swap3A_1102 = arith.constant 32 : index
        %swap3A_1103 = tpu.vector_load %arg13[%swap3A_1102] {strides = array<i32>} : memref<128xi32, #tpu.memory_space<vmem>>, vector<16xi32>,
        tpu.vector_store %arg13[%swap3A_1102], %broadcast_in_dim3A_1101 {strides = array<i32>} : memref<128xi32, #tpu.memory_space<vmem>>, vector<16xi32>,
        %broadcast_in_dim3A_1104 = arith.constant 0 : i32
        %broadcast_in_dim3A_1105 = vector.broadcast %broadcast_in_dim3A_1104 : i32 to vector<16xi32>
        %swap3A_1106 = arith.constant 48 : index
        %swap3A_1107 = tpu.vector_load %arg13[%swap3A_1106] {strides = array<i32>} : memref<128xi32, #tpu.memory_space<vmem>>, vector<16xi32>,
        tpu.vector_store %arg13[%swap3A_1106], %broadcast_in_dim3A_1105 {strides = array<i32>} : memref<128xi32, #tpu.memory_space<vmem>>, vector<16xi32>,
        %broadcast_in_dim3A_1108 = arith.constant 0 : i32
        %broadcast_in_dim3A_1109 = vector.broadcast %broadcast_in_dim3A_1108 : i32 to vector<16xi32>
        %swap3A_1110 = arith.constant 64 : index
        %swap3A_1111 = tpu.vector_load %arg13[%swap3A_1110] {strides = array<i32>} : memref<128xi32, #tpu.memory_space<vmem>>, vector<16xi32>,
        tpu.vector_store %arg13[%swap3A_1110], %broadcast_in_dim3A_1109 {strides = array<i32>} : memref<128xi32, #tpu.memory_space<vmem>>, vector<16xi32>,
        %broadcast_in_dim3A_1112 = arith.constant 0 : i32
        %broadcast_in_dim3A_1113 = vector.broadcast %broadcast_in_dim3A_1112 : i32 to vector<16xi32>
        %swap3A_1114 = arith.constant 80 : index
        %swap3A_1115 = tpu.vector_load %arg13[%swap3A_1114] {strides = array<i32>} : memref<128xi32, #tpu.memory_space<vmem>>, vector<16xi32>,
        tpu.vector_store %arg13[%swap3A_1114], %broadcast_in_dim3A_1113 {strides = array<i32>} : memref<128xi32, #tpu.memory_space<vmem>>, vector<16xi32>,
        %broadcast_in_dim3A_1116 = arith.constant 0 : i32
        %broadcast_in_dim3A_1117 = vector.broadcast %broadcast_in_dim3A_1116 : i32 to vector<16xi32>
        %swap3A_1118 = arith.constant 96 : index
        %swap3A_1119 = tpu.vector_load %arg13[%swap3A_1118] {strides = array<i32>} : memref<128xi32, #tpu.memory_space<vmem>>, vector<16xi32>,
        tpu.vector_store %arg13[%swap3A_1118], %broadcast_in_dim3A_1117 {strides = array<i32>} : memref<128xi32, #tpu.memory_space<vmem>>, vector<16xi32>,
        %broadcast_in_dim3A_1120 = arith.constant 0 : i32
        %broadcast_in_dim3A_1121 = vector.broadcast %broadcast_in_dim3A_1120 : i32 to vector<16xi32>
        %swap3A_1122 = arith.constant 112 : index
        %swap3A_1123 = tpu.vector_load %arg13[%swap3A_1122] {strides = array<i32>} : memref<128xi32, #tpu.memory_space<vmem>>, vector<16xi32>,
        tpu.vector_store %arg13[%swap3A_1122], %broadcast_in_dim3A_1121 {strides = array<i32>} : memref<128xi32, #tpu.memory_space<vmem>>, vector<16xi32>,
        %broadcast_in_dim3A_1124 = arith.constant 1 : i32
        %broadcast_in_dim3A_1125 = vector.broadcast %broadcast_in_dim3A_1124 : i32 to vector<16xi32>
        %mul3A_1126 = arith.constant 1.270000e+02 : f32
        %mul3A_1127 = vector.broadcast %mul3A_1126 : f32 to vector<16xf32>
        %mul3A_1128 = arith.mulf %mul3A_1127, %mul3A_1073 : vector<16xf32>
        %convert_element_type3A_1129 = arith.fptosi %mul3A_1128 : vector<16xf32> to vector<16xi32>
        %convert_element_type3A_1130 = arith.sitofp %convert_element_type3A_1129 : vector<16xi32> to vector<16xf32>
        %lt3A_1131 = arith.cmpf olt, %convert_element_type3A_1130, %mul3A_1128 : vector<16xf32>
        %convert_element_type3A_1132 = arith.extui %lt3A_1131 : vector<16xi1> to vector<16xi32>
        %add3A_1133 = arith.addi %convert_element_type3A_1129, %convert_element_type3A_1132 : vector<16xi32>
        %le3A_1134 = arith.constant 127 : i32
        %le3A_1135 = vector.broadcast %le3A_1134 : i32 to vector<16xi32>
        %le3A_1136 = arith.cmpi sle, %add3A_1133, %le3A_1135 : vector<16xi32>
        %min3A_1137 = arith.constant 127 : i32
        %min3A_1138 = vector.broadcast %min3A_1137 : i32 to vector<16xi32>
        %min3A_1139 = arith.minsi %add3A_1133, %min3A_1138 : vector<16xi32>
        tpu.vector_store_idx %arg13[%min3A_1139], %broadcast_in_dim3A_1125 masked %le3A_1136 {add = true} : memref<128xi32, #tpu.memory_space<vmem>>[vector<16xi32>], vector<16xi32>, vector<16xi1>
        %mul3A_1140 = arith.constant 1.270000e+02 : f32
        %mul3A_1141 = vector.broadcast %mul3A_1140 : f32 to vector<16xf32>
        %mul3A_1142 = arith.mulf %mul3A_1141, %mul3A_1077 : vector<16xf32>
        %convert_element_type3A_1143 = arith.fptosi %mul3A_1142 : vector<16xf32> to vector<16xi32>
        %convert_element_type3A_1144 = arith.sitofp %convert_element_type3A_1143 : vector<16xi32> to vector<16xf32>
        %lt3A_1145 = arith.cmpf olt, %convert_element_type3A_1144, %mul3A_1142 : vector<16xf32>
        %convert_element_type3A_1146 = arith.extui %lt3A_1145 : vector<16xi1> to vector<16xi32>
        %add3A_1147 = arith.addi %convert_element_type3A_1143, %convert_element_type3A_1146 : vector<16xi32>
        %le3A_1148 = arith.constant 127 : i32
        %le3A_1149 = vector.broadcast %le3A_1148 : i32 to vector<16xi32>
        %le3A_1150 = arith.cmpi sle, %add3A_1147, %le3A_1149 : vector<16xi32>
        %min3A_1151 = arith.constant 127 : i32
        %min3A_1152 = vector.broadcast %min3A_1151 : i32 to vector<16xi32>
        %min3A_1153 = arith.minsi %add3A_1147, %min3A_1152 : vector<16xi32>
        tpu.vector_store_idx %arg13[%min3A_1153], %broadcast_in_dim3A_1125 masked %le3A_1150 {add = true} : memref<128xi32, #tpu.memory_space<vmem>>[vector<16xi32>], vector<16xi32>, vector<16xi1>
        %mul3A_1154 = arith.constant 1.270000e+02 : f32
        %mul3A_1155 = vector.broadcast %mul3A_1154 : f32 to vector<16xf32>
        %mul3A_1156 = arith.mulf %mul3A_1155, %mul3A_1081 : vector<16xf32>
        %convert_element_type3A_1157 = arith.fptosi %mul3A_1156 : vector<16xf32> to vector<16xi32>
        %convert_element_type3A_1158 = arith.sitofp %convert_element_type3A_1157 : vector<16xi32> to vector<16xf32>
        %lt3A_1159 = arith.cmpf olt, %convert_element_type3A_1158, %mul3A_1156 : vector<16xf32>
        %convert_element_type3A_1160 = arith.extui %lt3A_1159 : vector<16xi1> to vector<16xi32>
        %add3A_1161 = arith.addi %convert_element_type3A_1157, %convert_element_type3A_1160 : vector<16xi32>
        %le3A_1162 = arith.constant 127 : i32
        %le3A_1163 = vector.broadcast %le3A_1162 : i32 to vector<16xi32>
        %le3A_1164 = arith.cmpi sle, %add3A_1161, %le3A_1163 : vector<16xi32>
        %min3A_1165 = arith.constant 127 : i32
        %min3A_1166 = vector.broadcast %min3A_1165 : i32 to vector<16xi32>
        %min3A_1167 = arith.minsi %add3A_1161, %min3A_1166 : vector<16xi32>
        tpu.vector_store_idx %arg13[%min3A_1167], %broadcast_in_dim3A_1125 masked %le3A_1164 {add = true} : memref<128xi32, #tpu.memory_space<vmem>>[vector<16xi32>], vector<16xi32>, vector<16xi1>
        %mul3A_1168 = arith.constant 1.270000e+02 : f32
        %mul3A_1169 = vector.broadcast %mul3A_1168 : f32 to vector<16xf32>
        %mul3A_1170 = arith.mulf %mul3A_1169, %mul3A_1085 : vector<16xf32>
        %convert_element_type3A_1171 = arith.fptosi %mul3A_1170 : vector<16xf32> to vector<16xi32>
        %convert_element_type3A_1172 = arith.sitofp %convert_element_type3A_1171 : vector<16xi32> to vector<16xf32>
        %lt3A_1173 = arith.cmpf olt, %convert_element_type3A_1172, %mul3A_1170 : vector<16xf32>
        %convert_element_type3A_1174 = arith.extui %lt3A_1173 : vector<16xi1> to vector<16xi32>
        %add3A_1175 = arith.addi %convert_element_type3A_1171, %convert_element_type3A_1174 : vector<16xi32>
        %le3A_1176 = arith.constant 127 : i32
        %le3A_1177 = vector.broadcast %le3A_1176 : i32 to vector<16xi32>
        %le3A_1178 = arith.cmpi sle, %add3A_1175, %le3A_1177 : vector<16xi32>
        %lt3A_1179 = arith.constant 14 : i32
        %lt3A_1180 = vector.broadcast %lt3A_1179 : i32 to vector<16xi32>
        %lt3A_1181 = arith.cmpi slt, %iota3A, %lt3A_1180 : vector<16xi32>
        %and3A_1182 = arith.andi %le3A_1178, %lt3A_1181 : vector<16xi1>
        %min3A_1183 = arith.constant 127 : i32
        %min3A_1184 = vector.broadcast %min3A_1183 : i32 to vector<16xi32>
        %min3A_1185 = arith.minsi %add3A_1175, %min3A_1184 : vector<16xi32>
        tpu.vector_store_idx %arg13[%min3A_1185], %broadcast_in_dim3A_1125 masked %and3A_1182 {add = true} : memref<128xi32, #tpu.memory_space<vmem>>[vector<16xi32>], vector<16xi32>, vector<16xi1>
        %get3A_1186 = arith.constant 0 : index
        %get3A_1187 = tpu.vector_load %arg13[%get3A_1186] {strides = array<i32>} : memref<128xi32, #tpu.memory_space<vmem>>, vector<16xi32>,
        %broadcast_in_dim3A_1188 = arith.constant true
        %broadcast_in_dim3A_1189 = vector.broadcast %broadcast_in_dim3A_1188 : i1 to vector<16xi1>
        %masked_cumsum3A_1190 = tpu.scan <sum>, %get3A_1187 masked %broadcast_in_dim3A_1189 : vector<16xi32>, vector<16xi1> -> vector<16xi32>
        %add3A_1191 = arith.constant 0 : i32
        %add3A_1192 = vector.broadcast %add3A_1191 : i32 to vector<16xi32>
        %add3A_1193 = arith.addi %masked_cumsum3A_1190, %add3A_1192 : vector<16xi32>
        %reduce_max3A_1194 = arith.constant true
        %reduce_max3A_1195 = vector.broadcast %reduce_max3A_1194 : i1 to vector<16xi1>
        %reduce_max3A_1196 = arith.constant -2147483648 : i32
        %reduce_max3A_1197 = vector.broadcast %reduce_max3A_1196 : i32 to vector<16xi32>
        %reduce_max3A_1198 = arith.xori %add3A_1193, %reduce_max3A_1197 : vector<16xi32>
        %reduce_max3A_1199 = tpu.scan <max>, %reduce_max3A_1198 masked %reduce_max3A_1195 : vector<16xi32>, vector<16xi1> -> vector<16xi32>
        %reduce_max3A_1200 = arith.xori %reduce_max3A_1199, %reduce_max3A_1197 : vector<16xi32>
        %reduce_max3A_1201 = vector.extract %reduce_max3A_1200[15] : i32 from vector<16xi32>
        %add3A_1202 = arith.constant 1 : i32
        %add3A_1203 = vector.broadcast %add3A_1202 : i32 to vector<16xi32>
        %add3A_1204 = arith.addi %add3A_1193, %add3A_1203 : vector<16xi32>
        %min3A_1205 = arith.constant 62 : i32
        %min3A_1206 = vector.broadcast %min3A_1205 : i32 to vector<16xi32>
        %min3A_1207 = arith.minsi %add3A_1204, %min3A_1206 : vector<16xi32>
        %gather3A_1208 = tpu.vector_load_idx %arg11[%add3A_1193] : memref<64xf32, #tpu.memory_space<vmem>>[vector<16xi32>], vector<16xf32>,
        %gather3A_1209 = tpu.vector_load_idx %arg11[%min3A_1207] : memref<64xf32, #tpu.memory_space<vmem>>[vector<16xi32>], vector<16xf32>,
        %gather3A_1210 = tpu.vector_load_idx %arg12[%add3A_1193] : memref<64xf32, #tpu.memory_space<vmem>>[vector<16xi32>], vector<16xf32>,
        %gather3A_1211 = tpu.vector_load_idx %arg12[%min3A_1207] : memref<64xf32, #tpu.memory_space<vmem>>[vector<16xi32>], vector<16xf32>,
        %add3A_1212 = arith.constant 0 : i32
        %add3A_1213 = vector.broadcast %add3A_1212 : i32 to vector<16xi32>
        %add3A_1214 = arith.addi %iota3A, %add3A_1213 : vector<16xi32>
        %convert_element_type3A_1215 = arith.sitofp %add3A_1214 : vector<16xi32> to vector<16xf32>
        %mul3A_1216 = arith.constant 0.00787401571 : f32
        %mul3A_1217 = vector.broadcast %mul3A_1216 : f32 to vector<16xf32>
        %mul3A_1218 = arith.mulf %convert_element_type3A_1215, %mul3A_1217 : vector<16xf32>
        %sub3A_1219 = arith.subf %gather3A_1209, %gather3A_1208 : vector<16xf32>
        %lt3A_1220 = arith.constant 9.99999974E-6 : f32
        %lt3A_1221 = vector.broadcast %lt3A_1220 : f32 to vector<16xf32>
        %lt3A_1222 = arith.cmpf olt, %sub3A_1219, %lt3A_1221 : vector<16xf32>
        %jit3A_1223 = arith.constant 1.000000e+00 : f32
        %broadcast_in_dim3A_1224 = vector.broadcast %jit3A_1223 : f32 to vector<16xf32>
        %select_n3A_1225 = arith.select %lt3A_1222, %broadcast_in_dim3A_1224, %sub3A_1219 : vector<16xi1>, vector<16xf32>
        %sub3A_1226 = arith.subf %mul3A_1218, %gather3A_1208 : vector<16xf32>
        %div3A_1227 = arith.divf %sub3A_1226, %select_n3A_1225 : vector<16xf32>
        %sub3A_1228 = arith.subf %gather3A_1211, %gather3A_1210 : vector<16xf32>
        %mul3A_1229 = arith.mulf %div3A_1227, %sub3A_1228 : vector<16xf32>
        %add3A_1230 = arith.addf %gather3A_1210, %mul3A_1229 : vector<16xf32>
        %broadcast_in_dim3A_1231 = arith.constant true
        %broadcast_in_dim3A_1232 = vector.broadcast %broadcast_in_dim3A_1231 : i1 to vector<16xi1>
        %masked_cummax3A_1233 = tpu.scan <max>, %add3A_1230 masked %broadcast_in_dim3A_1232 : vector<16xf32>, vector<16xi1> -> vector<16xf32>
        %max3A_1234 = arith.constant -1.000000e+30 : f32
        %max3A_1235 = vector.broadcast %max3A_1234 : f32 to vector<16xf32>
        %max3A_1236 = arith.maximumf %masked_cummax3A_1233, %max3A_1235 : vector<16xf32>
        %reduce_max3A_1237 = arith.constant true
        %reduce_max3A_1238 = vector.broadcast %reduce_max3A_1237 : i1 to vector<16xi1>
        %reduce_max3A_1239 = tpu.scan <max>, %max3A_1236 masked %reduce_max3A_1238 : vector<16xf32>, vector<16xi1> -> vector<16xf32>
        %reduce_max3A_1240 = vector.extract %reduce_max3A_1239[15] : f32 from vector<16xf32>
        %get3A_1241 = arith.constant 16 : index
        %get3A_1242 = tpu.vector_load %arg13[%get3A_1241] {strides = array<i32>} : memref<128xi32, #tpu.memory_space<vmem>>, vector<16xi32>,
        %broadcast_in_dim3A_1243 = arith.constant true
        %broadcast_in_dim3A_1244 = vector.broadcast %broadcast_in_dim3A_1243 : i1 to vector<16xi1>
        %masked_cumsum3A_1245 = tpu.scan <sum>, %get3A_1242 masked %broadcast_in_dim3A_1244 : vector<16xi32>, vector<16xi1> -> vector<16xi32>
        %add3A_1246 = vector.broadcast %reduce_max3A_1201 : i32 to vector<16xi32>
        %add3A_1247 = arith.addi %masked_cumsum3A_1245, %add3A_1246 : vector<16xi32>
        %reduce_max3A_1248 = arith.constant true
        %reduce_max3A_1249 = vector.broadcast %reduce_max3A_1248 : i1 to vector<16xi1>
        %reduce_max3A_1250 = arith.constant -2147483648 : i32
        %reduce_max3A_1251 = vector.broadcast %reduce_max3A_1250 : i32 to vector<16xi32>
        %reduce_max3A_1252 = arith.xori %add3A_1247, %reduce_max3A_1251 : vector<16xi32>
        %reduce_max3A_1253 = tpu.scan <max>, %reduce_max3A_1252 masked %reduce_max3A_1249 : vector<16xi32>, vector<16xi1> -> vector<16xi32>
        %reduce_max3A_1254 = arith.xori %reduce_max3A_1253, %reduce_max3A_1251 : vector<16xi32>
        %reduce_max3A_1255 = vector.extract %reduce_max3A_1254[15] : i32 from vector<16xi32>
        %add3A_1256 = arith.constant 1 : i32
        %add3A_1257 = vector.broadcast %add3A_1256 : i32 to vector<16xi32>
        %add3A_1258 = arith.addi %add3A_1247, %add3A_1257 : vector<16xi32>
        %min3A_1259 = arith.constant 62 : i32
        %min3A_1260 = vector.broadcast %min3A_1259 : i32 to vector<16xi32>
        %min3A_1261 = arith.minsi %add3A_1258, %min3A_1260 : vector<16xi32>
        %gather3A_1262 = tpu.vector_load_idx %arg11[%add3A_1247] : memref<64xf32, #tpu.memory_space<vmem>>[vector<16xi32>], vector<16xf32>,
        %gather3A_1263 = tpu.vector_load_idx %arg11[%min3A_1261] : memref<64xf32, #tpu.memory_space<vmem>>[vector<16xi32>], vector<16xf32>,
        %gather3A_1264 = tpu.vector_load_idx %arg12[%add3A_1247] : memref<64xf32, #tpu.memory_space<vmem>>[vector<16xi32>], vector<16xf32>,
        %gather3A_1265 = tpu.vector_load_idx %arg12[%min3A_1261] : memref<64xf32, #tpu.memory_space<vmem>>[vector<16xi32>], vector<16xf32>,
        %add3A_1266 = arith.constant 16 : i32
        %add3A_1267 = vector.broadcast %add3A_1266 : i32 to vector<16xi32>
        %add3A_1268 = arith.addi %iota3A, %add3A_1267 : vector<16xi32>
        %convert_element_type3A_1269 = arith.sitofp %add3A_1268 : vector<16xi32> to vector<16xf32>
        %mul3A_1270 = arith.constant 0.00787401571 : f32
        %mul3A_1271 = vector.broadcast %mul3A_1270 : f32 to vector<16xf32>
        %mul3A_1272 = arith.mulf %convert_element_type3A_1269, %mul3A_1271 : vector<16xf32>
        %sub3A_1273 = arith.subf %gather3A_1263, %gather3A_1262 : vector<16xf32>
        %lt3A_1274 = arith.constant 9.99999974E-6 : f32
        %lt3A_1275 = vector.broadcast %lt3A_1274 : f32 to vector<16xf32>
        %lt3A_1276 = arith.cmpf olt, %sub3A_1273, %lt3A_1275 : vector<16xf32>
        %jit3A_1277 = arith.constant 1.000000e+00 : f32
        %broadcast_in_dim3A_1278 = vector.broadcast %jit3A_1277 : f32 to vector<16xf32>
        %select_n3A_1279 = arith.select %lt3A_1276, %broadcast_in_dim3A_1278, %sub3A_1273 : vector<16xi1>, vector<16xf32>
        %sub3A_1280 = arith.subf %mul3A_1272, %gather3A_1262 : vector<16xf32>
        %div3A_1281 = arith.divf %sub3A_1280, %select_n3A_1279 : vector<16xf32>
        %sub3A_1282 = arith.subf %gather3A_1265, %gather3A_1264 : vector<16xf32>
        %mul3A_1283 = arith.mulf %div3A_1281, %sub3A_1282 : vector<16xf32>
        %add3A_1284 = arith.addf %gather3A_1264, %mul3A_1283 : vector<16xf32>
        %broadcast_in_dim3A_1285 = arith.constant true
        %broadcast_in_dim3A_1286 = vector.broadcast %broadcast_in_dim3A_1285 : i1 to vector<16xi1>
        %masked_cummax3A_1287 = tpu.scan <max>, %add3A_1284 masked %broadcast_in_dim3A_1286 : vector<16xf32>, vector<16xi1> -> vector<16xf32>
        %max3A_1288 = vector.broadcast %reduce_max3A_1240 : f32 to vector<16xf32>
        %max3A_1289 = arith.maximumf %masked_cummax3A_1287, %max3A_1288 : vector<16xf32>
        %reduce_max3A_1290 = arith.constant true
        %reduce_max3A_1291 = vector.broadcast %reduce_max3A_1290 : i1 to vector<16xi1>
        %reduce_max3A_1292 = tpu.scan <max>, %max3A_1289 masked %reduce_max3A_1291 : vector<16xf32>, vector<16xi1> -> vector<16xf32>
        %reduce_max3A_1293 = vector.extract %reduce_max3A_1292[15] : f32 from vector<16xf32>
        %get3A_1294 = arith.constant 32 : index
        %get3A_1295 = tpu.vector_load %arg13[%get3A_1294] {strides = array<i32>} : memref<128xi32, #tpu.memory_space<vmem>>, vector<16xi32>,
        %broadcast_in_dim3A_1296 = arith.constant true
        %broadcast_in_dim3A_1297 = vector.broadcast %broadcast_in_dim3A_1296 : i1 to vector<16xi1>
        %masked_cumsum3A_1298 = tpu.scan <sum>, %get3A_1295 masked %broadcast_in_dim3A_1297 : vector<16xi32>, vector<16xi1> -> vector<16xi32>
        %add3A_1299 = vector.broadcast %reduce_max3A_1255 : i32 to vector<16xi32>
        %add3A_1300 = arith.addi %masked_cumsum3A_1298, %add3A_1299 : vector<16xi32>
        %reduce_max3A_1301 = arith.constant true
        %reduce_max3A_1302 = vector.broadcast %reduce_max3A_1301 : i1 to vector<16xi1>
        %reduce_max3A_1303 = arith.constant -2147483648 : i32
        %reduce_max3A_1304 = vector.broadcast %reduce_max3A_1303 : i32 to vector<16xi32>
        %reduce_max3A_1305 = arith.xori %add3A_1300, %reduce_max3A_1304 : vector<16xi32>
        %reduce_max3A_1306 = tpu.scan <max>, %reduce_max3A_1305 masked %reduce_max3A_1302 : vector<16xi32>, vector<16xi1> -> vector<16xi32>
        %reduce_max3A_1307 = arith.xori %reduce_max3A_1306, %reduce_max3A_1304 : vector<16xi32>
        %reduce_max3A_1308 = vector.extract %reduce_max3A_1307[15] : i32 from vector<16xi32>
        %add3A_1309 = arith.constant 1 : i32
        %add3A_1310 = vector.broadcast %add3A_1309 : i32 to vector<16xi32>
        %add3A_1311 = arith.addi %add3A_1300, %add3A_1310 : vector<16xi32>
        %min3A_1312 = arith.constant 62 : i32
        %min3A_1313 = vector.broadcast %min3A_1312 : i32 to vector<16xi32>
        %min3A_1314 = arith.minsi %add3A_1311, %min3A_1313 : vector<16xi32>
        %gather3A_1315 = tpu.vector_load_idx %arg11[%add3A_1300] : memref<64xf32, #tpu.memory_space<vmem>>[vector<16xi32>], vector<16xf32>,
        %gather3A_1316 = tpu.vector_load_idx %arg11[%min3A_1314] : memref<64xf32, #tpu.memory_space<vmem>>[vector<16xi32>], vector<16xf32>,
        %gather3A_1317 = tpu.vector_load_idx %arg12[%add3A_1300] : memref<64xf32, #tpu.memory_space<vmem>>[vector<16xi32>], vector<16xf32>,
        %gather3A_1318 = tpu.vector_load_idx %arg12[%min3A_1314] : memref<64xf32, #tpu.memory_space<vmem>>[vector<16xi32>], vector<16xf32>,
        %add3A_1319 = arith.constant 32 : i32
        %add3A_1320 = vector.broadcast %add3A_1319 : i32 to vector<16xi32>
        %add3A_1321 = arith.addi %iota3A, %add3A_1320 : vector<16xi32>
        %convert_element_type3A_1322 = arith.sitofp %add3A_1321 : vector<16xi32> to vector<16xf32>
        %mul3A_1323 = arith.constant 0.00787401571 : f32
        %mul3A_1324 = vector.broadcast %mul3A_1323 : f32 to vector<16xf32>
        %mul3A_1325 = arith.mulf %convert_element_type3A_1322, %mul3A_1324 : vector<16xf32>
        %sub3A_1326 = arith.subf %gather3A_1316, %gather3A_1315 : vector<16xf32>
        %lt3A_1327 = arith.constant 9.99999974E-6 : f32
        %lt3A_1328 = vector.broadcast %lt3A_1327 : f32 to vector<16xf32>
        %lt3A_1329 = arith.cmpf olt, %sub3A_1326, %lt3A_1328 : vector<16xf32>
        %jit3A_1330 = arith.constant 1.000000e+00 : f32
        %broadcast_in_dim3A_1331 = vector.broadcast %jit3A_1330 : f32 to vector<16xf32>
        %select_n3A_1332 = arith.select %lt3A_1329, %broadcast_in_dim3A_1331, %sub3A_1326 : vector<16xi1>, vector<16xf32>
        %sub3A_1333 = arith.subf %mul3A_1325, %gather3A_1315 : vector<16xf32>
        %div3A_1334 = arith.divf %sub3A_1333, %select_n3A_1332 : vector<16xf32>
        %sub3A_1335 = arith.subf %gather3A_1318, %gather3A_1317 : vector<16xf32>
        %mul3A_1336 = arith.mulf %div3A_1334, %sub3A_1335 : vector<16xf32>
        %add3A_1337 = arith.addf %gather3A_1317, %mul3A_1336 : vector<16xf32>
        %broadcast_in_dim3A_1338 = arith.constant true
        %broadcast_in_dim3A_1339 = vector.broadcast %broadcast_in_dim3A_1338 : i1 to vector<16xi1>
        %masked_cummax3A_1340 = tpu.scan <max>, %add3A_1337 masked %broadcast_in_dim3A_1339 : vector<16xf32>, vector<16xi1> -> vector<16xf32>
        %max3A_1341 = vector.broadcast %reduce_max3A_1293 : f32 to vector<16xf32>
        %max3A_1342 = arith.maximumf %masked_cummax3A_1340, %max3A_1341 : vector<16xf32>
        %reduce_max3A_1343 = arith.constant true
        %reduce_max3A_1344 = vector.broadcast %reduce_max3A_1343 : i1 to vector<16xi1>
        %reduce_max3A_1345 = tpu.scan <max>, %max3A_1342 masked %reduce_max3A_1344 : vector<16xf32>, vector<16xi1> -> vector<16xf32>
        %reduce_max3A_1346 = vector.extract %reduce_max3A_1345[15] : f32 from vector<16xf32>
        %get3A_1347 = arith.constant 48 : index
        %get3A_1348 = tpu.vector_load %arg13[%get3A_1347] {strides = array<i32>} : memref<128xi32, #tpu.memory_space<vmem>>, vector<16xi32>,
        %broadcast_in_dim3A_1349 = arith.constant true
        %broadcast_in_dim3A_1350 = vector.broadcast %broadcast_in_dim3A_1349 : i1 to vector<16xi1>
        %masked_cumsum3A_1351 = tpu.scan <sum>, %get3A_1348 masked %broadcast_in_dim3A_1350 : vector<16xi32>, vector<16xi1> -> vector<16xi32>
        %add3A_1352 = vector.broadcast %reduce_max3A_1308 : i32 to vector<16xi32>
        %add3A_1353 = arith.addi %masked_cumsum3A_1351, %add3A_1352 : vector<16xi32>
        %reduce_max3A_1354 = arith.constant true
        %reduce_max3A_1355 = vector.broadcast %reduce_max3A_1354 : i1 to vector<16xi1>
        %reduce_max3A_1356 = arith.constant -2147483648 : i32
        %reduce_max3A_1357 = vector.broadcast %reduce_max3A_1356 : i32 to vector<16xi32>
        %reduce_max3A_1358 = arith.xori %add3A_1353, %reduce_max3A_1357 : vector<16xi32>
        %reduce_max3A_1359 = tpu.scan <max>, %reduce_max3A_1358 masked %reduce_max3A_1355 : vector<16xi32>, vector<16xi1> -> vector<16xi32>
        %reduce_max3A_1360 = arith.xori %reduce_max3A_1359, %reduce_max3A_1357 : vector<16xi32>
        %reduce_max3A_1361 = vector.extract %reduce_max3A_1360[15] : i32 from vector<16xi32>
        %add3A_1362 = arith.constant 1 : i32
        %add3A_1363 = vector.broadcast %add3A_1362 : i32 to vector<16xi32>
        %add3A_1364 = arith.addi %add3A_1353, %add3A_1363 : vector<16xi32>
        %min3A_1365 = arith.constant 62 : i32
        %min3A_1366 = vector.broadcast %min3A_1365 : i32 to vector<16xi32>
        %min3A_1367 = arith.minsi %add3A_1364, %min3A_1366 : vector<16xi32>
        %gather3A_1368 = tpu.vector_load_idx %arg11[%add3A_1353] : memref<64xf32, #tpu.memory_space<vmem>>[vector<16xi32>], vector<16xf32>,
        %gather3A_1369 = tpu.vector_load_idx %arg11[%min3A_1367] : memref<64xf32, #tpu.memory_space<vmem>>[vector<16xi32>], vector<16xf32>,
        %gather3A_1370 = tpu.vector_load_idx %arg12[%add3A_1353] : memref<64xf32, #tpu.memory_space<vmem>>[vector<16xi32>], vector<16xf32>,
        %gather3A_1371 = tpu.vector_load_idx %arg12[%min3A_1367] : memref<64xf32, #tpu.memory_space<vmem>>[vector<16xi32>], vector<16xf32>,
        %add3A_1372 = arith.constant 48 : i32
        %add3A_1373 = vector.broadcast %add3A_1372 : i32 to vector<16xi32>
        %add3A_1374 = arith.addi %iota3A, %add3A_1373 : vector<16xi32>
        %convert_element_type3A_1375 = arith.sitofp %add3A_1374 : vector<16xi32> to vector<16xf32>
        %mul3A_1376 = arith.constant 0.00787401571 : f32
        %mul3A_1377 = vector.broadcast %mul3A_1376 : f32 to vector<16xf32>
        %mul3A_1378 = arith.mulf %convert_element_type3A_1375, %mul3A_1377 : vector<16xf32>
        %sub3A_1379 = arith.subf %gather3A_1369, %gather3A_1368 : vector<16xf32>
        %lt3A_1380 = arith.constant 9.99999974E-6 : f32
        %lt3A_1381 = vector.broadcast %lt3A_1380 : f32 to vector<16xf32>
        %lt3A_1382 = arith.cmpf olt, %sub3A_1379, %lt3A_1381 : vector<16xf32>
        %jit3A_1383 = arith.constant 1.000000e+00 : f32
        %broadcast_in_dim3A_1384 = vector.broadcast %jit3A_1383 : f32 to vector<16xf32>
        %select_n3A_1385 = arith.select %lt3A_1382, %broadcast_in_dim3A_1384, %sub3A_1379 : vector<16xi1>, vector<16xf32>
        %sub3A_1386 = arith.subf %mul3A_1378, %gather3A_1368 : vector<16xf32>
        %div3A_1387 = arith.divf %sub3A_1386, %select_n3A_1385 : vector<16xf32>
        %sub3A_1388 = arith.subf %gather3A_1371, %gather3A_1370 : vector<16xf32>
        %mul3A_1389 = arith.mulf %div3A_1387, %sub3A_1388 : vector<16xf32>
        %add3A_1390 = arith.addf %gather3A_1370, %mul3A_1389 : vector<16xf32>
        %broadcast_in_dim3A_1391 = arith.constant true
        %broadcast_in_dim3A_1392 = vector.broadcast %broadcast_in_dim3A_1391 : i1 to vector<16xi1>
        %masked_cummax3A_1393 = tpu.scan <max>, %add3A_1390 masked %broadcast_in_dim3A_1392 : vector<16xf32>, vector<16xi1> -> vector<16xf32>
        %max3A_1394 = vector.broadcast %reduce_max3A_1346 : f32 to vector<16xf32>
        %max3A_1395 = arith.maximumf %masked_cummax3A_1393, %max3A_1394 : vector<16xf32>
        %reduce_max3A_1396 = arith.constant true
        %reduce_max3A_1397 = vector.broadcast %reduce_max3A_1396 : i1 to vector<16xi1>
        %reduce_max3A_1398 = tpu.scan <max>, %max3A_1395 masked %reduce_max3A_1397 : vector<16xf32>, vector<16xi1> -> vector<16xf32>
        %reduce_max3A_1399 = vector.extract %reduce_max3A_1398[15] : f32 from vector<16xf32>
        %get3A_1400 = arith.constant 64 : index
        %get3A_1401 = tpu.vector_load %arg13[%get3A_1400] {strides = array<i32>} : memref<128xi32, #tpu.memory_space<vmem>>, vector<16xi32>,
        %broadcast_in_dim3A_1402 = arith.constant true
        %broadcast_in_dim3A_1403 = vector.broadcast %broadcast_in_dim3A_1402 : i1 to vector<16xi1>
        %masked_cumsum3A_1404 = tpu.scan <sum>, %get3A_1401 masked %broadcast_in_dim3A_1403 : vector<16xi32>, vector<16xi1> -> vector<16xi32>
        %add3A_1405 = vector.broadcast %reduce_max3A_1361 : i32 to vector<16xi32>
        %add3A_1406 = arith.addi %masked_cumsum3A_1404, %add3A_1405 : vector<16xi32>
        %reduce_max3A_1407 = arith.constant true
        %reduce_max3A_1408 = vector.broadcast %reduce_max3A_1407 : i1 to vector<16xi1>
        %reduce_max3A_1409 = arith.constant -2147483648 : i32
        %reduce_max3A_1410 = vector.broadcast %reduce_max3A_1409 : i32 to vector<16xi32>
        %reduce_max3A_1411 = arith.xori %add3A_1406, %reduce_max3A_1410 : vector<16xi32>
        %reduce_max3A_1412 = tpu.scan <max>, %reduce_max3A_1411 masked %reduce_max3A_1408 : vector<16xi32>, vector<16xi1> -> vector<16xi32>
        %reduce_max3A_1413 = arith.xori %reduce_max3A_1412, %reduce_max3A_1410 : vector<16xi32>
        %reduce_max3A_1414 = vector.extract %reduce_max3A_1413[15] : i32 from vector<16xi32>
        %add3A_1415 = arith.constant 1 : i32
        %add3A_1416 = vector.broadcast %add3A_1415 : i32 to vector<16xi32>
        %add3A_1417 = arith.addi %add3A_1406, %add3A_1416 : vector<16xi32>
        %min3A_1418 = arith.constant 62 : i32
        %min3A_1419 = vector.broadcast %min3A_1418 : i32 to vector<16xi32>
        %min3A_1420 = arith.minsi %add3A_1417, %min3A_1419 : vector<16xi32>
        %gather3A_1421 = tpu.vector_load_idx %arg11[%add3A_1406] : memref<64xf32, #tpu.memory_space<vmem>>[vector<16xi32>], vector<16xf32>,
        %gather3A_1422 = tpu.vector_load_idx %arg11[%min3A_1420] : memref<64xf32, #tpu.memory_space<vmem>>[vector<16xi32>], vector<16xf32>,
        %gather3A_1423 = tpu.vector_load_idx %arg12[%add3A_1406] : memref<64xf32, #tpu.memory_space<vmem>>[vector<16xi32>], vector<16xf32>,
        %gather3A_1424 = tpu.vector_load_idx %arg12[%min3A_1420] : memref<64xf32, #tpu.memory_space<vmem>>[vector<16xi32>], vector<16xf32>,
        %add3A_1425 = arith.constant 64 : i32
        %add3A_1426 = vector.broadcast %add3A_1425 : i32 to vector<16xi32>
        %add3A_1427 = arith.addi %iota3A, %add3A_1426 : vector<16xi32>
        %convert_element_type3A_1428 = arith.sitofp %add3A_1427 : vector<16xi32> to vector<16xf32>
        %mul3A_1429 = arith.constant 0.00787401571 : f32
        %mul3A_1430 = vector.broadcast %mul3A_1429 : f32 to vector<16xf32>
        %mul3A_1431 = arith.mulf %convert_element_type3A_1428, %mul3A_1430 : vector<16xf32>
        %sub3A_1432 = arith.subf %gather3A_1422, %gather3A_1421 : vector<16xf32>
        %lt3A_1433 = arith.constant 9.99999974E-6 : f32
        %lt3A_1434 = vector.broadcast %lt3A_1433 : f32 to vector<16xf32>
        %lt3A_1435 = arith.cmpf olt, %sub3A_1432, %lt3A_1434 : vector<16xf32>
        %jit3A_1436 = arith.constant 1.000000e+00 : f32
        %broadcast_in_dim3A_1437 = vector.broadcast %jit3A_1436 : f32 to vector<16xf32>
        %select_n3A_1438 = arith.select %lt3A_1435, %broadcast_in_dim3A_1437, %sub3A_1432 : vector<16xi1>, vector<16xf32>
        %sub3A_1439 = arith.subf %mul3A_1431, %gather3A_1421 : vector<16xf32>
        %div3A_1440 = arith.divf %sub3A_1439, %select_n3A_1438 : vector<16xf32>
        %sub3A_1441 = arith.subf %gather3A_1424, %gather3A_1423 : vector<16xf32>
        %mul3A_1442 = arith.mulf %div3A_1440, %sub3A_1441 : vector<16xf32>
        %add3A_1443 = arith.addf %gather3A_1423, %mul3A_1442 : vector<16xf32>
        %broadcast_in_dim3A_1444 = arith.constant true
        %broadcast_in_dim3A_1445 = vector.broadcast %broadcast_in_dim3A_1444 : i1 to vector<16xi1>
        %masked_cummax3A_1446 = tpu.scan <max>, %add3A_1443 masked %broadcast_in_dim3A_1445 : vector<16xf32>, vector<16xi1> -> vector<16xf32>
        %max3A_1447 = vector.broadcast %reduce_max3A_1399 : f32 to vector<16xf32>
        %max3A_1448 = arith.maximumf %masked_cummax3A_1446, %max3A_1447 : vector<16xf32>
        %reduce_max3A_1449 = arith.constant true
        %reduce_max3A_1450 = vector.broadcast %reduce_max3A_1449 : i1 to vector<16xi1>
        %reduce_max3A_1451 = tpu.scan <max>, %max3A_1448 masked %reduce_max3A_1450 : vector<16xf32>, vector<16xi1> -> vector<16xf32>
        %reduce_max3A_1452 = vector.extract %reduce_max3A_1451[15] : f32 from vector<16xf32>
        %get3A_1453 = arith.constant 80 : index
        %get3A_1454 = tpu.vector_load %arg13[%get3A_1453] {strides = array<i32>} : memref<128xi32, #tpu.memory_space<vmem>>, vector<16xi32>,
        %broadcast_in_dim3A_1455 = arith.constant true
        %broadcast_in_dim3A_1456 = vector.broadcast %broadcast_in_dim3A_1455 : i1 to vector<16xi1>
        %masked_cumsum3A_1457 = tpu.scan <sum>, %get3A_1454 masked %broadcast_in_dim3A_1456 : vector<16xi32>, vector<16xi1> -> vector<16xi32>
        %add3A_1458 = vector.broadcast %reduce_max3A_1414 : i32 to vector<16xi32>
        %add3A_1459 = arith.addi %masked_cumsum3A_1457, %add3A_1458 : vector<16xi32>
        %reduce_max3A_1460 = arith.constant true
        %reduce_max3A_1461 = vector.broadcast %reduce_max3A_1460 : i1 to vector<16xi1>
        %reduce_max3A_1462 = arith.constant -2147483648 : i32
        %reduce_max3A_1463 = vector.broadcast %reduce_max3A_1462 : i32 to vector<16xi32>
        %reduce_max3A_1464 = arith.xori %add3A_1459, %reduce_max3A_1463 : vector<16xi32>
        %reduce_max3A_1465 = tpu.scan <max>, %reduce_max3A_1464 masked %reduce_max3A_1461 : vector<16xi32>, vector<16xi1> -> vector<16xi32>
        %reduce_max3A_1466 = arith.xori %reduce_max3A_1465, %reduce_max3A_1463 : vector<16xi32>
        %reduce_max3A_1467 = vector.extract %reduce_max3A_1466[15] : i32 from vector<16xi32>
        %add3A_1468 = arith.constant 1 : i32
        %add3A_1469 = vector.broadcast %add3A_1468 : i32 to vector<16xi32>
        %add3A_1470 = arith.addi %add3A_1459, %add3A_1469 : vector<16xi32>
        %min3A_1471 = arith.constant 62 : i32
        %min3A_1472 = vector.broadcast %min3A_1471 : i32 to vector<16xi32>
        %min3A_1473 = arith.minsi %add3A_1470, %min3A_1472 : vector<16xi32>
        %gather3A_1474 = tpu.vector_load_idx %arg11[%add3A_1459] : memref<64xf32, #tpu.memory_space<vmem>>[vector<16xi32>], vector<16xf32>,
        %gather3A_1475 = tpu.vector_load_idx %arg11[%min3A_1473] : memref<64xf32, #tpu.memory_space<vmem>>[vector<16xi32>], vector<16xf32>,
        %gather3A_1476 = tpu.vector_load_idx %arg12[%add3A_1459] : memref<64xf32, #tpu.memory_space<vmem>>[vector<16xi32>], vector<16xf32>,
        %gather3A_1477 = tpu.vector_load_idx %arg12[%min3A_1473] : memref<64xf32, #tpu.memory_space<vmem>>[vector<16xi32>], vector<16xf32>,
        %add3A_1478 = arith.constant 80 : i32
        %add3A_1479 = vector.broadcast %add3A_1478 : i32 to vector<16xi32>
        %add3A_1480 = arith.addi %iota3A, %add3A_1479 : vector<16xi32>
        %convert_element_type3A_1481 = arith.sitofp %add3A_1480 : vector<16xi32> to vector<16xf32>
        %mul3A_1482 = arith.constant 0.00787401571 : f32
        %mul3A_1483 = vector.broadcast %mul3A_1482 : f32 to vector<16xf32>
        %mul3A_1484 = arith.mulf %convert_element_type3A_1481, %mul3A_1483 : vector<16xf32>
        %sub3A_1485 = arith.subf %gather3A_1475, %gather3A_1474 : vector<16xf32>
        %lt3A_1486 = arith.constant 9.99999974E-6 : f32
        %lt3A_1487 = vector.broadcast %lt3A_1486 : f32 to vector<16xf32>
        %lt3A_1488 = arith.cmpf olt, %sub3A_1485, %lt3A_1487 : vector<16xf32>
        %jit3A_1489 = arith.constant 1.000000e+00 : f32
        %broadcast_in_dim3A_1490 = vector.broadcast %jit3A_1489 : f32 to vector<16xf32>
        %select_n3A_1491 = arith.select %lt3A_1488, %broadcast_in_dim3A_1490, %sub3A_1485 : vector<16xi1>, vector<16xf32>
        %sub3A_1492 = arith.subf %mul3A_1484, %gather3A_1474 : vector<16xf32>
        %div3A_1493 = arith.divf %sub3A_1492, %select_n3A_1491 : vector<16xf32>
        %sub3A_1494 = arith.subf %gather3A_1477, %gather3A_1476 : vector<16xf32>
        %mul3A_1495 = arith.mulf %div3A_1493, %sub3A_1494 : vector<16xf32>
        %add3A_1496 = arith.addf %gather3A_1476, %mul3A_1495 : vector<16xf32>
        %broadcast_in_dim3A_1497 = arith.constant true
        %broadcast_in_dim3A_1498 = vector.broadcast %broadcast_in_dim3A_1497 : i1 to vector<16xi1>
        %masked_cummax3A_1499 = tpu.scan <max>, %add3A_1496 masked %broadcast_in_dim3A_1498 : vector<16xf32>, vector<16xi1> -> vector<16xf32>
        %max3A_1500 = vector.broadcast %reduce_max3A_1452 : f32 to vector<16xf32>
        %max3A_1501 = arith.maximumf %masked_cummax3A_1499, %max3A_1500 : vector<16xf32>
        %reduce_max3A_1502 = arith.constant true
        %reduce_max3A_1503 = vector.broadcast %reduce_max3A_1502 : i1 to vector<16xi1>
        %reduce_max3A_1504 = tpu.scan <max>, %max3A_1501 masked %reduce_max3A_1503 : vector<16xf32>, vector<16xi1> -> vector<16xf32>
        %reduce_max3A_1505 = vector.extract %reduce_max3A_1504[15] : f32 from vector<16xf32>
        %get3A_1506 = arith.constant 96 : index
        %get3A_1507 = tpu.vector_load %arg13[%get3A_1506] {strides = array<i32>} : memref<128xi32, #tpu.memory_space<vmem>>, vector<16xi32>,
        %broadcast_in_dim3A_1508 = arith.constant true
        %broadcast_in_dim3A_1509 = vector.broadcast %broadcast_in_dim3A_1508 : i1 to vector<16xi1>
        %masked_cumsum3A_1510 = tpu.scan <sum>, %get3A_1507 masked %broadcast_in_dim3A_1509 : vector<16xi32>, vector<16xi1> -> vector<16xi32>
        %add3A_1511 = vector.broadcast %reduce_max3A_1467 : i32 to vector<16xi32>
        %add3A_1512 = arith.addi %masked_cumsum3A_1510, %add3A_1511 : vector<16xi32>
        %reduce_max3A_1513 = arith.constant true
        %reduce_max3A_1514 = vector.broadcast %reduce_max3A_1513 : i1 to vector<16xi1>
        %reduce_max3A_1515 = arith.constant -2147483648 : i32
        %reduce_max3A_1516 = vector.broadcast %reduce_max3A_1515 : i32 to vector<16xi32>
        %reduce_max3A_1517 = arith.xori %add3A_1512, %reduce_max3A_1516 : vector<16xi32>
        %reduce_max3A_1518 = tpu.scan <max>, %reduce_max3A_1517 masked %reduce_max3A_1514 : vector<16xi32>, vector<16xi1> -> vector<16xi32>
        %reduce_max3A_1519 = arith.xori %reduce_max3A_1518, %reduce_max3A_1516 : vector<16xi32>
        %reduce_max3A_1520 = vector.extract %reduce_max3A_1519[15] : i32 from vector<16xi32>
        %add3A_1521 = arith.constant 1 : i32
        %add3A_1522 = vector.broadcast %add3A_1521 : i32 to vector<16xi32>
        %add3A_1523 = arith.addi %add3A_1512, %add3A_1522 : vector<16xi32>
        %min3A_1524 = arith.constant 62 : i32
        %min3A_1525 = vector.broadcast %min3A_1524 : i32 to vector<16xi32>
        %min3A_1526 = arith.minsi %add3A_1523, %min3A_1525 : vector<16xi32>
        %gather3A_1527 = tpu.vector_load_idx %arg11[%add3A_1512] : memref<64xf32, #tpu.memory_space<vmem>>[vector<16xi32>], vector<16xf32>,
        %gather3A_1528 = tpu.vector_load_idx %arg11[%min3A_1526] : memref<64xf32, #tpu.memory_space<vmem>>[vector<16xi32>], vector<16xf32>,
        %gather3A_1529 = tpu.vector_load_idx %arg12[%add3A_1512] : memref<64xf32, #tpu.memory_space<vmem>>[vector<16xi32>], vector<16xf32>,
        %gather3A_1530 = tpu.vector_load_idx %arg12[%min3A_1526] : memref<64xf32, #tpu.memory_space<vmem>>[vector<16xi32>], vector<16xf32>,
        %add3A_1531 = arith.constant 96 : i32
        %add3A_1532 = vector.broadcast %add3A_1531 : i32 to vector<16xi32>
        %add3A_1533 = arith.addi %iota3A, %add3A_1532 : vector<16xi32>
        %convert_element_type3A_1534 = arith.sitofp %add3A_1533 : vector<16xi32> to vector<16xf32>
        %mul3A_1535 = arith.constant 0.00787401571 : f32
        %mul3A_1536 = vector.broadcast %mul3A_1535 : f32 to vector<16xf32>
        %mul3A_1537 = arith.mulf %convert_element_type3A_1534, %mul3A_1536 : vector<16xf32>
        %sub3A_1538 = arith.subf %gather3A_1528, %gather3A_1527 : vector<16xf32>
        %lt3A_1539 = arith.constant 9.99999974E-6 : f32
        %lt3A_1540 = vector.broadcast %lt3A_1539 : f32 to vector<16xf32>
        %lt3A_1541 = arith.cmpf olt, %sub3A_1538, %lt3A_1540 : vector<16xf32>
        %jit3A_1542 = arith.constant 1.000000e+00 : f32
        %broadcast_in_dim3A_1543 = vector.broadcast %jit3A_1542 : f32 to vector<16xf32>
        %select_n3A_1544 = arith.select %lt3A_1541, %broadcast_in_dim3A_1543, %sub3A_1538 : vector<16xi1>, vector<16xf32>
        %sub3A_1545 = arith.subf %mul3A_1537, %gather3A_1527 : vector<16xf32>
        %div3A_1546 = arith.divf %sub3A_1545, %select_n3A_1544 : vector<16xf32>
        %sub3A_1547 = arith.subf %gather3A_1530, %gather3A_1529 : vector<16xf32>
        %mul3A_1548 = arith.mulf %div3A_1546, %sub3A_1547 : vector<16xf32>
        %add3A_1549 = arith.addf %gather3A_1529, %mul3A_1548 : vector<16xf32>
        %broadcast_in_dim3A_1550 = arith.constant true
        %broadcast_in_dim3A_1551 = vector.broadcast %broadcast_in_dim3A_1550 : i1 to vector<16xi1>
        %masked_cummax3A_1552 = tpu.scan <max>, %add3A_1549 masked %broadcast_in_dim3A_1551 : vector<16xf32>, vector<16xi1> -> vector<16xf32>
        %max3A_1553 = vector.broadcast %reduce_max3A_1505 : f32 to vector<16xf32>
        %max3A_1554 = arith.maximumf %masked_cummax3A_1552, %max3A_1553 : vector<16xf32>
        %reduce_max3A_1555 = arith.constant true
        %reduce_max3A_1556 = vector.broadcast %reduce_max3A_1555 : i1 to vector<16xi1>
        %reduce_max3A_1557 = tpu.scan <max>, %max3A_1554 masked %reduce_max3A_1556 : vector<16xf32>, vector<16xi1> -> vector<16xf32>
        %reduce_max3A_1558 = vector.extract %reduce_max3A_1557[15] : f32 from vector<16xf32>
        %get3A_1559 = arith.constant 112 : index
        %get3A_1560 = tpu.vector_load %arg13[%get3A_1559] {strides = array<i32>} : memref<128xi32, #tpu.memory_space<vmem>>, vector<16xi32>,
        %broadcast_in_dim3A_1561 = arith.constant true
        %broadcast_in_dim3A_1562 = vector.broadcast %broadcast_in_dim3A_1561 : i1 to vector<16xi1>
        %masked_cumsum3A_1563 = tpu.scan <sum>, %get3A_1560 masked %broadcast_in_dim3A_1562 : vector<16xi32>, vector<16xi1> -> vector<16xi32>
        %add3A_1564 = vector.broadcast %reduce_max3A_1520 : i32 to vector<16xi32>
        %add3A_1565 = arith.addi %masked_cumsum3A_1563, %add3A_1564 : vector<16xi32>
        %reduce_max3A_1566 = arith.constant true
        %reduce_max3A_1567 = vector.broadcast %reduce_max3A_1566 : i1 to vector<16xi1>
        %reduce_max3A_1568 = arith.constant -2147483648 : i32
        %reduce_max3A_1569 = vector.broadcast %reduce_max3A_1568 : i32 to vector<16xi32>
        %reduce_max3A_1570 = arith.xori %add3A_1565, %reduce_max3A_1569 : vector<16xi32>
        %reduce_max3A_1571 = tpu.scan <max>, %reduce_max3A_1570 masked %reduce_max3A_1567 : vector<16xi32>, vector<16xi1> -> vector<16xi32>
        %reduce_max3A_1572 = arith.xori %reduce_max3A_1571, %reduce_max3A_1569 : vector<16xi32>
        %reduce_max3A_1573 = vector.extract %reduce_max3A_1572[15] : i32 from vector<16xi32>
        %add3A_1574 = arith.constant 1 : i32
        %add3A_1575 = vector.broadcast %add3A_1574 : i32 to vector<16xi32>
        %add3A_1576 = arith.addi %add3A_1565, %add3A_1575 : vector<16xi32>
        %min3A_1577 = arith.constant 62 : i32
        %min3A_1578 = vector.broadcast %min3A_1577 : i32 to vector<16xi32>
        %min3A_1579 = arith.minsi %add3A_1576, %min3A_1578 : vector<16xi32>
        %gather3A_1580 = tpu.vector_load_idx %arg11[%add3A_1565] : memref<64xf32, #tpu.memory_space<vmem>>[vector<16xi32>], vector<16xf32>,
        %gather3A_1581 = tpu.vector_load_idx %arg11[%min3A_1579] : memref<64xf32, #tpu.memory_space<vmem>>[vector<16xi32>], vector<16xf32>,
        %gather3A_1582 = tpu.vector_load_idx %arg12[%add3A_1565] : memref<64xf32, #tpu.memory_space<vmem>>[vector<16xi32>], vector<16xf32>,
        %gather3A_1583 = tpu.vector_load_idx %arg12[%min3A_1579] : memref<64xf32, #tpu.memory_space<vmem>>[vector<16xi32>], vector<16xf32>,
        %add3A_1584 = arith.constant 112 : i32
        %add3A_1585 = vector.broadcast %add3A_1584 : i32 to vector<16xi32>
        %add3A_1586 = arith.addi %iota3A, %add3A_1585 : vector<16xi32>
        %convert_element_type3A_1587 = arith.sitofp %add3A_1586 : vector<16xi32> to vector<16xf32>
        %mul3A_1588 = arith.constant 0.00787401571 : f32
        %mul3A_1589 = vector.broadcast %mul3A_1588 : f32 to vector<16xf32>
        %mul3A_1590 = arith.mulf %convert_element_type3A_1587, %mul3A_1589 : vector<16xf32>
        %sub3A_1591 = arith.subf %gather3A_1581, %gather3A_1580 : vector<16xf32>
        %lt3A_1592 = arith.constant 9.99999974E-6 : f32
        %lt3A_1593 = vector.broadcast %lt3A_1592 : f32 to vector<16xf32>
        %lt3A_1594 = arith.cmpf olt, %sub3A_1591, %lt3A_1593 : vector<16xf32>
        %jit3A_1595 = arith.constant 1.000000e+00 : f32
        %broadcast_in_dim3A_1596 = vector.broadcast %jit3A_1595 : f32 to vector<16xf32>
        %select_n3A_1597 = arith.select %lt3A_1594, %broadcast_in_dim3A_1596, %sub3A_1591 : vector<16xi1>, vector<16xf32>
        %sub3A_1598 = arith.subf %mul3A_1590, %gather3A_1580 : vector<16xf32>
        %div3A_1599 = arith.divf %sub3A_1598, %select_n3A_1597 : vector<16xf32>
        %sub3A_1600 = arith.subf %gather3A_1583, %gather3A_1582 : vector<16xf32>
        %mul3A_1601 = arith.mulf %div3A_1599, %sub3A_1600 : vector<16xf32>
        %add3A_1602 = arith.addf %gather3A_1582, %mul3A_1601 : vector<16xf32>
        %broadcast_in_dim3A_1603 = arith.constant true
        %broadcast_in_dim3A_1604 = vector.broadcast %broadcast_in_dim3A_1603 : i1 to vector<16xi1>
        %masked_cummax3A_1605 = tpu.scan <max>, %add3A_1602 masked %broadcast_in_dim3A_1604 : vector<16xf32>, vector<16xi1> -> vector<16xf32>
        %max3A_1606 = vector.broadcast %reduce_max3A_1558 : f32 to vector<16xf32>
        %max3A_1607 = arith.maximumf %masked_cummax3A_1605, %max3A_1606 : vector<16xf32>
        %reduce_max3A_1608 = arith.constant true
        %reduce_max3A_1609 = vector.broadcast %reduce_max3A_1608 : i1 to vector<16xi1>
        %reduce_max3A_1610 = tpu.scan <max>, %max3A_1607 masked %reduce_max3A_1609 : vector<16xf32>, vector<16xi1> -> vector<16xf32>
        %reduce_max3A_1611 = vector.extract %reduce_max3A_1610[15] : f32 from vector<16xf32>
        %broadcast_in_dim3A_1612 = arith.constant 0 : i32
        %broadcast_in_dim3A_1613 = vector.broadcast %broadcast_in_dim3A_1612 : i32 to vector<16xi32>
        %swap3A_1614 = arith.constant 0 : index
        %swap3A_1615 = tpu.vector_load %arg13[%swap3A_1614] {strides = array<i32>} : memref<128xi32, #tpu.memory_space<vmem>>, vector<16xi32>,
        tpu.vector_store %arg13[%swap3A_1614], %broadcast_in_dim3A_1613 {strides = array<i32>} : memref<128xi32, #tpu.memory_space<vmem>>, vector<16xi32>,
        %broadcast_in_dim3A_1616 = arith.constant 0 : i32
        %broadcast_in_dim3A_1617 = vector.broadcast %broadcast_in_dim3A_1616 : i32 to vector<16xi32>
        %swap3A_1618 = arith.constant 16 : index
        %swap3A_1619 = tpu.vector_load %arg13[%swap3A_1618] {strides = array<i32>} : memref<128xi32, #tpu.memory_space<vmem>>, vector<16xi32>,
        tpu.vector_store %arg13[%swap3A_1618], %broadcast_in_dim3A_1617 {strides = array<i32>} : memref<128xi32, #tpu.memory_space<vmem>>, vector<16xi32>,
        %broadcast_in_dim3A_1620 = arith.constant 0 : i32
        %broadcast_in_dim3A_1621 = vector.broadcast %broadcast_in_dim3A_1620 : i32 to vector<16xi32>
        %swap3A_1622 = arith.constant 32 : index
        %swap3A_1623 = tpu.vector_load %arg13[%swap3A_1622] {strides = array<i32>} : memref<128xi32, #tpu.memory_space<vmem>>, vector<16xi32>,
        tpu.vector_store %arg13[%swap3A_1622], %broadcast_in_dim3A_1621 {strides = array<i32>} : memref<128xi32, #tpu.memory_space<vmem>>, vector<16xi32>,
        %broadcast_in_dim3A_1624 = arith.constant 0 : i32
        %broadcast_in_dim3A_1625 = vector.broadcast %broadcast_in_dim3A_1624 : i32 to vector<16xi32>
        %swap3A_1626 = arith.constant 48 : index
        %swap3A_1627 = tpu.vector_load %arg13[%swap3A_1626] {strides = array<i32>} : memref<128xi32, #tpu.memory_space<vmem>>, vector<16xi32>,
        tpu.vector_store %arg13[%swap3A_1626], %broadcast_in_dim3A_1625 {strides = array<i32>} : memref<128xi32, #tpu.memory_space<vmem>>, vector<16xi32>,
        %broadcast_in_dim3A_1628 = arith.constant 0 : i32
        %broadcast_in_dim3A_1629 = vector.broadcast %broadcast_in_dim3A_1628 : i32 to vector<16xi32>
        %swap3A_1630 = arith.constant 64 : index
        %swap3A_1631 = tpu.vector_load %arg13[%swap3A_1630] {strides = array<i32>} : memref<128xi32, #tpu.memory_space<vmem>>, vector<16xi32>,
        tpu.vector_store %arg13[%swap3A_1630], %broadcast_in_dim3A_1629 {strides = array<i32>} : memref<128xi32, #tpu.memory_space<vmem>>, vector<16xi32>,
        %add3A_1632 = arith.constant 1 : i32
        %add3A_1633 = vector.broadcast %add3A_1632 : i32 to vector<16xi32>
        %add3A_1634 = arith.addi %add3A_1193, %add3A_1633 : vector<16xi32>
        %gather3A_1635 = tpu.vector_load_idx %arg5[%broadcast_in_dim3A_917, %add3A_1634] : memref<128x64xf32, #tpu.memory_space<vmem>>[vector<16xi32>, vector<16xi32>], vector<16xf32>,
        %add3A_1636 = arith.constant 1 : i32
        %add3A_1637 = vector.broadcast %add3A_1636 : i32 to vector<16xi32>
        %add3A_1638 = arith.addi %add3A_1193, %add3A_1637 : vector<16xi32>
        %le3A_1639 = arith.cmpf ole, %gather3A_1635, %max3A_1236 : vector<16xf32>
        %convert_element_type3A_1640 = arith.extui %le3A_1639 : vector<16xi1> to vector<16xi32>
        %add3A_1641 = arith.addi %add3A_1638, %convert_element_type3A_1640 : vector<16xi32>
        tpu.vector_store_idx %arg13[%add3A_1641], %broadcast_in_dim3A_1125 {add = true} : memref<128xi32, #tpu.memory_space<vmem>>[vector<16xi32>], vector<16xi32>,
        %add3A_1642 = arith.constant 0 : i32
        %add3A_1643 = vector.broadcast %add3A_1642 : i32 to vector<16xi32>
        %add3A_1644 = arith.addi %iota3A, %add3A_1643 : vector<16xi32>
        %add3A_1645 = arith.addi %add3A_1644, %add3A_1641 : vector<16xi32>
        tpu.vector_store_idx %arg7[%broadcast_in_dim3A_917, %add3A_1645], %max3A_1236 : memref<128x192xf32, #tpu.memory_space<vmem>>[vector<16xi32>, vector<16xi32>], vector<16xf32>,
        %add3A_1646 = arith.constant 1 : i32
        %add3A_1647 = vector.broadcast %add3A_1646 : i32 to vector<16xi32>
        %add3A_1648 = arith.addi %add3A_1247, %add3A_1647 : vector<16xi32>
        %gather3A_1649 = tpu.vector_load_idx %arg5[%broadcast_in_dim3A_917, %add3A_1648] : memref<128x64xf32, #tpu.memory_space<vmem>>[vector<16xi32>, vector<16xi32>], vector<16xf32>,
        %add3A_1650 = arith.constant 1 : i32
        %add3A_1651 = vector.broadcast %add3A_1650 : i32 to vector<16xi32>
        %add3A_1652 = arith.addi %add3A_1247, %add3A_1651 : vector<16xi32>
        %le3A_1653 = arith.cmpf ole, %gather3A_1649, %max3A_1289 : vector<16xf32>
        %convert_element_type3A_1654 = arith.extui %le3A_1653 : vector<16xi1> to vector<16xi32>
        %add3A_1655 = arith.addi %add3A_1652, %convert_element_type3A_1654 : vector<16xi32>
        tpu.vector_store_idx %arg13[%add3A_1655], %broadcast_in_dim3A_1125 {add = true} : memref<128xi32, #tpu.memory_space<vmem>>[vector<16xi32>], vector<16xi32>,
        %add3A_1656 = arith.constant 16 : i32
        %add3A_1657 = vector.broadcast %add3A_1656 : i32 to vector<16xi32>
        %add3A_1658 = arith.addi %iota3A, %add3A_1657 : vector<16xi32>
        %add3A_1659 = arith.addi %add3A_1658, %add3A_1655 : vector<16xi32>
        tpu.vector_store_idx %arg7[%broadcast_in_dim3A_917, %add3A_1659], %max3A_1289 : memref<128x192xf32, #tpu.memory_space<vmem>>[vector<16xi32>, vector<16xi32>], vector<16xf32>,
        %add3A_1660 = arith.constant 1 : i32
        %add3A_1661 = vector.broadcast %add3A_1660 : i32 to vector<16xi32>
        %add3A_1662 = arith.addi %add3A_1300, %add3A_1661 : vector<16xi32>
        %gather3A_1663 = tpu.vector_load_idx %arg5[%broadcast_in_dim3A_917, %add3A_1662] : memref<128x64xf32, #tpu.memory_space<vmem>>[vector<16xi32>, vector<16xi32>], vector<16xf32>,
        %add3A_1664 = arith.constant 1 : i32
        %add3A_1665 = vector.broadcast %add3A_1664 : i32 to vector<16xi32>
        %add3A_1666 = arith.addi %add3A_1300, %add3A_1665 : vector<16xi32>
        %le3A_1667 = arith.cmpf ole, %gather3A_1663, %max3A_1342 : vector<16xf32>
        %convert_element_type3A_1668 = arith.extui %le3A_1667 : vector<16xi1> to vector<16xi32>
        %add3A_1669 = arith.addi %add3A_1666, %convert_element_type3A_1668 : vector<16xi32>
        tpu.vector_store_idx %arg13[%add3A_1669], %broadcast_in_dim3A_1125 {add = true} : memref<128xi32, #tpu.memory_space<vmem>>[vector<16xi32>], vector<16xi32>,
        %add3A_1670 = arith.constant 32 : i32
        %add3A_1671 = vector.broadcast %add3A_1670 : i32 to vector<16xi32>
        %add3A_1672 = arith.addi %iota3A, %add3A_1671 : vector<16xi32>
        %add3A_1673 = arith.addi %add3A_1672, %add3A_1669 : vector<16xi32>
        tpu.vector_store_idx %arg7[%broadcast_in_dim3A_917, %add3A_1673], %max3A_1342 : memref<128x192xf32, #tpu.memory_space<vmem>>[vector<16xi32>, vector<16xi32>], vector<16xf32>,
        %add3A_1674 = arith.constant 1 : i32
        %add3A_1675 = vector.broadcast %add3A_1674 : i32 to vector<16xi32>
        %add3A_1676 = arith.addi %add3A_1353, %add3A_1675 : vector<16xi32>
        %gather3A_1677 = tpu.vector_load_idx %arg5[%broadcast_in_dim3A_917, %add3A_1676] : memref<128x64xf32, #tpu.memory_space<vmem>>[vector<16xi32>, vector<16xi32>], vector<16xf32>,
        %add3A_1678 = arith.constant 1 : i32
        %add3A_1679 = vector.broadcast %add3A_1678 : i32 to vector<16xi32>
        %add3A_1680 = arith.addi %add3A_1353, %add3A_1679 : vector<16xi32>
        %le3A_1681 = arith.cmpf ole, %gather3A_1677, %max3A_1395 : vector<16xf32>
        %convert_element_type3A_1682 = arith.extui %le3A_1681 : vector<16xi1> to vector<16xi32>
        %add3A_1683 = arith.addi %add3A_1680, %convert_element_type3A_1682 : vector<16xi32>
        tpu.vector_store_idx %arg13[%add3A_1683], %broadcast_in_dim3A_1125 {add = true} : memref<128xi32, #tpu.memory_space<vmem>>[vector<16xi32>], vector<16xi32>,
        %add3A_1684 = arith.constant 48 : i32
        %add3A_1685 = vector.broadcast %add3A_1684 : i32 to vector<16xi32>
        %add3A_1686 = arith.addi %iota3A, %add3A_1685 : vector<16xi32>
        %add3A_1687 = arith.addi %add3A_1686, %add3A_1683 : vector<16xi32>
        tpu.vector_store_idx %arg7[%broadcast_in_dim3A_917, %add3A_1687], %max3A_1395 : memref<128x192xf32, #tpu.memory_space<vmem>>[vector<16xi32>, vector<16xi32>], vector<16xf32>,
        %add3A_1688 = arith.constant 1 : i32
        %add3A_1689 = vector.broadcast %add3A_1688 : i32 to vector<16xi32>
        %add3A_1690 = arith.addi %add3A_1406, %add3A_1689 : vector<16xi32>
        %gather3A_1691 = tpu.vector_load_idx %arg5[%broadcast_in_dim3A_917, %add3A_1690] : memref<128x64xf32, #tpu.memory_space<vmem>>[vector<16xi32>, vector<16xi32>], vector<16xf32>,
        %add3A_1692 = arith.constant 1 : i32
        %add3A_1693 = vector.broadcast %add3A_1692 : i32 to vector<16xi32>
        %add3A_1694 = arith.addi %add3A_1406, %add3A_1693 : vector<16xi32>
        %le3A_1695 = arith.cmpf ole, %gather3A_1691, %max3A_1448 : vector<16xf32>
        %convert_element_type3A_1696 = arith.extui %le3A_1695 : vector<16xi1> to vector<16xi32>
        %add3A_1697 = arith.addi %add3A_1694, %convert_element_type3A_1696 : vector<16xi32>
        tpu.vector_store_idx %arg13[%add3A_1697], %broadcast_in_dim3A_1125 {add = true} : memref<128xi32, #tpu.memory_space<vmem>>[vector<16xi32>], vector<16xi32>,
        %add3A_1698 = arith.constant 64 : i32
        %add3A_1699 = vector.broadcast %add3A_1698 : i32 to vector<16xi32>
        %add3A_1700 = arith.addi %iota3A, %add3A_1699 : vector<16xi32>
        %add3A_1701 = arith.addi %add3A_1700, %add3A_1697 : vector<16xi32>
        tpu.vector_store_idx %arg7[%broadcast_in_dim3A_917, %add3A_1701], %max3A_1448 : memref<128x192xf32, #tpu.memory_space<vmem>>[vector<16xi32>, vector<16xi32>], vector<16xf32>,
        %add3A_1702 = arith.constant 1 : i32
        %add3A_1703 = vector.broadcast %add3A_1702 : i32 to vector<16xi32>
        %add3A_1704 = arith.addi %add3A_1459, %add3A_1703 : vector<16xi32>
        %gather3A_1705 = tpu.vector_load_idx %arg5[%broadcast_in_dim3A_917, %add3A_1704] : memref<128x64xf32, #tpu.memory_space<vmem>>[vector<16xi32>, vector<16xi32>], vector<16xf32>,
        %add3A_1706 = arith.constant 1 : i32
        %add3A_1707 = vector.broadcast %add3A_1706 : i32 to vector<16xi32>
        %add3A_1708 = arith.addi %add3A_1459, %add3A_1707 : vector<16xi32>
        %le3A_1709 = arith.cmpf ole, %gather3A_1705, %max3A_1501 : vector<16xf32>
        %convert_element_type3A_1710 = arith.extui %le3A_1709 : vector<16xi1> to vector<16xi32>
        %add3A_1711 = arith.addi %add3A_1708, %convert_element_type3A_1710 : vector<16xi32>
        tpu.vector_store_idx %arg13[%add3A_1711], %broadcast_in_dim3A_1125 {add = true} : memref<128xi32, #tpu.memory_space<vmem>>[vector<16xi32>], vector<16xi32>,
        %add3A_1712 = arith.constant 80 : i32
        %add3A_1713 = vector.broadcast %add3A_1712 : i32 to vector<16xi32>
        %add3A_1714 = arith.addi %iota3A, %add3A_1713 : vector<16xi32>
        %add3A_1715 = arith.addi %add3A_1714, %add3A_1711 : vector<16xi32>
        tpu.vector_store_idx %arg7[%broadcast_in_dim3A_917, %add3A_1715], %max3A_1501 : memref<128x192xf32, #tpu.memory_space<vmem>>[vector<16xi32>, vector<16xi32>], vector<16xf32>,
        %add3A_1716 = arith.constant 1 : i32
        %add3A_1717 = vector.broadcast %add3A_1716 : i32 to vector<16xi32>
        %add3A_1718 = arith.addi %add3A_1512, %add3A_1717 : vector<16xi32>
        %gather3A_1719 = tpu.vector_load_idx %arg5[%broadcast_in_dim3A_917, %add3A_1718] : memref<128x64xf32, #tpu.memory_space<vmem>>[vector<16xi32>, vector<16xi32>], vector<16xf32>,
        %add3A_1720 = arith.constant 1 : i32
        %add3A_1721 = vector.broadcast %add3A_1720 : i32 to vector<16xi32>
        %add3A_1722 = arith.addi %add3A_1512, %add3A_1721 : vector<16xi32>
        %le3A_1723 = arith.cmpf ole, %gather3A_1719, %max3A_1554 : vector<16xf32>
        %convert_element_type3A_1724 = arith.extui %le3A_1723 : vector<16xi1> to vector<16xi32>
        %add3A_1725 = arith.addi %add3A_1722, %convert_element_type3A_1724 : vector<16xi32>
        tpu.vector_store_idx %arg13[%add3A_1725], %broadcast_in_dim3A_1125 {add = true} : memref<128xi32, #tpu.memory_space<vmem>>[vector<16xi32>], vector<16xi32>,
        %add3A_1726 = arith.constant 96 : i32
        %add3A_1727 = vector.broadcast %add3A_1726 : i32 to vector<16xi32>
        %add3A_1728 = arith.addi %iota3A, %add3A_1727 : vector<16xi32>
        %add3A_1729 = arith.addi %add3A_1728, %add3A_1725 : vector<16xi32>
        tpu.vector_store_idx %arg7[%broadcast_in_dim3A_917, %add3A_1729], %max3A_1554 : memref<128x192xf32, #tpu.memory_space<vmem>>[vector<16xi32>, vector<16xi32>], vector<16xf32>,
        %add3A_1730 = arith.constant 1 : i32
        %add3A_1731 = vector.broadcast %add3A_1730 : i32 to vector<16xi32>
        %add3A_1732 = arith.addi %add3A_1565, %add3A_1731 : vector<16xi32>
        %gather3A_1733 = tpu.vector_load_idx %arg5[%broadcast_in_dim3A_917, %add3A_1732] : memref<128x64xf32, #tpu.memory_space<vmem>>[vector<16xi32>, vector<16xi32>], vector<16xf32>,
        %add3A_1734 = arith.constant 1 : i32
        %add3A_1735 = vector.broadcast %add3A_1734 : i32 to vector<16xi32>
        %add3A_1736 = arith.addi %add3A_1565, %add3A_1735 : vector<16xi32>
        %le3A_1737 = arith.cmpf ole, %gather3A_1733, %max3A_1607 : vector<16xf32>
        %convert_element_type3A_1738 = arith.extui %le3A_1737 : vector<16xi1> to vector<16xi32>
        %add3A_1739 = arith.addi %add3A_1736, %convert_element_type3A_1738 : vector<16xi32>
        tpu.vector_store_idx %arg13[%add3A_1739], %broadcast_in_dim3A_1125 {add = true} : memref<128xi32, #tpu.memory_space<vmem>>[vector<16xi32>], vector<16xi32>,
        %add3A_1740 = arith.constant 112 : i32
        %add3A_1741 = vector.broadcast %add3A_1740 : i32 to vector<16xi32>
        %add3A_1742 = arith.addi %iota3A, %add3A_1741 : vector<16xi32>
        %add3A_1743 = arith.addi %add3A_1742, %add3A_1739 : vector<16xi32>
        tpu.vector_store_idx %arg7[%broadcast_in_dim3A_917, %add3A_1743], %max3A_1607 : memref<128x192xf32, #tpu.memory_space<vmem>>[vector<16xi32>, vector<16xi32>], vector<16xf32>,
        %get3A_1744 = arith.constant 0 : index
        %get3A_1745 = tpu.vector_load %arg13[%get3A_1744] {strides = array<i32>} : memref<128xi32, #tpu.memory_space<vmem>>, vector<16xi32>,
        %broadcast_in_dim3A_1746 = arith.constant true
        %broadcast_in_dim3A_1747 = vector.broadcast %broadcast_in_dim3A_1746 : i1 to vector<16xi1>
        %masked_cumsum3A_1748 = tpu.scan <sum>, %get3A_1745 masked %broadcast_in_dim3A_1747 : vector<16xi32>, vector<16xi1> -> vector<16xi32>
        %add3A_1749 = arith.constant 0 : i32
        %add3A_1750 = vector.broadcast %add3A_1749 : i32 to vector<16xi32>
        %add3A_1751 = arith.addi %masked_cumsum3A_1748, %add3A_1750 : vector<16xi32>
        %reduce_max3A_1752 = arith.constant true
        %reduce_max3A_1753 = vector.broadcast %reduce_max3A_1752 : i1 to vector<16xi1>
        %reduce_max3A_1754 = arith.constant -2147483648 : i32
        %reduce_max3A_1755 = vector.broadcast %reduce_max3A_1754 : i32 to vector<16xi32>
        %reduce_max3A_1756 = arith.xori %add3A_1751, %reduce_max3A_1755 : vector<16xi32>
        %reduce_max3A_1757 = tpu.scan <max>, %reduce_max3A_1756 masked %reduce_max3A_1753 : vector<16xi32>, vector<16xi1> -> vector<16xi32>
        %reduce_max3A_1758 = arith.xori %reduce_max3A_1757, %reduce_max3A_1755 : vector<16xi32>
        %reduce_max3A_1759 = vector.extract %reduce_max3A_1758[15] : i32 from vector<16xi32>
        %add3A_1760 = arith.constant 0 : i32
        %add3A_1761 = vector.broadcast %add3A_1760 : i32 to vector<16xi32>
        %add3A_1762 = arith.addi %iota3A, %add3A_1761 : vector<16xi32>
        %add3A_1763 = arith.addi %add3A_1762, %add3A_1751 : vector<16xi32>
        tpu.vector_store_idx %arg7[%broadcast_in_dim3A_917, %add3A_1763], %get3A_920 : memref<128x192xf32, #tpu.memory_space<vmem>>[vector<16xi32>, vector<16xi32>], vector<16xf32>,
        %get3A_1764 = arith.constant 16 : index
        %get3A_1765 = tpu.vector_load %arg13[%get3A_1764] {strides = array<i32>} : memref<128xi32, #tpu.memory_space<vmem>>, vector<16xi32>,
        %broadcast_in_dim3A_1766 = arith.constant true
        %broadcast_in_dim3A_1767 = vector.broadcast %broadcast_in_dim3A_1766 : i1 to vector<16xi1>
        %masked_cumsum3A_1768 = tpu.scan <sum>, %get3A_1765 masked %broadcast_in_dim3A_1767 : vector<16xi32>, vector<16xi1> -> vector<16xi32>
        %add3A_1769 = vector.broadcast %reduce_max3A_1759 : i32 to vector<16xi32>
        %add3A_1770 = arith.addi %masked_cumsum3A_1768, %add3A_1769 : vector<16xi32>
        %reduce_max3A_1771 = arith.constant true
        %reduce_max3A_1772 = vector.broadcast %reduce_max3A_1771 : i1 to vector<16xi1>
        %reduce_max3A_1773 = arith.constant -2147483648 : i32
        %reduce_max3A_1774 = vector.broadcast %reduce_max3A_1773 : i32 to vector<16xi32>
        %reduce_max3A_1775 = arith.xori %add3A_1770, %reduce_max3A_1774 : vector<16xi32>
        %reduce_max3A_1776 = tpu.scan <max>, %reduce_max3A_1775 masked %reduce_max3A_1772 : vector<16xi32>, vector<16xi1> -> vector<16xi32>
        %reduce_max3A_1777 = arith.xori %reduce_max3A_1776, %reduce_max3A_1774 : vector<16xi32>
        %reduce_max3A_1778 = vector.extract %reduce_max3A_1777[15] : i32 from vector<16xi32>
        %add3A_1779 = arith.constant 16 : i32
        %add3A_1780 = vector.broadcast %add3A_1779 : i32 to vector<16xi32>
        %add3A_1781 = arith.addi %iota3A, %add3A_1780 : vector<16xi32>
        %add3A_1782 = arith.addi %add3A_1781, %add3A_1770 : vector<16xi32>
        tpu.vector_store_idx %arg7[%broadcast_in_dim3A_917, %add3A_1782], %get3A_923 : memref<128x192xf32, #tpu.memory_space<vmem>>[vector<16xi32>, vector<16xi32>], vector<16xf32>,
        %get3A_1783 = arith.constant 32 : index
        %get3A_1784 = tpu.vector_load %arg13[%get3A_1783] {strides = array<i32>} : memref<128xi32, #tpu.memory_space<vmem>>, vector<16xi32>,
        %broadcast_in_dim3A_1785 = arith.constant true
        %broadcast_in_dim3A_1786 = vector.broadcast %broadcast_in_dim3A_1785 : i1 to vector<16xi1>
        %masked_cumsum3A_1787 = tpu.scan <sum>, %get3A_1784 masked %broadcast_in_dim3A_1786 : vector<16xi32>, vector<16xi1> -> vector<16xi32>
        %add3A_1788 = vector.broadcast %reduce_max3A_1778 : i32 to vector<16xi32>
        %add3A_1789 = arith.addi %masked_cumsum3A_1787, %add3A_1788 : vector<16xi32>
        %reduce_max3A_1790 = arith.constant true
        %reduce_max3A_1791 = vector.broadcast %reduce_max3A_1790 : i1 to vector<16xi1>
        %reduce_max3A_1792 = arith.constant -2147483648 : i32
        %reduce_max3A_1793 = vector.broadcast %reduce_max3A_1792 : i32 to vector<16xi32>
        %reduce_max3A_1794 = arith.xori %add3A_1789, %reduce_max3A_1793 : vector<16xi32>
        %reduce_max3A_1795 = tpu.scan <max>, %reduce_max3A_1794 masked %reduce_max3A_1791 : vector<16xi32>, vector<16xi1> -> vector<16xi32>
        %reduce_max3A_1796 = arith.xori %reduce_max3A_1795, %reduce_max3A_1793 : vector<16xi32>
        %reduce_max3A_1797 = vector.extract %reduce_max3A_1796[15] : i32 from vector<16xi32>
        %add3A_1798 = arith.constant 32 : i32
        %add3A_1799 = vector.broadcast %add3A_1798 : i32 to vector<16xi32>
        %add3A_1800 = arith.addi %iota3A, %add3A_1799 : vector<16xi32>
        %add3A_1801 = arith.addi %add3A_1800, %add3A_1789 : vector<16xi32>
        tpu.vector_store_idx %arg7[%broadcast_in_dim3A_917, %add3A_1801], %get3A_926 : memref<128x192xf32, #tpu.memory_space<vmem>>[vector<16xi32>, vector<16xi32>], vector<16xf32>,
        %get3A_1802 = arith.constant 48 : index
        %get3A_1803 = tpu.vector_load %arg13[%get3A_1802] {strides = array<i32>} : memref<128xi32, #tpu.memory_space<vmem>>, vector<16xi32>,
        %broadcast_in_dim3A_1804 = arith.constant true
        %broadcast_in_dim3A_1805 = vector.broadcast %broadcast_in_dim3A_1804 : i1 to vector<16xi1>
        %masked_cumsum3A_1806 = tpu.scan <sum>, %get3A_1803 masked %broadcast_in_dim3A_1805 : vector<16xi32>, vector<16xi1> -> vector<16xi32>
        %add3A_1807 = vector.broadcast %reduce_max3A_1797 : i32 to vector<16xi32>
        %add3A_1808 = arith.addi %masked_cumsum3A_1806, %add3A_1807 : vector<16xi32>
        %reduce_max3A_1809 = arith.constant true
        %reduce_max3A_1810 = vector.broadcast %reduce_max3A_1809 : i1 to vector<16xi1>
        %reduce_max3A_1811 = arith.constant -2147483648 : i32
        %reduce_max3A_1812 = vector.broadcast %reduce_max3A_1811 : i32 to vector<16xi32>
        %reduce_max3A_1813 = arith.xori %add3A_1808, %reduce_max3A_1812 : vector<16xi32>
        %reduce_max3A_1814 = tpu.scan <max>, %reduce_max3A_1813 masked %reduce_max3A_1810 : vector<16xi32>, vector<16xi1> -> vector<16xi32>
        %reduce_max3A_1815 = arith.xori %reduce_max3A_1814, %reduce_max3A_1812 : vector<16xi32>
        %reduce_max3A_1816 = vector.extract %reduce_max3A_1815[15] : i32 from vector<16xi32>
        %add3A_1817 = arith.constant 48 : i32
        %add3A_1818 = vector.broadcast %add3A_1817 : i32 to vector<16xi32>
        %add3A_1819 = arith.addi %iota3A, %add3A_1818 : vector<16xi32>
        %add3A_1820 = arith.addi %add3A_1819, %add3A_1808 : vector<16xi32>
        tpu.vector_store_idx %arg7[%broadcast_in_dim3A_917, %add3A_1820], %get3A_929 : memref<128x192xf32, #tpu.memory_space<vmem>>[vector<16xi32>, vector<16xi32>], vector<16xf32>,
        %scan3A_1821 = arith.constant 0 : i32
        scf.yield %scan3A_1821 : i32
      }
      %scan3A_20 = arith.constant 64 : i32
      "tpu.region"() ({
        %run_scoped3A = tpu.sem_alloc : memref<!tpu.dma_semaphore, #tpu.memory_space<semaphore_mem>>
        %dma_start3A = arith.constant 0 : i32
        %dma_start3A_22 = tpu.memref_slice %arg4[%add3A_13, %dma_start3A] : memref<65536x192xf32, #tpu.memory_space<hbm>> -> memref<128x192xf32, #tpu.memory_space<hbm>>
        %dma_start3A_23 = arith.constant 0 : i32
        %dma_start3A_24 = tpu.memref_slice %arg4[%add3A_13, %dma_start3A_23] : memref<65536x192xf32, #tpu.memory_space<hbm>> -> memref<128x192xf32, #tpu.memory_space<hbm>>
        tpu.enqueue_dma source(%arg7 : memref<128x192xf32, #tpu.memory_space<vmem>>) target(%dma_start3A_24 : memref<128x192xf32, #tpu.memory_space<hbm>>) target_semaphore(%run_scoped3A : memref<!tpu.dma_semaphore, #tpu.memory_space<semaphore_mem>>)
        %dma_wait3A = arith.constant 0 : i32
        %dma_wait3A_25 = tpu.memref_slice %arg4[%add3A_13, %dma_wait3A] : memref<65536x192xf32, #tpu.memory_space<hbm>> -> memref<128x192xf32, #tpu.memory_space<hbm>>
        %dma_wait3A_26 = arith.constant 0 : i32
        %dma_wait3A_27 = tpu.memref_slice %arg4[%add3A_13, %dma_wait3A_26] : memref<65536x192xf32, #tpu.memory_space<hbm>> -> memref<128x192xf32, #tpu.memory_space<hbm>>
        tpu.wait_dma2 semaphore(%run_scoped3A : memref<!tpu.dma_semaphore, #tpu.memory_space<semaphore_mem>>) src(%arg7 : memref<128x192xf32, #tpu.memory_space<vmem>>) dst(%dma_wait3A_27 : memref<128x192xf32, #tpu.memory_space<hbm>>)
        tpu.yield
      }) : () -> ()
      %scan3A_21 = arith.constant 0 : i32
      scf.yield %scan3A_21 : i32
    }
    %scan3A_6 = arith.constant 16 : i32
    return
  }
}

module attributes {stable_mosaic.version = 14 : i64} {
  func.func @_pts_body(%arg0: i32, %arg1: memref<512x8xf32, #tpu.memory_space<vmem>>, %arg2: memref<512x8xf32, #tpu.memory_space<vmem>>, %arg3: memref<512x192xf32, #tpu.memory_space<vmem>>, %arg4: memref<512x576xf32, #tpu.memory_space<vmem>>) attributes {dimension_semantics = [#tpu.dimension_semantics<arbitrary>], iteration_bounds = array<i64: 128>, scalar_prefetch = 0 : i64, scratch_operands = 0 : i64, tpu.core_type = #tpu.core_type<tc>, window_params = [{transform_indices = @transform_0, window_bounds = array<i64: 512, 8>}, {transform_indices = @transform_1, window_bounds = array<i64: 512, 8>}, {transform_indices = @transform_2, window_bounds = array<i64: 512, 192>}, {transform_indices = @transform_3, window_bounds = array<i64: 512, 576>}]} {
    %iota3A = tpu.iota {dimensions = array<i32: 1>} : vector<192x576xi32>
    %iota3A_0 = tpu.iota {dimensions = array<i32: 0>} : vector<192x576xi32>
    %jit3A = arith.constant 3 : i32
    %div3A = vector.broadcast %jit3A : i32 to vector<192x576xi32>
    %div3A_1 = arith.divsi %iota3A, %div3A : vector<192x576xi32>
    %sign3A = arith.constant 0 : i32
    %sign3A_2 = vector.broadcast %sign3A : i32 to vector<192x576xi32>
    %sign3A_3 = arith.cmpi sgt, %iota3A, %sign3A_2 : vector<192x576xi32>
    %sign3A_4 = arith.extui %sign3A_3 : vector<192x576xi1> to vector<192x576xi32>
    %sign3A_5 = arith.constant 0 : i32
    %sign3A_6 = vector.broadcast %sign3A_5 : i32 to vector<192x576xi32>
    %sign3A_7 = arith.cmpi slt, %iota3A, %sign3A_6 : vector<192x576xi32>
    %sign3A_8 = arith.extui %sign3A_7 : vector<192x576xi1> to vector<192x576xi32>
    %sign3A_9 = arith.subi %sign3A_4, %sign3A_8 : vector<192x576xi32>
    %sign3A_10 = arith.constant 0 : i32
    %sign3A_11 = arith.cmpi sgt, %jit3A, %sign3A_10 : i32
    %sign3A_12 = arith.extui %sign3A_11 : i1 to i32
    %sign3A_13 = arith.constant 0 : i32
    %sign3A_14 = arith.cmpi slt, %jit3A, %sign3A_13 : i32
    %sign3A_15 = arith.extui %sign3A_14 : i1 to i32
    %sign3A_16 = arith.subi %sign3A_12, %sign3A_15 : i32
    %ne3A = vector.broadcast %sign3A_16 : i32 to vector<192x576xi32>
    %ne3A_17 = arith.cmpi ne, %sign3A_9, %ne3A : vector<192x576xi32>
    %rem3A = vector.broadcast %jit3A : i32 to vector<192x576xi32>
    %rem3A_18 = arith.remsi %iota3A, %rem3A : vector<192x576xi32>
    %ne3A_19 = arith.constant 0 : i32
    %ne3A_20 = vector.broadcast %ne3A_19 : i32 to vector<192x576xi32>
    %ne3A_21 = arith.cmpi ne, %rem3A_18, %ne3A_20 : vector<192x576xi32>
    %and3A = arith.andi %ne3A_17, %ne3A_21 : vector<192x576xi1>
    %sub3A = arith.constant 1 : i32
    %sub3A_22 = vector.broadcast %sub3A : i32 to vector<192x576xi32>
    %sub3A_23 = arith.subi %div3A_1, %sub3A_22 : vector<192x576xi32>
    %select_n3A = arith.select %and3A, %sub3A_23, %div3A_1 : vector<192x576xi1>, vector<192x576xi32>
    %eq3A = arith.cmpi eq, %select_n3A, %iota3A_0 : vector<192x576xi32>
    %convert_element_type3A = arith.extui %eq3A : vector<192x576xi1> to vector<192x576xi32>
    %convert_element_type3A_24 = arith.sitofp %convert_element_type3A : vector<192x576xi32> to vector<192x576xf32>
    %iota3A_25 = tpu.iota {dimensions = array<i32: 1>} : vector<8x576xi32>
    %iota3A_26 = tpu.iota {dimensions = array<i32: 0>} : vector<8x576xi32>
    %jit3A_27 = arith.constant 3 : i32
    %eq3A_28 = arith.constant 0 : i32
    %eq3A_29 = arith.cmpi eq, %jit3A_27, %eq3A_28 : i32
    %jit3A_30 = arith.constant 1 : i32
    %select_n3A_31 = arith.select %eq3A_29, %jit3A_30, %jit3A_27 : i32
    %rem3A_32 = vector.broadcast %select_n3A_31 : i32 to vector<8x576xi32>
    %rem3A_33 = arith.remsi %iota3A_25, %rem3A_32 : vector<8x576xi32>
    %ne3A_34 = arith.constant 0 : i32
    %ne3A_35 = vector.broadcast %ne3A_34 : i32 to vector<8x576xi32>
    %ne3A_36 = arith.cmpi ne, %rem3A_33, %ne3A_35 : vector<8x576xi32>
    %lt3A = arith.constant 0 : i32
    %lt3A_37 = vector.broadcast %lt3A : i32 to vector<8x576xi32>
    %lt3A_38 = arith.cmpi slt, %rem3A_33, %lt3A_37 : vector<8x576xi32>
    %lt3A_39 = arith.constant 0 : i32
    %lt3A_40 = arith.cmpi slt, %select_n3A_31, %lt3A_39 : i32
    %ne3A_41 = vector.broadcast %lt3A_40 : i1 to vector<8x576xi1>
    %ne3A_42 = vector.broadcast %ne3A_41 : vector<8x576xi1> to vector<8x576xi1>
    %ne3A_43 = arith.xori %lt3A_38, %ne3A_42 : vector<8x576xi1>
    %and3A_44 = arith.andi %ne3A_43, %ne3A_36 : vector<8x576xi1>
    %add3A = vector.broadcast %select_n3A_31 : i32 to vector<8x576xi32>
    %add3A_45 = arith.addi %rem3A_33, %add3A : vector<8x576xi32>
    %select_n3A_46 = arith.select %and3A_44, %add3A_45, %rem3A_33 : vector<8x576xi1>, vector<8x576xi32>
    %jit3A_47 = arith.constant 3 : i32
    %eq3A_48 = arith.constant 0 : i32
    %eq3A_49 = arith.cmpi eq, %jit3A_47, %eq3A_48 : i32
    %jit3A_50 = arith.constant 1 : i32
    %select_n3A_51 = arith.select %eq3A_49, %jit3A_50, %jit3A_47 : i32
    %rem3A_52 = vector.broadcast %select_n3A_51 : i32 to vector<8x576xi32>
    %rem3A_53 = arith.remsi %iota3A_26, %rem3A_52 : vector<8x576xi32>
    %ne3A_54 = arith.constant 0 : i32
    %ne3A_55 = vector.broadcast %ne3A_54 : i32 to vector<8x576xi32>
    %ne3A_56 = arith.cmpi ne, %rem3A_53, %ne3A_55 : vector<8x576xi32>
    %lt3A_57 = arith.constant 0 : i32
    %lt3A_58 = vector.broadcast %lt3A_57 : i32 to vector<8x576xi32>
    %lt3A_59 = arith.cmpi slt, %rem3A_53, %lt3A_58 : vector<8x576xi32>
    %lt3A_60 = arith.constant 0 : i32
    %lt3A_61 = arith.cmpi slt, %select_n3A_51, %lt3A_60 : i32
    %ne3A_62 = vector.broadcast %lt3A_61 : i1 to vector<8x576xi1>
    %ne3A_63 = vector.broadcast %ne3A_62 : vector<8x576xi1> to vector<8x576xi1>
    %ne3A_64 = arith.xori %lt3A_59, %ne3A_63 : vector<8x576xi1>
    %and3A_65 = arith.andi %ne3A_64, %ne3A_56 : vector<8x576xi1>
    %add3A_66 = vector.broadcast %select_n3A_51 : i32 to vector<8x576xi32>
    %add3A_67 = arith.addi %rem3A_53, %add3A_66 : vector<8x576xi32>
    %select_n3A_68 = arith.select %and3A_65, %add3A_67, %rem3A_53 : vector<8x576xi1>, vector<8x576xi32>
    %eq3A_69 = arith.cmpi eq, %select_n3A_46, %select_n3A_68 : vector<8x576xi32>
    %convert_element_type3A_70 = arith.extui %eq3A_69 : vector<8x576xi1> to vector<8x576xi32>
    %convert_element_type3A_71 = arith.sitofp %convert_element_type3A_70 : vector<8x576xi32> to vector<8x576xf32>
    %lt3A_72 = arith.constant 3 : i32
    %lt3A_73 = vector.broadcast %lt3A_72 : i32 to vector<8x576xi32>
    %lt3A_74 = arith.cmpi slt, %iota3A_26, %lt3A_73 : vector<8x576xi32>
    %convert_element_type3A_75 = arith.extui %lt3A_74 : vector<8x576xi1> to vector<8x576xi32>
    %convert_element_type3A_76 = arith.sitofp %convert_element_type3A_75 : vector<8x576xi32> to vector<8x576xf32>
    %mul3A = arith.mulf %convert_element_type3A_71, %convert_element_type3A_76 : vector<8x576xf32>
    %get3A = arith.constant 0 : index
    %get3A_77 = arith.constant 0 : index
    %get3A_78 = vector.load %arg1[%get3A, %get3A_77] : memref<512x8xf32, #tpu.memory_space<vmem>>, vector<512x8xf32>
    %dot_general3A = arith.constant dense<0.000000e+00> : vector<512x576xf32>
    %dot_general3A_79 = tpu.matmul %get3A_78, %mul3A, %dot_general3A {dimension_numbers = #tpu.dot_dimension_numbers<[1], [0], [0], [1], [0, 0, 1, 1], [], []>, transpose_lhs_hint = false} : vector<512x8xf32>, vector<8x576xf32>, vector<512x576xf32> -> vector<512x576xf32>
    %get3A_80 = arith.constant 0 : index
    %get3A_81 = arith.constant 0 : index
    %get3A_82 = vector.load %arg2[%get3A_80, %get3A_81] : memref<512x8xf32, #tpu.memory_space<vmem>>, vector<512x8xf32>
    %dot_general3A_83 = arith.constant dense<0.000000e+00> : vector<512x576xf32>
    %dot_general3A_84 = tpu.matmul %get3A_82, %mul3A, %dot_general3A_83 {dimension_numbers = #tpu.dot_dimension_numbers<[1], [0], [0], [1], [0, 0, 1, 1], [], []>, transpose_lhs_hint = false} : vector<512x8xf32>, vector<8x576xf32>, vector<512x576xf32> -> vector<512x576xf32>
    %get3A_85 = arith.constant 0 : index
    %get3A_86 = arith.constant 0 : index
    %get3A_87 = vector.load %arg3[%get3A_85, %get3A_86] : memref<512x192xf32, #tpu.memory_space<vmem>>, vector<512x192xf32>
    %dot_general3A_88 = arith.constant dense<0.000000e+00> : vector<512x576xf32>
    %dot_general3A_89 = tpu.matmul %get3A_87, %convert_element_type3A_24, %dot_general3A_88 {dimension_numbers = #tpu.dot_dimension_numbers<[1], [0], [0], [1], [0, 0, 1, 1], [], []>, transpose_lhs_hint = false} : vector<512x192xf32>, vector<192x576xf32>, vector<512x576xf32> -> vector<512x576xf32>
    %mul3A_90 = arith.mulf %dot_general3A_84, %dot_general3A_89 : vector<512x576xf32>
    %add3A_91 = arith.addf %dot_general3A_79, %mul3A_90 : vector<512x576xf32>
    %swap3A = arith.constant 0 : index
    %swap3A_92 = arith.constant 0 : index
    %swap3A_93 = vector.load %arg4[%swap3A, %swap3A_92] : memref<512x576xf32, #tpu.memory_space<vmem>>, vector<512x576xf32>
    tpu.vector_store %arg4[%swap3A, %swap3A_92], %add3A_91 {strides = array<i32>} : memref<512x576xf32, #tpu.memory_space<vmem>>, vector<512x576xf32>,
    return
  }
  func.func @transform_0(%arg0: i32) -> (i32, i32) {
    %c0_i32 = arith.constant 0 : i32
    %c0_i32_0 = arith.constant 0 : i32
    return %arg0, %c0_i32 : i32, i32
  }
  func.func @transform_1(%arg0: i32) -> (i32, i32) {
    %c0_i32 = arith.constant 0 : i32
    %c0_i32_0 = arith.constant 0 : i32
    return %arg0, %c0_i32 : i32, i32
  }
  func.func @transform_2(%arg0: i32) -> (i32, i32) {
    %c0_i32 = arith.constant 0 : i32
    %c0_i32_0 = arith.constant 0 : i32
    return %arg0, %c0_i32 : i32, i32
  }
  func.func @transform_3(%arg0: i32) -> (i32, i32) {
    %c0_i32 = arith.constant 0 : i32
    %c0_i32_0 = arith.constant 0 : i32
    return %arg0, %c0_i32 : i32, i32
  }
}

</mosaic_0001>

<sc_bundles>
// kernel: kernel.4.cloned.1.call-start
scs
__scs_entry_jumppad:
0x0: {  	(pc) =	sbr.rel $0x88, $3  }
0x1: {  	(tag) =	ssettag $0x0;
	lr =	simm.s32 $0x1  }
0x2: {  	[smem:$0x3F9D] =	sst lr;
	_ =	strace $0xD0000000  }
0x3: {  	_ = 	snop  }
0x4: {  	_ = 	snop  }
0x5: {  	_ = 	snop  }
0x6: {  	_ = 	snop  }
0x7: {  	_ = 	snop  }
__scs_overlays_trampoline_lowered:
0x8: {  	[smem:$0x3FAC] =	sst s0  }
0x9: {  	[smem:$0x3FAD] =	sst s1  }
0xa: {  	[smem:$0x3FAE] =	sst s2  }
0xb: {  	[smem:$0x3FAF] =	sst s3  }
0xc: {  	[smem:$0x3FB0] =	sst s4  }
0xd: {  	[smem:$0x3FB1] =	sst s5  }
0xe: {  	[smem:$0x3FB2] =	sst s6  }
0xf: {  	[smem:$0x3FB3] =	sst s7  }
0x10: {  	[smem:$0x3FB4] =	sst s8  }
0x11: {  	[smem:$0x3FB5] =	sst s9;
	s0 =	simm.s32 @!p0 $0x0  }
0x12: {  	s1 =	sld [smem:$0x3F9B];
	s0 =	simm.s32 @p0 $0x1  }
0x13: {  	[smem:$0x3FB6] =	sst s0;
	s0 =	simm.s32 @!p1 $0x0  }
0x14: {  	s2 =	sld [smem:$0x3F9A];
	s0 =	simm.s32 @p1 $0x1  }
0x15: {  	[smem:$0x3FB7] =	sst s0;
	s0 =	simm.s32 @!p2 $0x0  }
0x16: {  	s3 =	sld [smem:$0x3FDB];
	s0 =	simm.s32 @p2 $0x1  }
0x17: {  	s4 =	simm.s32 $0x1BF5;
	[smem:$0x3FB9] =	sst s0  }
0x18: {  	s0 =	sld [smem:$0x3F9C];
	_ =	swait.ge [sflag:s4], $0x0  }
0x19: {  	s7 =	sld [smem:$0x3F9D]  }
0x1a: {  	s8 =	sadd.s32 $0xFFFFE003, lr  }
0x1b: {  	s9 =	sadd.s32 $0xFFFFFEF7, lr;
	s5 =	simm.s32 $0xFFFFFFFF;
	p2 =	slt.u32 s8, $0xFFFFF086  }
0x1c: {  	p1 =	slt.u32 s9, $0xF7A;
	s5 =	simm.s32 @!p2 $0x0  }
0x1d: {  	s5 =	simm.s32 @p1 $0x1;
	p0 =	seq.s32 s7, s2  }
0x1e: {  	s7 =	smul.u32 @!p0 $0xF7A, s2;
	p2 =	seq.s32 @!p0 s5, $0x0  }
0x1f: {  	s9 =	smul.u32 $0xF7A, s1;
	s8 =	simm.s32 @!p0 $0x1BF5;
	p2 =	por !p2, p0  }
0x20: {  	[sflag:s8] =	ssyncset.s32 @!p0 $0xFFFFF086;
	s6 =	sadd.s32 @!p0 s3, s7;
	s7 =	simm.s32 @!p0 $0x108  }
0x21: {  	s3 =	sadd.s32 s3, s9;
	s6 =	sadd.s32 @!p0 $0x88, s6;
	s7 =	simm.s32 @p2 $0x1082  }
0x22: {  	[simem:s7], [sflag:s8] =	dma.local @!p0 [hbm:s6], $0xF7A  }
0x23: {  	s9 =	sor.u32 $0xD0000000, s2;
	s6 =	simm.s32 $0x108;
	_ =	swait.ge @!p0 [sflag:s8], $0x0  }
0x24: {  	s3 =	sadd.s32 $0x88, s3;
	s6 =	simm.s32 @!p1 $0x1082;
	[sflag:s4] =	ssyncset.s32 $0xFFFFF086  }
0x25: {  	[simem:s6], [sflag:s4] =	dma.local [hbm:s3], $0xF7A  }
0x26: {  	[smem:$0x3F9D] =	sst s1;
	(tag) =	ssettag s2;
	_ =	strace s9  }
0x27: {  	s1 =	sld [smem:$0x3FAD]  }
0x28: {  	s2 =	sld [smem:$0x3FAE]  }
0x29: {  	s4 =	sld [smem:$0x3FB0]  }
0x2a: {  	p0 =	seq.s32 s5, $0x0;
	s5 =	sld [smem:$0x3FB1]  }
0x2b: {  	s6 =	sld [smem:$0x3FB2]  }
0x2c: {  	s7 =	sld [smem:$0x3FB3]  }
0x2d: {  	s3 =	simm.s32 $0x108;
	s8 =	sld [smem:$0x3FB4]  }
0x2e: {  	s3 =	simm.s32 @!p0 $0x1082;
	s9 =	sld [smem:$0x3FB5]  }
0x2f: {  	lr =	sadd.s32 s0, s3;
	s0 =	sld [smem:$0x3FAC]  }
0x30: {  	s3 =	sld [smem:$0x3FAF]  }
0x31: {  	[smem:$0x3FB8] =	sst s10  }
0x32: {  	s10 =	sld [smem:$0x3FB6];
	_ =	sdelay $0x3  }
0x33: {  	p0 =	seq.s32 s10, $0x1;
	s10 =	sld [smem:$0x3FB8];
	_ =	sdelay $0x3  }
0x34: {  	[smem:$0x3FB8] =	sst s10  }
0x35: {  	s10 =	sld [smem:$0x3FB7];
	_ =	sdelay $0x3  }
0x36: {  	p1 =	seq.s32 s10, $0x1;
	s10 =	sld [smem:$0x3FB8];
	_ =	sdelay $0x3  }
0x37: {  	[smem:$0x3FB8] =	sst s10  }
0x38: {  	s10 =	sld [smem:$0x3FB9]  }
0x39: {  	_ = 	snop;
	(pc) =	sbr.ind lr, $3  }
0x3a: {  	_ = 	snop  }
0x3b: {  	_ = 	snop  }
0x3c: {  	p2 =	seq.s32 s10, $0x1;
	s10 =	sld [smem:$0x3FB8]  }
0x3d: {  	_ =	shalt  }
0x3e: {  	_ =	shalt  }
0x3f: {  	_ =	shalt  }
0x40: {  	_ =	shalt  }
0x41: {  	_ =	shalt  }
0x42: {  	_ =	shalt  }
0x43: {  	_ =	shalt  }
0x44: {  	_ =	shalt  }
0x45: {  	_ =	shalt  }
0x46: {  	_ =	shalt  }
0x47: {  	_ =	shalt  }
0x48: {  	_ =	shalt  }
0x49: {  	_ =	shalt  }
0x4a: {  	_ =	shalt  }
0x4b: {  	_ =	shalt  }
0x4c: {  	_ =	shalt  }
0x4d: {  	_ =	shalt  }
0x4e: {  	_ =	shalt  }
0x4f: {  	_ =	shalt  }
0x50: {  	_ =	shalt  }
0x51: {  	_ =	shalt  }
0x52: {  	_ =	shalt  }
0x53: {  	_ =	shalt  }
0x54: {  	_ =	shalt  }
0x55: {  	_ =	shalt  }
0x56: {  	_ =	shalt  }
0x57: {  	_ =	shalt  }
0x58: {  	_ =	shalt  }
0x59: {  	_ =	shalt  }
0x5a: {  	_ =	shalt  }
0x5b: {  	_ =	shalt  }
0x5c: {  	_ =	shalt  }
0x5d: {  	_ =	shalt  }
0x5e: {  	_ =	shalt  }
0x5f: {  	_ =	shalt  }
0x60: {  	_ =	shalt  }
0x61: {  	_ =	shalt  }
0x62: {  	_ =	shalt  }
0x63: {  	_ =	shalt  }
0x64: {  	_ =	shalt  }
0x65: {  	_ =	shalt  }
0x66: {  	_ =	shalt  }
0x67: {  	_ =	shalt  }
0x68: {  	_ =	shalt  }
0x69: {  	_ =	shalt  }
0x6a: {  	_ =	shalt  }
0x6b: {  	_ =	shalt  }
0x6c: {  	_ =	shalt  }
0x6d: {  	_ =	shalt  }
0x6e: {  	_ =	shalt  }
0x6f: {  	_ =	shalt  }
0x70: {  	_ =	shalt  }
0x71: {  	_ =	shalt  }
0x72: {  	_ =	shalt  }
0x73: {  	_ =	shalt  }
0x74: {  	_ =	shalt  }
0x75: {  	_ =	shalt  }
0x76: {  	_ =	shalt  }
0x77: {  	_ =	shalt  }
0x78: {  	_ =	shalt  }
0x79: {  	_ =	shalt  }
0x7a: {  	_ =	shalt  }
0x7b: {  	_ =	shalt  }
0x7c: {  	_ =	shalt  }
0x7d: {  	_ =	shalt  }
0x7e: {  	_ =	shalt  }
0x7f: {  	_ =	shalt  }
0x80: {  	_ =	shalt  }
0x81: {  	_ =	shalt  }
0x82: {  	_ =	shalt  }
0x83: {  	_ =	shalt  }
0x84: {  	_ =	shalt  }
0x85: {  	_ =	shalt  }
0x86: {  	_ =	shalt  }
0x87: {  	_ =	shalt  }
.Lfunc_end0:
.L_simem_size_0:
called_computation.1_lowered:
.L_overlay_start_0:
0x88: {  	s2 =	sld [smem:$0x3FD9]  }
0x89: {  	s3 =	sld [smem:$0x3FFE];
	_ =	sdelay $0x1  }
0x8a: {  	s1 =	srdreg.scid  }
0x8b: {  	s0 =	sand.u32 $0x1, s1  }
0x8c: {  	s16 =	sshll.u32 s0, $0xA;
	s2 =	sadd.s32 s3, s2  }
0x8d: {  	s2 =	sadd.s32 s2, s16  }
0x8e: {  	[smem:$0x3FC4] =	sst s2  }
0x8f: {  	_ = 	snop  }
0x90: {  	(tm) =	ssettm $0x1  }
0x91: {  	s17 =	sld [smem:$0x3FFB];
	_ =	sdelay $0x3  }
0x92: {  	_ =	strace s17  }
0x93: {  	s2 =	sld [smem:$0x3FFC];
	_ =	sdelay $0x3  }
0x94: {  	_ =	strace s2  }
0x95: {  	s2 =	sld [smem:$0x3FFD];
	_ =	sdelay $0x3  }
0x96: {  	_ =	strace s2  }
0x97: {  	_ =	strace $0x8FFFFFFF  }
0x98: {  	s18 =	sld [smem:$0x3FDB];
	_ =	sdelay $0x1  }
0x99: {  	s19 =	simm.s32 $_scs_section_size  }
0x9a: {  	s4 =	simm.s32 $_size__tile_overlayer_lowered;
	s5 =	simm.s32 $_tile_overlayer_lowered  }
0x9b: {  	s22 =	simm.s32 $0x1BFF;
	s21 =	sshll.u32 s5, $0x1;
	s2 =	sadd.s32 s19, s18  }
0x9c: {  	s6 =	simm.s32 $0x0;
	s20 =	sshll.u32 s4, $0x1;
	s4 =	sadd.s32 s21, s2  }
0x9d: {  	[timem:s6], [sflag:s22] =	dma.local [hbm:s4], s20  }
0x9e: {  	_ =	swait.ge [sflag:s22], s20  }
0x9f: {  	s3 =	ssub.s32 $0x0, s20;
	[sflag:s22] =	ssyncset.done $0x0  }
0xa0: {  	[sflag:s22] =	ssyncadd.s32 s3;
	_ =	sdelay $0x1  }
0xa1: {  	s23 =	simm.s32 $0x1B8B  }
0xa2: {  	_ =	swait.ge [sflag:s23], $0x1  }
0xa3: {  	[sflag:s23] =	ssyncset.done $0x0  }
0xa4: {  	s25 =	simm.s32 $0x1B8E;
	s24 =	sld [smem:$0x3FFE];
	[sflag:s23] =	ssyncadd.s32 $0xFFFFFFFF  }
0xa5: {  	s26 =	simm.s32 $execute0_lowered;
	[smem:$0x3FD2] =	sst s25  }
0xa6: {  	s4 =	sshll.u32 s26, $0x1;
	_ =	strace $0x80000046;
	[dreg:$0x1] =	wrdreg $0xFFFFFFFF  }
0xa7: {  	s28 =	simm.s32 $_size_execute0_lowered;
	s2 =	sadd.s32 s2, s4;
	[dreg:$0x0] =	wrdreg $0x0  }
0xa8: {  	s4 =	sshll.u32 s28, $0x1;
	[dreg:$0x2] =	wrdreg s2  }
0xa9: {  	[dreg:$0x3] =	wrdreg s4  }
0xaa: {  	[dreg:$0x4] =	wrdreg $0xC0  }
0xab: {  	_ =	task [dreg:s6], $0x5FFFF  }
0xac: {  	[dreg:$0x1] =	wrdreg $0xFFFFFFFF  }
0xad: {  	[dreg:$0x0] =	wrdreg $0x60  }
0xae: {  	[dreg:$0x2] =	wrdreg s24  }
0xaf: {  	[dreg:$0x3] =	wrdreg $0x9  }
0xb0: {  	_ =	task.clear_ibuf [dreg:s6], $0x4FFFF;
	_ =	strace $0x90000046  }
0xb1: {  	s29 =	simm.s32 $0x9;
	_ =	strace $0x80000048  }
0xb2: {  	_ =	swait.ge [sflag:s29], $0x1  }
0xb3: {  	[sflag:s29] =	ssyncadd.s32 $0xFFFFFFFF  }
0xb4: {  	_ =	strace $0x90000048  }
0xb5: {  	_ =	sfence  }
0xb6: {  	s30 =	sld [smem:$0x0];
	_ =	sdelay $0x2  }
0xb7: {  	s31 =	sshll.u32 s1, $0xD;
	s1 =	sshrl.u32 s1, $0x2  }
0xb8: {  	s3 =	sand.u32 $0x4000, s31;
	s1 =	sadd.s32 s1, s30  }
0xb9: {  	s0 =	sor.u32 s3, s0;
	s1 =	sshll.u32 s1, $0x11  }
0xba: {  	s0 =	sor.u32 s1, s0  }
0xbb: {  	s0 =	sadd.s32 $0x8F2B, s0  }
0xbc: {  	[sflag:s0] =	ssyncadd.remote.s32 $0x1  }
0xbd: {  	_ =	sfence.sel $0xFFFF  }
0xbe: {  	[dreg:$0x0] =	wrdreg $0xFFFFFFFF;
	(pc) =	sbr.abs _section_cstart, $3  }
0xbf: {  	[dreg:$0x1] =	wrdreg $0xFFFFFFFF  }
0xc0: {  	_ =	task.clear_ibuf [dreg:s6], $0x2FFFF;
	_ =	strace $0x9FFFFFFF  }
0xc1: {  	(tm) =	ssettm $0x7FFFFFFF  }
tec
execute0_lowered:
.L_overlay_start_1:
0x0: {  	(tag) =	ssettag $0x1  }
0x1: {  	v1 =	vimm.s32 $0x3C3B3A39;
	v0 =	vlaneseq.u32;
	v2 =	vimm.s32 $0x34333231  }
0x2: {  	v3 =	vimm.s32 $0x38373635;
	vm0 =	vcmask $0x1F10;
	v8 =	vimm.s32 $0x1  }
0x3: {  	v9 =	vimm.f32 $1.181102400e-01;
	vm1 =	vcmask $0x300;
	v10 =	vimm.f32 $2.440944910e-01  }
0x4: {  	vm2 =	vcmask $0x704;
	vm3 =	vcmask $0xB08;
	vm4 =	vcmask $0xF0C  }
0x5: {  	vm5 =	vcmask $0x1310;
	vm6 =	vcmask $0x1714;
	vm7 =	vcmask $0x1B18  }
0x6: {  	vm8 =	vcmask $0x1F1C;
	vm9 =	vcmask $0x2320;
	vm10 =	vcmask $0x2724  }
0x7: {  	vm11 =	vcmask $0x2B28;
	vm12 =	vcmask $0x2F2C;
	vm14 =	vcmask $0x3330  }
0x8: {  	vm15 =	vcmask $0x3734;
	vm13 =	vcmask $0x3B38;
	v11 =	vimm.f32 $3.700787430e-01  }
0x9: {  	v12 =	vimm.f32 $4.960629940e-01;
	v13 =	vimm.f32 $6.220472450e-01;
	v14 =	vimm.f32 $7.480314970e-01  }
0xa: {  	v15 =	vimm.f32 $8.740157480e-01;
	v16 =	vimm.f32 $1.000000000e+00;
	v4 =	vunpack.c.0.s8.s32 v1  }
0xb: {  	v1 =	vimm.s32 $0x3F3F3E3D;
	v6 =	vunpack.c.0.s8.s32 v2;
	v7 =	vunpack.c.0.s8.s32 v3  }
0xc: {  	v2 =	vadd.s32 $0x11, v0;
	v3 =	vadd.s32 $0x21, v0;
	v9 =	vsel vm1, $0x0, v9  }
0xd: {  	v10 =	vsel vm1, $0x3E010204, v10;
	v11 =	vsel vm1, $0x3E810204, v11;
	v12 =	vsel vm1, $0x3EC18306, v12  }
0xe: {  	v13 =	vsel vm1, $0x3F010204, v13;
	v14 =	vsel vm1, $0x3F214285, v14;
	v15 =	vsel vm1, $0x3F418306, v15  }
0xf: {  	s4 =	rddreg [dreg:$0x0];
	s1 =	simm.s32 $0x0;
	s7 =	simm.s32 $0x10000;
	v16 =	vsel vm1, $0x3F61C387, v16;
	v17 =	vor.u32 $0x10, v0;
	v18 =	vor.u32 $0x20, v0  }
0x10: {  	s8 =	simm.s32 $0x10100;
	s13 =	simm.s32 $0x8000;
	s14 =	simm.s32 $0x10180;
	v19 =	vor.u32 $0x30, v0;
	v20 =	vor.u32 $0x40, v0;
	v21 =	vor.u32 $0x50, v0  }
0x11: {  	s15 =	simm.s32 $0x10280;
	s16 =	simm.s32 $0x10200;
	[smem:$0x7FF] =	sst s1;
	v22 =	vor.u32 $0x60, v0;
	v23 =	vor.u32 $0x70, v0;
	v5 =	vunpack.c.0.s8.s32 v1  }
0x12: {  	s2 =	sadd.s32 $0x101E00, s4;
	v1 =	vadd.s32 $0x1, v0;
	v9 =	vsel vm2, $0x3C010204, v9;
	v10 =	vsel vm2, $0x3E091224, v10  }
0x13: {  	v11 =	vsel vm2, $0x3E850A14, v11;
	v12 =	vsel vm2, $0x3EC58B16, v12;
	v13 =	vsel vm2, $0x3F03060C, v13  }
0x14: {  	v14 =	vsel vm2, $0x3F23468D, v14;
	v15 =	vsel vm2, $0x3F43870E, v15;
	v16 =	vsel vm2, $0x3F63C78F, v16  }
0x15: {  	v9 =	vsel vm3, $0x3C810204, v9;
	v10 =	vsel vm3, $0x3E112244, v10;
	v11 =	vsel vm3, $0x3E891224, v11  }
0x16: {  	v12 =	vsel vm3, $0x3EC99326, v12;
	v13 =	vsel vm3, $0x3F050A14, v13;
	v14 =	vsel vm3, $0x3F254A95, v14  }
0x17: {  	s0 =	rddreg [dreg:$0x1];
	s6 =	srdreg.scid;
	s3 =	sadd.s32 $0x201E00, s4;
	v15 =	vsel vm3, $0x3F458B16, v15;
	v16 =	vsel vm3, $0x3F65CB97, v16;
	v4 =	vsel vm0, v5, v4  }
0x18: {  	s5 =	sadd.s32 $0x1E00, s4;
	s11 =	sand.u32 $0x1, s6;
	_ =	strace $0x80000047;
	v5 =	vsel vm0, v7, v6;
	vm0 =	vmmov $0x3fff;
	v6 =	vadd.s32 $0x31, v0  }
0x19: {  	s6 =	simm.s32 $0x4000;
	s10 =	sshll.u32 s11, $0xB;
	v7 =	vimm.s32 $0x0;
	v9 =	vsel vm4, $0x3CC18306, v9;
	v10 =	vsel vm4, $0x3E193265, v10  }
0x1a: {  	s11 =	ssub.s32 $0x2, s11;
	v11 =	vsel vm4, $0x3E8D1A34, v11;
	v12 =	vsel vm4, $0x3ECD9B36, v12;
	v13 =	vsel vm4, $0x3F070E1C, v13  }
0x1b: {  	s4 =	stileid.u32;
	s12 =	sshrl.u32 s11, $0x1;
	v14 =	vsel vm4, $0x3F274E9D, v14;
	v15 =	vsel vm4, $0x3F478F1E, v15;
	v16 =	vsel vm4, $0x3F67CF9F, v16  }
0x1c: {  	s9 =	sshll.u32 s4, $0xC;
	s11 =	ssub.s32 s11, s12;
	s12 =	simm.s32 $0x10080;
	v4 =	vcombine.low v5, v4;
	v5 =	vimm.f32 $0.0e+00;
	v9 =	vsel vm5, $0x3D010204, v9  }
0x1d: {  	v10 =	vsel vm5, $0x3E214285, v10;
	v11 =	vsel vm5, $0x3E912244, v11;
	v12 =	vsel vm5, $0x3ED1A346, v12  }
0x1e: {  	v13 =	vsel vm5, $0x3F091224, v13;
	v14 =	vsel vm5, $0x3F2952A5, v14;
	v15 =	vsel vm5, $0x3F499326, v15  }
0x1f: {  	v16 =	vsel vm5, $0x3F69D3A7, v16;
	v9 =	vsel vm6, $0x3D214285, v9;
	v10 =	vsel vm6, $0x3E2952A5, v10  }
0x20: {  	v11 =	vsel vm6, $0x3E952A55, v11;
	v12 =	vsel vm6, $0x3ED5AB57, v12;
	v13 =	vsel vm6, $0x3F0B162C, v13  }
0x21: {  	v14 =	vsel vm6, $0x3F2B56AD, v14;
	v15 =	vsel vm6, $0x3F4B972E, v15;
	v16 =	vsel vm6, $0x3F6BD7AF, v16  }
0x22: {  	v9 =	vsel vm7, $0x3D418306, v9;
	v10 =	vsel vm7, $0x3E3162C6, v10;
	v11 =	vsel vm7, $0x3E993265, v11  }
0x23: {  	v12 =	vsel vm7, $0x3ED9B367, v12;
	v13 =	vsel vm7, $0x3F0D1A34, v13;
	v14 =	vsel vm7, $0x3F2D5AB5, v14  }
0x24: {  	v15 =	vsel vm7, $0x3F4D9B36, v15;
	v16 =	vsel vm7, $0x3F6DDBB7, v16;
	v9 =	vsel vm8, $0x3D61C387, v9  }
0x25: {  	v10 =	vsel vm8, $0x3E3972E6, v10;
	v11 =	vsel vm8, $0x3E9D3A75, v11;
	v12 =	vsel vm8, $0x3EDDBB77, v12  }
0x26: {  	v13 =	vsel vm8, $0x3F0F1E3C, v13;
	v14 =	vsel vm8, $0x3F2F5EBD, v14;
	v15 =	vsel vm8, $0x3F4F9F3E, v15  }
0x27: {  	v16 =	vsel vm8, $0x3F6FDFBF, v16;
	v9 =	vsel vm9, $0x3D810204, v9;
	v10 =	vsel vm9, $0x3E418306, v10  }
0x28: {  	v11 =	vsel vm9, $0x3EA14285, v11;
	v12 =	vsel vm9, $0x3EE1C387, v12;
	v13 =	vsel vm9, $0x3F112244, v13  }
0x29: {  	v14 =	vsel vm9, $0x3F3162C6, v14;
	v15 =	vsel vm9, $0x3F51A346, v15;
	v16 =	vsel vm9, $0x3F71E3C8, v16  }
0x2a: {  	v9 =	vsel vm10, $0x3D912244, v9;
	v10 =	vsel vm10, $0x3E499326, v10;
	v11 =	vsel vm10, $0x3EA54A95, v11  }
0x2b: {  	v12 =	vsel vm10, $0x3EE5CB97, v12;
	v13 =	vsel vm10, $0x3F13264D, v13;
	v14 =	vsel vm10, $0x3F3366CE, v14  }
0x2c: {  	v15 =	vsel vm10, $0x3F53A74F, v15;
	v16 =	vsel vm10, $0x3F73E7D0, v16;
	v9 =	vsel vm11, $0x3DA14285, v9  }
0x2d: {  	v10 =	vsel vm11, $0x3E51A346, v10;
	v11 =	vsel vm11, $0x3EA952A5, v11;
	v12 =	vsel vm11, $0x3EE9D3A7, v12  }
0x2e: {  	v13 =	vsel vm11, $0x3F152A55, v13;
	v14 =	vsel vm11, $0x3F356AD6, v14;
	v15 =	vsel vm11, $0x3F55AB57, v15  }
0x2f: {  	v16 =	vsel vm11, $0x3F75EBD8, v16;
	v9 =	vsel vm12, $0x3DB162C6, v9;
	v10 =	vsel vm12, $0x3E59B367, v10  }
0x30: {  	v11 =	vsel vm12, $0x3EAD5AB5, v11;
	v12 =	vsel vm12, $0x3EEDDBB7, v12;
	v13 =	vsel vm12, $0x3F172E5D, v13  }
0x31: {  	v14 =	vsel vm12, $0x3F376EDE, v14;
	v15 =	vsel vm12, $0x3F57AF5F, v15;
	v16 =	vsel vm12, $0x3F77EFE0, v16  }
0x32: {  	v9 =	vsel vm14, $0x3DC18306, v9;
	v10 =	vsel vm14, $0x3E61C387, v10;
	v11 =	vsel vm14, $0x3EB162C6, v11  }
0x33: {  	v12 =	vsel vm14, $0x3EF1E3C8, v12;
	v13 =	vsel vm14, $0x3F193265, v13;
	v14 =	vsel vm14, $0x3F3972E6, v14  }
0x34: {  	v15 =	vsel vm14, $0x3F59B367, v15;
	v16 =	vsel vm14, $0x3F79F3E8, v16;
	v9 =	vsel vm15, $0x3DD1A346, v9  }
0x35: {  	v10 =	vsel vm15, $0x3E69D3A7, v10;
	v11 =	vsel vm15, $0x3EB56AD6, v11;
	v12 =	vsel vm15, $0x3EF5EBD8, v12  }
0x36: {  	v13 =	vsel vm15, $0x3F1B366D, v13;
	v14 =	vsel vm15, $0x3F3B76EE, v14;
	v15 =	vsel vm15, $0x3F5BB76F, v15  }
0x37: {  	v16 =	vsel vm15, $0x3F7BF7F0, v16;
	v9 =	vsel vm13, $0x3DE1C387, v9;
	v10 =	vsel vm13, $0x3E71E3C8, v10  }
0x38: {  	s17 =	simm.s32 $0x0;
	v11 =	vsel vm13, $0x3EB972E6, v11;
	v12 =	vsel vm13, $0x3EF9F3E8, v12;
	v13 =	vsel vm13, $0x3F1D3A75, v13  }
0x39: {  	s9 =	sor.u32 s10, s9;
	s10 =	smax.u32 s11, $0x1;
	s11 =	simm.s32 $0x1;
	v14 =	vsel vm13, $0x3F3D7AF6, v14;
	v15 =	vsel vm13, $0x3F5DBB77, v15;
	v16 =	vsel vm13, $0x3F7DFBF8, v16  }
.LBB2_1:
0x3a: {  	s18 =	simm.s32 $0x0  }
.LBB2_2:
0x3b: {  	s19 =	sshll.u32 s18, $0x7  }
0x3c: {  	s19 =	sadd.s32 s9, s19  }
0x3d: {  	s21 =	sshll.u32 s19, $0x4  }
0x3e: {  	s20 =	simm.s32 $0x0;
	s22 =	sadd.s32 s5, s21  }
0x3f: {  	[tilespmem:s20], [sflag:$0x1] =	stream.linear.gather [hbm4b:s22+s20], $0x4000, $0x38;
	[tilespmem:$0x10300] =	vst v63  }
0x40: {  	_ =	swait.ge [sflag:s11], $0x4000  }
0x41: {  	[sflag:s11] =	ssyncset.done $0x0  }
0x42: {  	s21 =	sadd.s32 s2, s21;
	[sflag:s11] =	ssyncadd.s32 $0xFFFFC000  }
0x43: {  	[tilespmem:s6], [sflag:$0x1] =	stream.linear.gather [hbm4b:s21+s20], $0x4000, $0x38;
	[tilespmem:$0x10300] =	vst v63  }
0x44: {  	_ =	swait.ge [sflag:s11], $0x4000  }
0x45: {  	[sflag:s11] =	ssyncset.done $0x0  }
0x46: {  	s21 =	simm.s32 $0x80;
	[sflag:s11] =	ssyncadd.s32 $0xFFFFC000  }
.LBB2_3:
0x47: {  	v29 =	vmov s20  }
0x48: {  	v27 =	vshll.u32 v29, $0x7  }
0x49: {  	v30 =	vor.u32 v1, v27;
	_ =	sdelay $0x4  }
0x4a: {  	v24 =	vld.idx.msk [tilespmem:v30+s6+$0x0], $0xffff;
	_ =	sdelay $0x4  }
0x4b: {  	v24 =	vadd.f32 $9.999999740e-06, v24  }
0x4c: {  	v31 =	vor.u32 v2, v27  }
0x4d: {  	(xrf2) =	vadd.scan.msk.f32 $0xffff, v24;
	_ =	sdelay $0x3  }
0x4e: {  	v48 =	vld.idx.msk [tilespmem:v31+s6+$0x0], $0xffff;
	_ =	sdelay $0x4  }
0x4f: {  	v24 =	vadd.f32 $9.999999740e-06, v48  }
0x50: {  	v32 =	vor.u32 v3, v27;
	v25, _, _ =	vpop (xrf2)  }
0x51: {  	(xrf2) =	vadd.scan.msk.f32 $0xffff, v24;
	v33 =	vadd.f32 $0.0e+00, v25;
	_ =	sdelay $0x1  }
0x52: {  	(xrf0) =	vmax.scan.msk.f32 $0xffff, v33;
	_ =	sdelay $0x1  }
0x53: {  	v49 =	vld.idx.msk [tilespmem:v32+s6+$0x0], $0xffff;
	_ =	sdelay $0x3  }
0x54: {  	v50, _, _ =	vpop (xrf0)  }
0x55: {  	v34 =	vor.u32 v4, v27;
	v24 =	vadd.f32 $9.999999740e-06, v49;
	v25 =	vbroadcast v50, $0xF  }
0x56: {  	v26, _, _ =	vpop (xrf2)  }
0x57: {  	(xrf2) =	vadd.scan.msk.f32 $0xffff, v24;
	v35 =	vadd.f32 v25, v26;
	_ =	sdelay $0x1  }
0x58: {  	(xrf0) =	vmax.scan.msk.f32 $0xffff, v35  }
0x59: {  	v51 =	vld.idx.msk [tilespmem:v34+s6+$0x0], $0xffff;
	_ =	sdelay $0x4  }
0x5a: {  	v24 =	vadd.f32 $9.999999740e-06, v51;
	v52, _, _ =	vpop (xrf0)  }
0x5b: {  	v25 =	vbroadcast v52, $0xF  }
0x5c: {  	v24 =	vnsel vm0, $0x0, v24;
	v53, _, _ =	vpop (xrf2)  }
0x5d: {  	(xrf2) =	vadd.scan.msk.f32 $0xffff, v24;
	v36 =	vadd.f32 v25, v53;
	_ =	sdelay $0x1  }
0x5e: {  	(xrf0) =	vmax.scan.msk.f32 $0xffff, v36;
	_ =	sdelay $0x5  }
0x5f: {  	v54, _, _ =	vpop (xrf0)  }
0x60: {  	v24 =	vbroadcast v54, $0xF  }
0x61: {  	v55, _, _ =	vpop (xrf2)  }
0x62: {  	v37 =	vadd.f32 v24, v55;
	_ =	sdelay $0x1  }
0x63: {  	(xrf0) =	vmax.scan.msk.f32 $0xffff, v37;
	_ =	sdelay $0x5  }
0x64: {  	v56, _, _ =	vpop (xrf0)  }
0x65: {  	v24 =	vbroadcast v56, $0xF  }
0x66: {  	v28 =	vld [tilespmem:s21+$0xFFFFFF80]  }
0x67: {  	v30 =	vld.idx.msk [tilespmem:v30+s1+$0x0], $0xffff;
	(erf) = vrcp.f32 v24  }
0x68: {  	v31 =	vld.idx.msk [tilespmem:v31+s1+$0x0], $0xffff  }
0x69: {  	v26 =	vld [tilespmem:s21+$0xFFFFFF90]  }
0x6a: {  	v32 =	vld.idx.msk [tilespmem:v32+s1+$0x0], $0xffff  }
0x6b: {  	v25 =	vld [tilespmem:s21+$0xFFFFFFA0]  }
0x6c: {  	v34 =	vld.idx.msk [tilespmem:v34+s1+$0x0], $0xffff  }
0x6d: {  	v24 =	vld [tilespmem:s21+$0xFFFFFFB0]  }
0x6e: {  	v30 =	vadd.f32 v30, v28;
	v31 =	vadd.f32 v31, v26;
	_ =	sdelay $0x1  }
0x6f: {  	v30 =	vmul.f32 $5.000000000e-01, v30;
	v31 =	vmul.f32 $5.000000000e-01, v31;
	v32 =	vadd.f32 v32, v25;
	v38 =	vpop (erf)  }
0x70: {  	v33 =	vmul.f32 v38, v33;
	v59 =	vmul.f32 v38, v35  }
0x71: {  	v57 =	vmul.f32 $5.000000000e-01, v32;
	[tilespmem:$0x10080] =	vst v30;
	v34 =	vadd.f32 v34, v24;
	v36 =	vmul.f32 v38, v36  }
0x72: {  	[tilespmem:$0x10090] =	vst v31;
	v39 =	vmul.f32 $1.270000000e+02, v33;
	v63 =	vmul.f32 $1.270000000e+02, v59  }
0x73: {  	[tilespmem:$0x100A0] =	vst v57;
	v58 =	vmul.f32 $5.000000000e-01, v34;
	v42 =	vmul.f32 $1.270000000e+02, v36  }
0x74: {  	[tilespmem:$0x10000] =	vst v5;
	v60 =	vtrunc.f32 v39;
	v40 =	vtrunc.f32 v63  }
0x75: {  	[tilespmem:$0x100B0] =	vst v58;
	v44 =	vtrunc.f32 v42;
	v61 =	vcvt.f32.s32 v60  }
0x76: {  	[tilespmem:v1+s7+$0x0] =	vst.idx.msk $0xffff, v33;
	vm1 =	vgt.f32 v39, v60;
	v39 =	vmul.f32 v38, v37;
	v41 =	vcvt.f32.s32 v40  }
0x77: {  	[tilespmem:v2+s7+$0x0] =	vst.idx.msk $0xffff, v59;
	vm2 =	vgt.f32 v63, v40;
	v45 =	vcvt.f32.s32 v44;
	v62 =	vsel vm1, $0x1, v7  }
0x78: {  	[tilespmem:v3+s7+$0x0] =	vst.idx.msk $0xffff, v36;
	v34 =	vsel vm2, $0x1, v7;
	v30 =	vadd.s32 v61, v62;
	v43 =	vmul.f32 $1.270000000e+02, v39  }
0x79: {  	[tilespmem:v6+s7+$0x0] =	vst.idx.msk $0x3fff, v39;
	v31 =	vadd.s32 v41, v34;
	vm1 =	vlt.s32 v30, $0x80;
	vm3 =	vlt.s32 v30, $0x7F  }
0x7a: {  	[tilespmem:$0x10100] =	vst v7;
	vm2 =	vlt.s32 v31, $0x80;
	v30 =	vnsel vm3, $0x7F, v30;
	v46 =	vtrunc.f32 v43  }
0x7b: {  	[tilespmem:$0x10110] =	vst v7;
	vm3 =	vgt.f32 v42, v44;
	v47 =	vcvt.f32.s32 v46;
	vm4 =	vgt.f32 v43, v46  }
0x7c: {  	[tilespmem:$0x10120] =	vst v7;
	vm5 =	vlt.s32 v31, $0x7F;
	v33 =	vsel vm3, $0x1, v7;
	v35 =	vsel vm4, $0x1, v7  }
0x7d: {  	[tilespmem:$0x10130] =	vst v7;
	v31 =	vnsel vm5, $0x7F, v31;
	v33 =	vadd.s32 v45, v33;
	v32 =	vadd.s32 v47, v35  }
0x7e: {  	[tilespmem:$0x10140] =	vst v7;
	vm3 =	vlt.s32 v33, $0x80;
	vm14 =	vlt.s32 v33, $0x7F;
	vm15 =	vlt.s32 v32, $0x80  }
0x7f: {  	[tilespmem:$0x10150] =	vst v7;
	v33 =	vnsel vm14, $0x7F, v33;
	vm9 =	vlt.s32 v32, $0x7F;
	vm8 =	vmand vm15, vm0  }
0x80: {  	[tilespmem:$0x10160] =	vst v7;
	v32 =	vnsel vm9, $0x7F, v32  }
0x81: {  	[tilespmem:$0x10170] =	vst v7  }
0x82: {  	[tilespmem:v30+s8+$0x0] =	vst.idx.add.s32.msk vm1, v8  }
0x83: {  	[tilespmem:v31+s8+$0x0] =	vst.idx.add.s32.msk vm2, v8  }
0x84: {  	[tilespmem:v33+s8+$0x0] =	vst.idx.add.s32.msk vm3, v8  }
0x85: {  	[tilespmem:v32+s8+$0x0] =	vst.idx.add.s32.msk vm8, v8  }
0x86: {  	v30 =	vld [tilespmem:$0x10100];
	_ =	sdelay $0x4  }
0x87: {  	(xrf0) =	vadd.scan.msk.s32 $0xffff, v30;
	_ =	sdelay $0x5  }
0x88: {  	v48, _, _ =	vpop (xrf0)  }
0x89: {  	v30 =	vadd.s32 $0x1, v48  }
0x8a: {  	vm1 =	vlt.s32 v30, $0x3E  }
0x8b: {  	v49 =	vnsel vm1, $0x3E, v30;
	_ =	sdelay $0x3  }
0x8c: {  	v33 =	vld.idx.msk [tilespmem:v48+s7+$0x0], $0xffff  }
0x8d: {  	v50 =	vld.idx.msk [tilespmem:v49+s7+$0x0], $0xffff;
	_ =	sdelay $0x4  }
0x8e: {  	v34 =	vsub.f32 v50, v33;
	_ =	sdelay $0x1  }
0x8f: {  	vm1 =	vlt.f32 v34, $9.999999740e-06  }
0x90: {  	v34 =	vsel vm1, $0x3F800000, v34  }
0x91: {  	(erf) = vrcp.f32 v34;
	_ =	sdelay $0x3  }
0x92: {  	v51 =	vld.idx.msk [tilespmem:v48+s12+$0x0], $0xffff  }
0x93: {  	v32 =	vld.idx.msk [tilespmem:v49+s12+$0x0], $0xffff;
	_ =	sdelay $0x1  }
0x94: {  	v31 =	vxor.u32 $0x80000000, v48  }
0x95: {  	(xrf0) =	vmax.scan.msk.u32 $0xffff, v31;
	v52 =	vsub.f32 v9, v33  }
0x96: {  	v53 =	vpop (erf)  }
0x97: {  	v32 =	vsub.f32 v32, v51;
	v31 =	vmul.f32 v53, v52;
	_ =	sdelay $0x1  }
0x98: {  	v31 =	vmul.f32 v31, v32;
	_ =	sdelay $0x1  }
0x99: {  	v54, _, _ =	vpop (xrf0);
	v31 =	vadd.f32 v31, v51  }
0x9a: {  	(v2sf) =	vpush v54, $0xF  }
0x9b: {  	(xrf0) =	vmax.scan.msk.f32 $0xffff, v31;
	_ =	sdelay $0x3  }
0x9c: {  	v55 =	vld [tilespmem:$0x10110];
	_ =	sdelay $0x1  }
0x9d: {  	v31, _, _ =	vpop (xrf0)  }
0x9e: {  	v31 =	vmax.f32 v31, $-1.000000020e+30  }
0x9f: {  	(xrf0) =	vmax.scan.msk.f32 $0xffff, v31  }
0xa0: {  	(xrf0) =	vadd.scan.msk.s32 $0xffff, v55;
	_ =	sdelay $0x4  }
0xa1: {  	s22 =	spop (v2sf);
	v56, _, _ =	vpop (xrf0)  }
0xa2: {  	s22 =	sxor.u32 $0x80000000, s22;
	v32, _, _ =	vpop (xrf0)  }
0xa3: {  	v57 =	vadd.s32 s22, v32  }
0xa4: {  	v32 =	vadd.s32 $0x1, v57  }
0xa5: {  	vm1 =	vlt.s32 v32, $0x3E  }
0xa6: {  	v58 =	vnsel vm1, $0x3E, v32;
	_ =	sdelay $0x3  }
0xa7: {  	v59 =	vld.idx.msk [tilespmem:v57+s7+$0x0], $0xffff  }
0xa8: {  	v60 =	vld.idx.msk [tilespmem:v58+s7+$0x0], $0xffff;
	_ =	sdelay $0x4  }
0xa9: {  	v37 =	vsub.f32 v60, v59;
	_ =	sdelay $0x1  }
0xaa: {  	vm1 =	vlt.f32 v37, $9.999999740e-06  }
0xab: {  	v37 =	vsel vm1, $0x3F800000, v37  }
0xac: {  	(erf) = vrcp.f32 v37;
	_ =	sdelay $0x3  }
0xad: {  	v61 =	vld.idx.msk [tilespmem:v57+s12+$0x0], $0xffff  }
0xae: {  	v35 =	vld.idx.msk [tilespmem:v58+s12+$0x0], $0xffff;
	_ =	sdelay $0x1  }
0xaf: {  	v34 =	vxor.u32 $0x80000000, v57  }
0xb0: {  	(xrf0) =	vmax.scan.msk.u32 $0xffff, v34;
	v62 =	vsub.f32 v10, v59  }
0xb1: {  	v63 =	vpop (erf)  }
0xb2: {  	v35 =	vsub.f32 v35, v61;
	v34 =	vmul.f32 v63, v62;
	_ =	sdelay $0x1  }
0xb3: {  	v34 =	vmul.f32 v34, v35;
	_ =	sdelay $0x1  }
0xb4: {  	v39, _, _ =	vpop (xrf0);
	v34 =	vadd.f32 v34, v61  }
0xb5: {  	(v2sf) =	vpush v39, $0xF  }
0xb6: {  	(xrf0) =	vmax.scan.msk.f32 $0xffff, v34;
	_ =	sdelay $0x3  }
0xb7: {  	v40 =	vld [tilespmem:$0x10120]  }
0xb8: {  	v33 =	vbroadcast v56, $0xF  }
0xb9: {  	v41, _, _ =	vpop (xrf0)  }
0xba: {  	v33 =	vmax.f32 v41, v33  }
0xbb: {  	(xrf0) =	vmax.scan.msk.f32 $0xffff, v33  }
0xbc: {  	(xrf0) =	vadd.scan.msk.s32 $0xffff, v40;
	_ =	sdelay $0x4  }
0xbd: {  	s30 =	spop (v2sf);
	v42, _, _ =	vpop (xrf0)  }
0xbe: {  	s22 =	sxor.u32 $0x80000000, s30;
	v34, _, _ =	vpop (xrf0)  }
0xbf: {  	v43 =	vadd.s32 s22, v34  }
0xc0: {  	v34 =	vadd.s32 $0x1, v43  }
0xc1: {  	vm1 =	vlt.s32 v34, $0x3E  }
0xc2: {  	v44 =	vnsel vm1, $0x3E, v34;
	_ =	sdelay $0x3  }
0xc3: {  	v45 =	vld.idx.msk [tilespmem:v43+s7+$0x0], $0xffff  }
0xc4: {  	v46 =	vld.idx.msk [tilespmem:v44+s7+$0x0], $0xffff;
	_ =	sdelay $0x4  }
0xc5: {  	v39 =	vsub.f32 v46, v45;
	_ =	sdelay $0x1  }
0xc6: {  	vm1 =	vlt.f32 v39, $9.999999740e-06  }
0xc7: {  	v39 =	vsel vm1, $0x3F800000, v39  }
0xc8: {  	(erf) = vrcp.f32 v39;
	_ =	sdelay $0x3  }
0xc9: {  	v47 =	vld.idx.msk [tilespmem:v43+s12+$0x0], $0xffff  }
0xca: {  	v37 =	vld.idx.msk [tilespmem:v44+s12+$0x0], $0xffff;
	_ =	sdelay $0x1  }
0xcb: {  	v36 =	vxor.u32 $0x80000000, v43  }
0xcc: {  	(xrf0) =	vmax.scan.msk.u32 $0xffff, v36;
	v48 =	vsub.f32 v11, v45  }
0xcd: {  	v49 =	vpop (erf)  }
0xce: {  	v37 =	vsub.f32 v37, v47;
	v36 =	vmul.f32 v49, v48;
	_ =	sdelay $0x1  }
0xcf: {  	v36 =	vmul.f32 v36, v37;
	_ =	sdelay $0x1  }
0xd0: {  	v50, _, _ =	vpop (xrf0);
	v36 =	vadd.f32 v36, v47  }
0xd1: {  	(v2sf) =	vpush v50, $0xF  }
0xd2: {  	(xrf0) =	vmax.scan.msk.f32 $0xffff, v36;
	_ =	sdelay $0x3  }
0xd3: {  	v51 =	vld [tilespmem:$0x10130]  }
0xd4: {  	v35 =	vbroadcast v42, $0xF  }
0xd5: {  	v52, _, _ =	vpop (xrf0)  }
0xd6: {  	v35 =	vmax.f32 v52, v35  }
0xd7: {  	(xrf0) =	vmax.scan.msk.f32 $0xffff, v35  }
0xd8: {  	(xrf0) =	vadd.scan.msk.s32 $0xffff, v51;
	_ =	sdelay $0x4  }
0xd9: {  	s31 =	spop (v2sf);
	v53, _, _ =	vpop (xrf0)  }
0xda: {  	s22 =	sxor.u32 $0x80000000, s31;
	v36, _, _ =	vpop (xrf0)  }
0xdb: {  	v54 =	vadd.s32 s22, v36  }
0xdc: {  	v36 =	vadd.s32 $0x1, v54  }
0xdd: {  	vm1 =	vlt.s32 v36, $0x3E  }
0xde: {  	v55 =	vnsel vm1, $0x3E, v36;
	_ =	sdelay $0x3  }
0xdf: {  	v40 =	vld.idx.msk [tilespmem:v54+s7+$0x0], $0xffff  }
0xe0: {  	v41 =	vld.idx.msk [tilespmem:v55+s7+$0x0], $0xffff;
	_ =	sdelay $0x4  }
0xe1: {  	v41 =	vsub.f32 v41, v40;
	_ =	sdelay $0x1  }
0xe2: {  	vm1 =	vlt.f32 v41, $9.999999740e-06  }
0xe3: {  	v41 =	vsel vm1, $0x3F800000, v41  }
0xe4: {  	(erf) = vrcp.f32 v41;
	_ =	sdelay $0x3  }
0xe5: {  	v56 =	vld.idx.msk [tilespmem:v54+s12+$0x0], $0xffff  }
0xe6: {  	v39 =	vld.idx.msk [tilespmem:v55+s12+$0x0], $0xffff;
	_ =	sdelay $0x1  }
0xe7: {  	v38 =	vxor.u32 $0x80000000, v54  }
0xe8: {  	(xrf0) =	vmax.scan.msk.u32 $0xffff, v38;
	v57 =	vsub.f32 v12, v40  }
0xe9: {  	v58 =	vpop (erf)  }
0xea: {  	v39 =	vsub.f32 v39, v56;
	v38 =	vmul.f32 v58, v57;
	_ =	sdelay $0x1  }
0xeb: {  	v38 =	vmul.f32 v38, v39;
	_ =	sdelay $0x1  }
0xec: {  	v59, _, _ =	vpop (xrf0);
	v38 =	vadd.f32 v38, v56  }
0xed: {  	(v2sf) =	vpush v59, $0xF  }
0xee: {  	(xrf0) =	vmax.scan.msk.f32 $0xffff, v38;
	_ =	sdelay $0x3  }
0xef: {  	v60 =	vld [tilespmem:$0x10140]  }
0xf0: {  	v37 =	vbroadcast v53, $0xF  }
0xf1: {  	v61, _, _ =	vpop (xrf0)  }
0xf2: {  	v37 =	vmax.f32 v61, v37  }
0xf3: {  	(xrf0) =	vmax.scan.msk.f32 $0xffff, v37  }
0xf4: {  	(xrf0) =	vadd.scan.msk.s32 $0xffff, v60;
	_ =	sdelay $0x4  }
0xf5: {  	s23 =	spop (v2sf);
	v62, _, _ =	vpop (xrf0)  }
0xf6: {  	s22 =	sxor.u32 $0x80000000, s23;
	v38, _, _ =	vpop (xrf0)  }
0xf7: {  	v63 =	vadd.s32 s22, v38  }
0xf8: {  	v38 =	vadd.s32 $0x1, v63  }
0xf9: {  	vm1 =	vlt.s32 v38, $0x3E  }
0xfa: {  	v45 =	vnsel vm1, $0x3E, v38;
	_ =	sdelay $0x3  }
0xfb: {  	v42 =	vld.idx.msk [tilespmem:v63+s7+$0x0], $0xffff  }
0xfc: {  	v43 =	vld.idx.msk [tilespmem:v45+s7+$0x0], $0xffff;
	_ =	sdelay $0x4  }
0xfd: {  	v43 =	vsub.f32 v43, v42;
	_ =	sdelay $0x1  }
0xfe: {  	vm1 =	vlt.f32 v43, $9.999999740e-06  }
0xff: {  	v43 =	vsel vm1, $0x3F800000, v43  }
0x100: {  	(erf) = vrcp.f32 v43;
	_ =	sdelay $0x3  }
0x101: {  	v46 =	vld.idx.msk [tilespmem:v63+s12+$0x0], $0xffff  }
0x102: {  	v41 =	vld.idx.msk [tilespmem:v45+s12+$0x0], $0xffff;
	_ =	sdelay $0x1  }
0x103: {  	v40 =	vxor.u32 $0x80000000, v63  }
0x104: {  	(xrf0) =	vmax.scan.msk.u32 $0xffff, v40;
	v47 =	vsub.f32 v13, v42  }
0x105: {  	v48 =	vpop (erf)  }
0x106: {  	v41 =	vsub.f32 v41, v46;
	v40 =	vmul.f32 v48, v47;
	_ =	sdelay $0x1  }
0x107: {  	v40 =	vmul.f32 v40, v41;
	_ =	sdelay $0x1  }
0x108: {  	v49, _, _ =	vpop (xrf0);
	v40 =	vadd.f32 v40, v46  }
0x109: {  	(v2sf) =	vpush v49, $0xF  }
0x10a: {  	(xrf0) =	vmax.scan.msk.f32 $0xffff, v40;
	_ =	sdelay $0x3  }
0x10b: {  	v50 =	vld [tilespmem:$0x10150]  }
0x10c: {  	v39 =	vbroadcast v62, $0xF  }
0x10d: {  	v51, _, _ =	vpop (xrf0)  }
0x10e: {  	v39 =	vmax.f32 v51, v39  }
0x10f: {  	(xrf0) =	vmax.scan.msk.f32 $0xffff, v39  }
0x110: {  	(xrf0) =	vadd.scan.msk.s32 $0xffff, v50;
	_ =	sdelay $0x4  }
0x111: {  	s24 =	spop (v2sf);
	v52, _, _ =	vpop (xrf0)  }
0x112: {  	s22 =	sxor.u32 $0x80000000, s24;
	v40, _, _ =	vpop (xrf0)  }
0x113: {  	v53 =	vadd.s32 s22, v40  }
0x114: {  	v40 =	vadd.s32 $0x1, v53  }
0x115: {  	vm1 =	vlt.s32 v40, $0x3E  }
0x116: {  	v54 =	vnsel vm1, $0x3E, v40;
	_ =	sdelay $0x3  }
0x117: {  	v44 =	vld.idx.msk [tilespmem:v53+s7+$0x0], $0xffff  }
0x118: {  	v45 =	vld.idx.msk [tilespmem:v54+s7+$0x0], $0xffff;
	_ =	sdelay $0x4  }
0x119: {  	v45 =	vsub.f32 v45, v44;
	_ =	sdelay $0x1  }
0x11a: {  	vm1 =	vlt.f32 v45, $9.999999740e-06  }
0x11b: {  	v45 =	vsel vm1, $0x3F800000, v45  }
0x11c: {  	(erf) = vrcp.f32 v45;
	_ =	sdelay $0x3  }
0x11d: {  	v55 =	vld.idx.msk [tilespmem:v53+s12+$0x0], $0xffff  }
0x11e: {  	v43 =	vld.idx.msk [tilespmem:v54+s12+$0x0], $0xffff;
	_ =	sdelay $0x1  }
0x11f: {  	v42 =	vxor.u32 $0x80000000, v53  }
0x120: {  	(xrf0) =	vmax.scan.msk.u32 $0xffff, v42;
	v56 =	vsub.f32 v14, v44  }
0x121: {  	v57 =	vpop (erf)  }
0x122: {  	v43 =	vsub.f32 v43, v55;
	v42 =	vmul.f32 v57, v56;
	_ =	sdelay $0x1  }
0x123: {  	v42 =	vmul.f32 v42, v43;
	_ =	sdelay $0x1  }
0x124: {  	v58, _, _ =	vpop (xrf0);
	v42 =	vadd.f32 v42, v55  }
0x125: {  	(v2sf) =	vpush v58, $0xF  }
0x126: {  	(xrf0) =	vmax.scan.msk.f32 $0xffff, v42;
	_ =	sdelay $0x3  }
0x127: {  	v59 =	vld [tilespmem:$0x10160]  }
0x128: {  	v41 =	vbroadcast v52, $0xF  }
0x129: {  	v60, _, _ =	vpop (xrf0)  }
0x12a: {  	v41 =	vmax.f32 v60, v41  }
0x12b: {  	(xrf0) =	vmax.scan.msk.f32 $0xffff, v41  }
0x12c: {  	(xrf0) =	vadd.scan.msk.s32 $0xffff, v59;
	_ =	sdelay $0x4  }
0x12d: {  	s25 =	spop (v2sf);
	v61, _, _ =	vpop (xrf0)  }
0x12e: {  	s22 =	sxor.u32 $0x80000000, s25;
	v42, _, _ =	vpop (xrf0)  }
0x12f: {  	v62 =	vadd.s32 s22, v42  }
0x130: {  	v42 =	vadd.s32 $0x1, v62  }
0x131: {  	vm1 =	vlt.s32 v42, $0x3E  }
0x132: {  	v63 =	vnsel vm1, $0x3E, v42;
	_ =	sdelay $0x3  }
0x133: {  	v46 =	vld.idx.msk [tilespmem:v62+s7+$0x0], $0xffff  }
0x134: {  	v47 =	vld.idx.msk [tilespmem:v63+s7+$0x0], $0xffff;
	_ =	sdelay $0x4  }
0x135: {  	v47 =	vsub.f32 v47, v46;
	_ =	sdelay $0x1  }
0x136: {  	vm1 =	vlt.f32 v47, $9.999999740e-06  }
0x137: {  	v47 =	vsel vm1, $0x3F800000, v47  }
0x138: {  	(erf) = vrcp.f32 v47;
	_ =	sdelay $0x3  }
0x139: {  	v48 =	vld.idx.msk [tilespmem:v62+s12+$0x0], $0xffff  }
0x13a: {  	v45 =	vld.idx.msk [tilespmem:v63+s12+$0x0], $0xffff;
	_ =	sdelay $0x1  }
0x13b: {  	v44 =	vxor.u32 $0x80000000, v62  }
0x13c: {  	(xrf0) =	vmax.scan.msk.u32 $0xffff, v44;
	v49 =	vsub.f32 v15, v46  }
0x13d: {  	v50 =	vpop (erf)  }
0x13e: {  	v45 =	vsub.f32 v45, v48;
	v44 =	vmul.f32 v50, v49;
	_ =	sdelay $0x1  }
0x13f: {  	v44 =	vmul.f32 v44, v45;
	_ =	sdelay $0x1  }
0x140: {  	v51, _, _ =	vpop (xrf0);
	v44 =	vadd.f32 v44, v48  }
0x141: {  	(v2sf) =	vpush v51, $0xF  }
0x142: {  	(xrf0) =	vmax.scan.msk.f32 $0xffff, v44;
	_ =	sdelay $0x3  }
0x143: {  	v52 =	vld [tilespmem:$0x10170]  }
0x144: {  	v43 =	vbroadcast v61, $0xF  }
0x145: {  	v53, _, _ =	vpop (xrf0)  }
0x146: {  	v43 =	vmax.f32 v53, v43  }
0x147: {  	(xrf0) =	vmax.scan.msk.f32 $0xffff, v43  }
0x148: {  	(xrf0) =	vadd.scan.msk.s32 $0xffff, v52;
	_ =	sdelay $0x4  }
0x149: {  	s26 =	spop (v2sf);
	v45, _, _ =	vpop (xrf0)  }
0x14a: {  	s22 =	sxor.u32 $0x80000000, s26;
	v44, _, _ =	vpop (xrf0)  }
0x14b: {  	v54 =	vadd.s32 s22, v44  }
0x14c: {  	v44 =	vadd.s32 $0x1, v54  }
0x14d: {  	vm1 =	vlt.s32 v44, $0x3E  }
0x14e: {  	v55 =	vnsel vm1, $0x3E, v44;
	_ =	sdelay $0x2  }
0x14f: {  	v48 =	vld.idx.msk [tilespmem:v54+s7+$0x0], $0xffff  }
0x150: {  	v50 =	vand.u32 $0xFFFFFF80, v30;
	v46 =	vld.idx.msk [tilespmem:v54+s12+$0x0], $0xffff  }
0x151: {  	v51 =	vand.u32 $0x7F, v30;
	v50 =	vadd.s32 v27, v50;
	v49 =	vld.idx.msk [tilespmem:v55+s7+$0x0], $0xffff  }
0x152: {  	v50 =	vor.u32 v51, v50;
	v47 =	vld.idx.msk [tilespmem:v55+s12+$0x0], $0xffff;
	[tilespmem:$0x10100] =	vst v7  }
0x153: {  	[tilespmem:$0x10110] =	vst v7  }
0x154: {  	[tilespmem:$0x10120] =	vst v7  }
0x155: {  	[tilespmem:$0x10130] =	vst v7  }
0x156: {  	[tilespmem:$0x10140] =	vst v7  }
0x157: {  	v50 =	vld.idx.msk [tilespmem:v50+s1+$0x0], $0xffff;
	_ =	sdelay $0x4  }
0x158: {  	vm1 =	vle.f32 v50, v31  }
0x159: {  	v50 =	vsel vm1, $0x1, v7  }
0x15a: {  	v50 =	vadd.s32 v50, v30  }
0x15b: {  	v30 =	vadd.s32 v0, v50  }
0x15c: {  	v29 =	vshll.u32 v29, $0x8;
	v56 =	vshll.u32 v30, $0x3  }
0x15d: {  	v29 =	vand.u32 $0x7800, v29;
	v51 =	vand.u32 $0xFFFFFC00, v56  }
0x15e: {  	v52 =	vand.u32 $0x7F, v30;
	v51 =	vadd.s32 v29, v51  }
0x15f: {  	v57 =	vand.u32 $0xFFFFFF80, v32;
	v30 =	vand.u32 $0x300, v27;
	v51 =	vor.u32 v52, v51  }
0x160: {  	v53 =	vand.u32 $0x7F, v32;
	v52 =	vadd.s32 v27, v57;
	v51 =	vor.u32 v30, v51  }
0x161: {  	v52 =	vor.u32 v53, v52;
	_ =	sdelay $0x2  }
0x162: {  	[tilespmem:v50+s8+$0x0] =	vst.idx.add.s32.msk $0xffff, v8  }
0x163: {  	[tilespmem:v51+s13+$0x0] =	vst.idx.msk $0xffff, v31  }
0x164: {  	v31 =	vld.idx.msk [tilespmem:v52+s1+$0x0], $0xffff;
	_ =	sdelay $0x4  }
0x165: {  	vm1 =	vle.f32 v31, v33  }
0x166: {  	v31 =	vsel vm1, $0x1, v7  }
0x167: {  	v31 =	vadd.s32 v31, v32  }
0x168: {  	v32 =	vadd.s32 v17, v31  }
0x169: {  	v58 =	vshll.u32 v32, $0x3  }
0x16a: {  	v50 =	vand.u32 $0xFFFFFC00, v58  }
0x16b: {  	v32 =	vand.u32 $0x7F, v32;
	v50 =	vadd.s32 v29, v50  }
0x16c: {  	v59 =	vand.u32 $0xFFFFFF80, v34;
	v32 =	vor.u32 v32, v50  }
0x16d: {  	v60 =	vand.u32 $0x7F, v34;
	v50 =	vadd.s32 v27, v59;
	v32 =	vor.u32 v30, v32  }
0x16e: {  	v50 =	vor.u32 v60, v50;
	_ =	sdelay $0x2  }
0x16f: {  	[tilespmem:v31+s8+$0x0] =	vst.idx.add.s32.msk $0xffff, v8  }
0x170: {  	[tilespmem:v32+s13+$0x0] =	vst.idx.msk $0xffff, v33  }
0x171: {  	v31 =	vld.idx.msk [tilespmem:v50+s1+$0x0], $0xffff;
	_ =	sdelay $0x4  }
0x172: {  	vm1 =	vle.f32 v31, v35  }
0x173: {  	v31 =	vsel vm1, $0x1, v7  }
0x174: {  	v31 =	vadd.s32 v31, v34  }
0x175: {  	v61 =	vadd.s32 v18, v31  }
0x176: {  	v62 =	vshll.u32 v61, $0x3  }
0x177: {  	v33 =	vand.u32 $0xFFFFFC00, v62  }
0x178: {  	v32 =	vand.u32 $0x7F, v61;
	v33 =	vadd.s32 v29, v33  }
0x179: {  	v63 =	vand.u32 $0xFFFFFF80, v36;
	v32 =	vor.u32 v32, v33  }
0x17a: {  	v50 =	vand.u32 $0x7F, v36;
	v33 =	vadd.s32 v27, v63;
	v32 =	vor.u32 v30, v32  }
0x17b: {  	v33 =	vor.u32 v50, v33;
	_ =	sdelay $0x2  }
0x17c: {  	[tilespmem:v31+s8+$0x0] =	vst.idx.add.s32.msk $0xffff, v8  }
0x17d: {  	[tilespmem:v32+s13+$0x0] =	vst.idx.msk $0xffff, v35  }
0x17e: {  	v31 =	vld.idx.msk [tilespmem:v33+s1+$0x0], $0xffff;
	_ =	sdelay $0x4  }
0x17f: {  	vm1 =	vle.f32 v31, v37  }
0x180: {  	v31 =	vsel vm1, $0x1, v7  }
0x181: {  	v31 =	vadd.s32 v31, v36  }
0x182: {  	v51 =	vadd.s32 v19, v31  }
0x183: {  	v52 =	vshll.u32 v51, $0x3  }
0x184: {  	v33 =	vand.u32 $0xFFFFFC00, v52  }
0x185: {  	v32 =	vand.u32 $0x7F, v51;
	v33 =	vadd.s32 v29, v33  }
0x186: {  	v53 =	vand.u32 $0xFFFFFF80, v38;
	v32 =	vor.u32 v32, v33  }
0x187: {  	v54 =	vand.u32 $0x7F, v38;
	v33 =	vadd.s32 v27, v53;
	v32 =	vor.u32 v30, v32  }
0x188: {  	v33 =	vor.u32 v54, v33;
	_ =	sdelay $0x2  }
0x189: {  	[tilespmem:v31+s8+$0x0] =	vst.idx.add.s32.msk $0xffff, v8  }
0x18a: {  	[tilespmem:v32+s13+$0x0] =	vst.idx.msk $0xffff, v37  }
0x18b: {  	v31 =	vld.idx.msk [tilespmem:v33+s1+$0x0], $0xffff;
	_ =	sdelay $0x4  }
0x18c: {  	vm1 =	vle.f32 v31, v39  }
0x18d: {  	v31 =	vsel vm1, $0x1, v7  }
0x18e: {  	v31 =	vadd.s32 v31, v38  }
0x18f: {  	v55 =	vadd.s32 v20, v31  }
0x190: {  	v56 =	vshll.u32 v55, $0x3  }
0x191: {  	v33 =	vand.u32 $0xFFFFFC00, v56  }
0x192: {  	v32 =	vand.u32 $0x7F, v55;
	v33 =	vadd.s32 v29, v33  }
0x193: {  	v57 =	vand.u32 $0xFFFFFF80, v40;
	v32 =	vor.u32 v32, v33  }
0x194: {  	v58 =	vand.u32 $0x7F, v40;
	v33 =	vadd.s32 v27, v57;
	v32 =	vor.u32 v30, v32  }
0x195: {  	v33 =	vor.u32 v58, v33;
	_ =	sdelay $0x2  }
0x196: {  	[tilespmem:v31+s8+$0x0] =	vst.idx.add.s32.msk $0xffff, v8  }
0x197: {  	[tilespmem:v32+s13+$0x0] =	vst.idx.msk $0xffff, v39  }
0x198: {  	v31 =	vld.idx.msk [tilespmem:v33+s1+$0x0], $0xffff;
	_ =	sdelay $0x4  }
0x199: {  	vm1 =	vle.f32 v31, v41  }
0x19a: {  	v31 =	vsel vm1, $0x1, v7  }
0x19b: {  	v31 =	vadd.s32 v31, v40  }
0x19c: {  	v59 =	vadd.s32 v21, v31  }
0x19d: {  	v60 =	vshll.u32 v59, $0x3  }
0x19e: {  	v33 =	vand.u32 $0xFFFFFC00, v60  }
0x19f: {  	v32 =	vand.u32 $0x7F, v59;
	v33 =	vadd.s32 v29, v33  }
0x1a0: {  	v61 =	vand.u32 $0xFFFFFF80, v42;
	v32 =	vor.u32 v32, v33  }
0x1a1: {  	v62 =	vand.u32 $0x7F, v42;
	v33 =	vadd.s32 v27, v61;
	v32 =	vor.u32 v30, v32  }
0x1a2: {  	v33 =	vor.u32 v62, v33  }
0x1a3: {  	v63 =	vsub.f32 v49, v48;
	_ =	sdelay $0x1  }
0x1a4: {  	vm1 =	vlt.f32 v63, $9.999999740e-06;
	[tilespmem:v31+s8+$0x0] =	vst.idx.add.s32.msk $0xffff, v8  }
0x1a5: {  	v35 =	vsel vm1, $0x3F800000, v63;
	[tilespmem:v32+s13+$0x0] =	vst.idx.msk $0xffff, v41  }
0x1a6: {  	(erf) = vrcp.f32 v35;
	v36 =	vld.idx.msk [tilespmem:v33+s1+$0x0], $0xffff;
	_ =	sdelay $0x4  }
0x1a7: {  	vm1 =	vle.f32 v36, v43  }
0x1a8: {  	v31 =	vsel vm1, $0x1, v7  }
0x1a9: {  	v31 =	vadd.s32 v31, v42  }
0x1aa: {  	v37 =	vsub.f32 v16, v48;
	v38 =	vadd.s32 v22, v31  }
0x1ab: {  	v39 =	vpop (erf);
	v40 =	vshll.u32 v38, $0x3  }
0x1ac: {  	v32 =	vmul.f32 v39, v37;
	v41 =	vsub.f32 v47, v46;
	v35 =	vand.u32 $0xFFFFFC00, v40  }
0x1ad: {  	v33 =	vand.u32 $0x7F, v38;
	v35 =	vadd.s32 v29, v35  }
0x1ae: {  	v32 =	vmul.f32 v32, v41;
	v42 =	vand.u32 $0xFFFFFF80, v44;
	v33 =	vor.u32 v33, v35  }
0x1af: {  	v47 =	vand.u32 $0x7F, v44;
	v27 =	vadd.s32 v27, v42;
	v33 =	vor.u32 v30, v33  }
0x1b0: {  	v32 =	vadd.f32 v32, v46;
	v27 =	vor.u32 v47, v27;
	_ =	sdelay $0x1  }
0x1b1: {  	(xrf0) =	vmax.scan.msk.f32 $0xffff, v32  }
0x1b2: {  	[tilespmem:v31+s8+$0x0] =	vst.idx.add.s32.msk $0xffff, v8  }
0x1b3: {  	[tilespmem:v33+s13+$0x0] =	vst.idx.msk $0xffff, v43  }
0x1b4: {  	v27 =	vld.idx.msk [tilespmem:v27+s1+$0x0], $0xffff;
	_ =	sdelay $0x1  }
0x1b5: {  	v48 =	vbroadcast v45, $0xF  }
0x1b6: {  	v32, _, _ =	vpop (xrf0)  }
0x1b7: {  	v31 =	vmax.f32 v32, v48  }
0x1b8: {  	vm1 =	vle.f32 v27, v31  }
0x1b9: {  	v27 =	vsel vm1, $0x1, v7  }
0x1ba: {  	v27 =	vadd.s32 v27, v44  }
0x1bb: {  	v49 =	vadd.s32 v23, v27  }
0x1bc: {  	v50 =	vshll.u32 v49, $0x3  }
0x1bd: {  	v33 =	vand.u32 $0xFFFFFC00, v50  }
0x1be: {  	v32 =	vand.u32 $0x7F, v49;
	v33 =	vadd.s32 v29, v33  }
0x1bf: {  	v32 =	vor.u32 v32, v33  }
0x1c0: {  	v32 =	vor.u32 v30, v32;
	_ =	sdelay $0x3  }
0x1c1: {  	[tilespmem:v27+s8+$0x0] =	vst.idx.add.s32.msk $0xffff, v8  }
0x1c2: {  	[tilespmem:v32+s13+$0x0] =	vst.idx.msk $0xffff, v31  }
0x1c3: {  	v27 =	vld [tilespmem:$0x10100];
	_ =	sdelay $0x4  }
0x1c4: {  	(xrf0) =	vadd.scan.msk.s32 $0xffff, v27;
	_ =	sdelay $0x5  }
0x1c5: {  	v27, _, _ =	vpop (xrf0)  }
0x1c6: {  	v51 =	vxor.u32 $0x80000000, v27  }
0x1c7: {  	(xrf0) =	vmax.scan.msk.u32 $0xffff, v51  }
0x1c8: {  	v27 =	vadd.s32 v0, v27  }
0x1c9: {  	v52 =	vshll.u32 v27, $0x3  }
0x1ca: {  	v31 =	vand.u32 $0xFFFFFC00, v52  }
0x1cb: {  	v27 =	vand.u32 $0x7F, v27;
	v31 =	vadd.s32 v29, v31  }
0x1cc: {  	v27 =	vor.u32 v27, v31  }
0x1cd: {  	v27 =	vor.u32 v30, v27;
	v53, _, _ =	vpop (xrf0)  }
0x1ce: {  	(v2sf) =	vpush v53, $0xF;
	_ =	sdelay $0x3  }
0x1cf: {  	[tilespmem:v27+s13+$0x0] =	vst.idx.msk $0xffff, v28  }
0x1d0: {  	v27 =	vld [tilespmem:$0x10110];
	_ =	sdelay $0x4  }
0x1d1: {  	(xrf0) =	vadd.scan.msk.s32 $0xffff, v27;
	_ =	sdelay $0x4  }
0x1d2: {  	s28 =	spop (v2sf)  }
0x1d3: {  	v27, _, _ =	vpop (xrf0);
	s22 =	sxor.u32 $0x80000000, s28  }
0x1d4: {  	v27 =	vadd.s32 s22, v27  }
0x1d5: {  	v54 =	vxor.u32 $0x80000000, v27  }
0x1d6: {  	(xrf0) =	vmax.scan.msk.u32 $0xffff, v54  }
0x1d7: {  	v27 =	vadd.s32 v17, v27  }
0x1d8: {  	v55 =	vshll.u32 v27, $0x3  }
0x1d9: {  	v28 =	vand.u32 $0xFFFFFC00, v55  }
0x1da: {  	v27 =	vand.u32 $0x7F, v27;
	v28 =	vadd.s32 v29, v28  }
0x1db: {  	v27 =	vor.u32 v27, v28  }
0x1dc: {  	v27 =	vor.u32 v30, v27;
	v56, _, _ =	vpop (xrf0)  }
0x1dd: {  	(v2sf) =	vpush v56, $0xF;
	_ =	sdelay $0x3  }
0x1de: {  	[tilespmem:v27+s13+$0x0] =	vst.idx.msk $0xffff, v26  }
0x1df: {  	v26 =	vld [tilespmem:$0x10120];
	_ =	sdelay $0x4  }
0x1e0: {  	(xrf0) =	vadd.scan.msk.s32 $0xffff, v26;
	_ =	sdelay $0x4  }
0x1e1: {  	s29 =	spop (v2sf)  }
0x1e2: {  	v26, _, _ =	vpop (xrf0);
	s22 =	sxor.u32 $0x80000000, s29  }
0x1e3: {  	v26 =	vadd.s32 s22, v26  }
0x1e4: {  	v57 =	vadd.s32 v18, v26  }
0x1e5: {  	v58 =	vshll.u32 v57, $0x3  }
0x1e6: {  	v28 =	vand.u32 $0xFFFFFC00, v58  }
0x1e7: {  	v27 =	vand.u32 $0x7F, v57;
	v28 =	vadd.s32 v29, v28  }
0x1e8: {  	v27 =	vor.u32 v27, v28  }
0x1e9: {  	v27 =	vor.u32 v30, v27;
	_ =	sdelay $0x4  }
0x1ea: {  	[tilespmem:v27+s13+$0x0] =	vst.idx.msk $0xffff, v25  }
0x1eb: {  	v25 =	vld [tilespmem:$0x10130];
	_ =	sdelay $0x1  }
0x1ec: {  	v26 =	vxor.u32 $0x80000000, v26  }
0x1ed: {  	(xrf0) =	vmax.scan.msk.u32 $0xffff, v26;
	_ =	sdelay $0x1  }
0x1ee: {  	(xrf0) =	vadd.scan.msk.s32 $0xffff, v25;
	_ =	sdelay $0x3  }
0x1ef: {  	v59, _, _ =	vpop (xrf0)  }
0x1f0: {  	v25 =	vbroadcast v59, $0xF  }
0x1f1: {  	v60, _, _ =	vpop (xrf0)  }
0x1f2: {  	v25 =	vadd.s32 v25, v60  }
0x1f3: {  	v25 =	vadd.s32 v19, v25  }
0x1f4: {  	v61 =	vshll.u32 v25, $0x3  }
0x1f5: {  	v26 =	vand.u32 $0xFFFFFC00, v61  }
0x1f6: {  	s30 =	sadd.s32 $0x1, s20;
	v25 =	vand.u32 $0x7F, v25;
	v26 =	vadd.s32 v29, v26  }
0x1f7: {  	v29 =	vmov s30;
	v25 =	vor.u32 v25, v26  }
0x1f8: {  	v27 =	vshll.u32 v29, $0x7;
	v25 =	vor.u32 v30, v25  }
0x1f9: {  	v62 =	vor.u32 v1, v27;
	_ =	sdelay $0x3  }
0x1fa: {  	[tilespmem:v25+s13+$0x0] =	vst.idx.msk $0xffff, v24  }
0x1fb: {  	v24 =	vld.idx.msk [tilespmem:v62+s6+$0x0], $0xffff;
	_ =	sdelay $0x4  }
0x1fc: {  	v24 =	vadd.f32 $9.999999740e-06, v24  }
0x1fd: {  	v63 =	vor.u32 v2, v27  }
0x1fe: {  	(xrf2) =	vadd.scan.msk.f32 $0xffff, v24;
	_ =	sdelay $0x3  }
0x1ff: {  	v40 =	vld.idx.msk [tilespmem:v63+s6+$0x0], $0xffff;
	_ =	sdelay $0x4  }
0x200: {  	v24 =	vadd.f32 $9.999999740e-06, v40  }
0x201: {  	v41 =	vor.u32 v3, v27;
	v42, _, _ =	vpop (xrf2)  }
0x202: {  	(xrf2) =	vadd.scan.msk.f32 $0xffff, v24;
	v43 =	vadd.f32 $0.0e+00, v42;
	_ =	sdelay $0x1  }
0x203: {  	(xrf0) =	vmax.scan.msk.f32 $0xffff, v43;
	_ =	sdelay $0x1  }
0x204: {  	v44 =	vld.idx.msk [tilespmem:v41+s6+$0x0], $0xffff;
	_ =	sdelay $0x3  }
0x205: {  	v45, _, _ =	vpop (xrf0)  }
0x206: {  	v46 =	vor.u32 v4, v27;
	v24 =	vadd.f32 $9.999999740e-06, v44;
	v25 =	vbroadcast v45, $0xF  }
0x207: {  	v47, _, _ =	vpop (xrf2)  }
0x208: {  	(xrf2) =	vadd.scan.msk.f32 $0xffff, v24;
	v48 =	vadd.f32 v25, v47;
	_ =	sdelay $0x1  }
0x209: {  	(xrf0) =	vmax.scan.msk.f32 $0xffff, v48  }
0x20a: {  	v49 =	vld.idx.msk [tilespmem:v46+s6+$0x0], $0xffff;
	_ =	sdelay $0x4  }
0x20b: {  	v24 =	vadd.f32 $9.999999740e-06, v49;
	v50, _, _ =	vpop (xrf0)  }
0x20c: {  	v25 =	vbroadcast v50, $0xF  }
0x20d: {  	v24 =	vnsel vm0, $0x0, v24;
	v51, _, _ =	vpop (xrf2)  }
0x20e: {  	(xrf2) =	vadd.scan.msk.f32 $0xffff, v24;
	v52 =	vadd.f32 v25, v51;
	_ =	sdelay $0x1  }
0x20f: {  	(xrf0) =	vmax.scan.msk.f32 $0xffff, v52;
	_ =	sdelay $0x5  }
0x210: {  	v53, _, _ =	vpop (xrf0)  }
0x211: {  	v24 =	vbroadcast v53, $0xF  }
0x212: {  	v54, _, _ =	vpop (xrf2)  }
0x213: {  	v55 =	vadd.f32 v24, v54;
	_ =	sdelay $0x1  }
0x214: {  	(xrf0) =	vmax.scan.msk.f32 $0xffff, v55;
	_ =	sdelay $0x4  }
0x215: {  	v28 =	vld [tilespmem:s21+$0x0]  }
0x216: {  	v26 =	vld [tilespmem:s21+$0x10];
	v56, _, _ =	vpop (xrf0)  }
0x217: {  	v30 =	vld.idx.msk [tilespmem:v62+s1+$0x0], $0xffff;
	v24 =	vbroadcast v56, $0xF  }
0x218: {  	v31 =	vld.idx.msk [tilespmem:v63+s1+$0x0], $0xffff  }
0x219: {  	v32 =	vld.idx.msk [tilespmem:v41+s1+$0x0], $0xffff;
	(erf) = vrcp.f32 v24  }
0x21a: {  	v34 =	vld.idx.msk [tilespmem:v46+s1+$0x0], $0xffff  }
0x21b: {  	v25 =	vld [tilespmem:s21+$0x20]  }
0x21c: {  	v24 =	vld [tilespmem:s21+$0x30];
	_ =	sdelay $0x2  }
0x21d: {  	v30 =	vadd.f32 v30, v28  }
0x21e: {  	v31 =	vadd.f32 v31, v26;
	v32 =	vadd.f32 v32, v25  }
0x21f: {  	v30 =	vmul.f32 $5.000000000e-01, v30;
	v34 =	vadd.f32 v34, v24  }
0x220: {  	v31 =	vmul.f32 $5.000000000e-01, v31;
	v59 =	vmul.f32 $5.000000000e-01, v32;
	v57 =	vpop (erf)  }
0x221: {  	v60 =	vmul.f32 $5.000000000e-01, v34;
	v33 =	vmul.f32 v57, v43  }
0x222: {  	[tilespmem:$0x10200] =	vst v30;
	v61 =	vmul.f32 v57, v48;
	v41 =	vmul.f32 v57, v52  }
0x223: {  	[tilespmem:$0x10210] =	vst v31;
	v42 =	vmul.f32 v57, v55;
	v58 =	vmul.f32 $1.270000000e+02, v33  }
0x224: {  	[tilespmem:$0x10220] =	vst v59;
	v40 =	vmul.f32 $1.270000000e+02, v61;
	v45 =	vmul.f32 $1.270000000e+02, v41  }
0x225: {  	[tilespmem:$0x10180] =	vst v5;
	v46 =	vmul.f32 $1.270000000e+02, v42;
	v62 =	vtrunc.f32 v58  }
0x226: {  	[tilespmem:$0x10230] =	vst v60;
	v43 =	vtrunc.f32 v40;
	v47 =	vtrunc.f32 v45  }
0x227: {  	[tilespmem:v1+s14+$0x0] =	vst.idx.msk $0xffff, v33;
	v49 =	vtrunc.f32 v46;
	v63 =	vcvt.f32.s32 v62  }
0x228: {  	[tilespmem:v2+s14+$0x0] =	vst.idx.msk $0xffff, v61;
	vm1 =	vgt.f32 v58, v62;
	v44 =	vcvt.f32.s32 v43;
	vm2 =	vgt.f32 v40, v43  }
0x229: {  	[tilespmem:v3+s14+$0x0] =	vst.idx.msk $0xffff, v41;
	v48 =	vcvt.f32.s32 v47;
	v50 =	vcvt.f32.s32 v49;
	v39 =	vsel vm1, $0x1, v7  }
0x22a: {  	[tilespmem:v6+s14+$0x0] =	vst.idx.msk $0x3fff, v42;
	vm10 =	vgt.f32 v46, v49;
	v34 =	vsel vm2, $0x1, v7;
	v30 =	vadd.s32 v63, v39  }
0x22b: {  	[tilespmem:$0x10280] =	vst v7;
	v35 =	vsel vm10, $0x1, v7;
	v31 =	vadd.s32 v44, v34;
	vm3 =	vlt.s32 v30, $0x7F  }
0x22c: {  	[tilespmem:$0x10290] =	vst v7;
	vm1 =	vlt.s32 v30, $0x80;
	v30 =	vnsel vm3, $0x7F, v30;
	vm3 =	vgt.f32 v45, v47  }
0x22d: {  	[tilespmem:$0x102A0] =	vst v7;
	v32 =	vadd.s32 v50, v35;
	vm2 =	vlt.s32 v31, $0x80;
	v33 =	vsel vm3, $0x1, v7  }
0x22e: {  	[tilespmem:$0x102B0] =	vst v7;
	vm11 =	vlt.s32 v31, $0x7F;
	vm13 =	vlt.s32 v32, $0x80;
	v33 =	vadd.s32 v48, v33  }
0x22f: {  	[tilespmem:$0x102C0] =	vst v7;
	v31 =	vnsel vm11, $0x7F, v31;
	vm3 =	vlt.s32 v33, $0x80;
	vm12 =	vlt.s32 v33, $0x7F  }
0x230: {  	[tilespmem:$0x102D0] =	vst v7;
	vm15 =	vlt.s32 v32, $0x7F;
	vm14 =	vmand vm13, vm0;
	v33 =	vnsel vm12, $0x7F, v33  }
0x231: {  	[tilespmem:$0x102E0] =	vst v7;
	v32 =	vnsel vm15, $0x7F, v32  }
0x232: {  	[tilespmem:$0x102F0] =	vst v7  }
0x233: {  	[tilespmem:v30+s15+$0x0] =	vst.idx.add.s32.msk vm1, v8  }
0x234: {  	[tilespmem:v31+s15+$0x0] =	vst.idx.add.s32.msk vm2, v8  }
0x235: {  	[tilespmem:v33+s15+$0x0] =	vst.idx.add.s32.msk vm3, v8  }
0x236: {  	[tilespmem:v32+s15+$0x0] =	vst.idx.add.s32.msk vm14, v8  }
0x237: {  	v30 =	vld [tilespmem:$0x10280];
	_ =	sdelay $0x4  }
0x238: {  	(xrf0) =	vadd.scan.msk.s32 $0xffff, v30;
	_ =	sdelay $0x5  }
0x239: {  	v51, _, _ =	vpop (xrf0)  }
0x23a: {  	v30 =	vadd.s32 $0x1, v51  }
0x23b: {  	vm1 =	vlt.s32 v30, $0x3E  }
0x23c: {  	v52 =	vnsel vm1, $0x3E, v30;
	_ =	sdelay $0x3  }
0x23d: {  	v33 =	vld.idx.msk [tilespmem:v51+s14+$0x0], $0xffff  }
0x23e: {  	v53 =	vld.idx.msk [tilespmem:v52+s14+$0x0], $0xffff;
	_ =	sdelay $0x4  }
0x23f: {  	v34 =	vsub.f32 v53, v33;
	_ =	sdelay $0x1  }
0x240: {  	vm1 =	vlt.f32 v34, $9.999999740e-06  }
0x241: {  	v34 =	vsel vm1, $0x3F800000, v34  }
0x242: {  	(erf) = vrcp.f32 v34;
	_ =	sdelay $0x3  }
0x243: {  	v54 =	vld.idx.msk [tilespmem:v51+s16+$0x0], $0xffff  }
0x244: {  	v32 =	vld.idx.msk [tilespmem:v52+s16+$0x0], $0xffff;
	_ =	sdelay $0x1  }
0x245: {  	v31 =	vxor.u32 $0x80000000, v51  }
0x246: {  	(xrf0) =	vmax.scan.msk.u32 $0xffff, v31;
	v55 =	vsub.f32 v9, v33  }
0x247: {  	v56 =	vpop (erf)  }
0x248: {  	v32 =	vsub.f32 v32, v54;
	v31 =	vmul.f32 v56, v55;
	_ =	sdelay $0x1  }
0x249: {  	v31 =	vmul.f32 v31, v32;
	_ =	sdelay $0x1  }
0x24a: {  	v57, _, _ =	vpop (xrf0);
	v31 =	vadd.f32 v31, v54  }
0x24b: {  	(v2sf) =	vpush v57, $0xF  }
0x24c: {  	(xrf0) =	vmax.scan.msk.f32 $0xffff, v31;
	_ =	sdelay $0x3  }
0x24d: {  	v58 =	vld [tilespmem:$0x10290];
	_ =	sdelay $0x1  }
0x24e: {  	v31, _, _ =	vpop (xrf0)  }
0x24f: {  	v31 =	vmax.f32 v31, $-1.000000020e+30  }
0x250: {  	(xrf0) =	vmax.scan.msk.f32 $0xffff, v31  }
0x251: {  	(xrf0) =	vadd.scan.msk.s32 $0xffff, v58;
	_ =	sdelay $0x4  }
0x252: {  	s31 =	spop (v2sf);
	v59, _, _ =	vpop (xrf0)  }
0x253: {  	s22 =	sxor.u32 $0x80000000, s31;
	v32, _, _ =	vpop (xrf0)  }
0x254: {  	v60 =	vadd.s32 s22, v32  }
0x255: {  	v32 =	vadd.s32 $0x1, v60  }
0x256: {  	vm1 =	vlt.s32 v32, $0x3E  }
0x257: {  	v61 =	vnsel vm1, $0x3E, v32;
	_ =	sdelay $0x3  }
0x258: {  	v62 =	vld.idx.msk [tilespmem:v60+s14+$0x0], $0xffff  }
0x259: {  	v63 =	vld.idx.msk [tilespmem:v61+s14+$0x0], $0xffff;
	_ =	sdelay $0x4  }
0x25a: {  	v37 =	vsub.f32 v63, v62;
	_ =	sdelay $0x1  }
0x25b: {  	vm1 =	vlt.f32 v37, $9.999999740e-06  }
0x25c: {  	v37 =	vsel vm1, $0x3F800000, v37  }
0x25d: {  	(erf) = vrcp.f32 v37;
	_ =	sdelay $0x3  }
0x25e: {  	v40 =	vld.idx.msk [tilespmem:v60+s16+$0x0], $0xffff  }
0x25f: {  	v35 =	vld.idx.msk [tilespmem:v61+s16+$0x0], $0xffff;
	_ =	sdelay $0x1  }
0x260: {  	v34 =	vxor.u32 $0x80000000, v60  }
0x261: {  	(xrf0) =	vmax.scan.msk.u32 $0xffff, v34;
	v41 =	vsub.f32 v10, v62  }
0x262: {  	v42 =	vpop (erf)  }
0x263: {  	v35 =	vsub.f32 v35, v40;
	v34 =	vmul.f32 v42, v41;
	_ =	sdelay $0x1  }
0x264: {  	v34 =	vmul.f32 v34, v35;
	_ =	sdelay $0x1  }
0x265: {  	v43, _, _ =	vpop (xrf0);
	v34 =	vadd.f32 v34, v40  }
0x266: {  	(v2sf) =	vpush v43, $0xF  }
0x267: {  	(xrf0) =	vmax.scan.msk.f32 $0xffff, v34;
	_ =	sdelay $0x3  }
0x268: {  	v44 =	vld [tilespmem:$0x102A0]  }
0x269: {  	v33 =	vbroadcast v59, $0xF  }
0x26a: {  	v45, _, _ =	vpop (xrf0)  }
0x26b: {  	v33 =	vmax.f32 v45, v33  }
0x26c: {  	(xrf0) =	vmax.scan.msk.f32 $0xffff, v33  }
0x26d: {  	(xrf0) =	vadd.scan.msk.s32 $0xffff, v44;
	_ =	sdelay $0x4  }
0x26e: {  	s23 =	spop (v2sf);
	v46, _, _ =	vpop (xrf0)  }
0x26f: {  	s22 =	sxor.u32 $0x80000000, s23;
	v34, _, _ =	vpop (xrf0)  }
0x270: {  	v47 =	vadd.s32 s22, v34  }
0x271: {  	v34 =	vadd.s32 $0x1, v47  }
0x272: {  	vm1 =	vlt.s32 v34, $0x3E  }
0x273: {  	v48 =	vnsel vm1, $0x3E, v34;
	_ =	sdelay $0x3  }
0x274: {  	v49 =	vld.idx.msk [tilespmem:v47+s14+$0x0], $0xffff  }
0x275: {  	v50 =	vld.idx.msk [tilespmem:v48+s14+$0x0], $0xffff;
	_ =	sdelay $0x4  }
0x276: {  	v39 =	vsub.f32 v50, v49;
	_ =	sdelay $0x1  }
0x277: {  	vm1 =	vlt.f32 v39, $9.999999740e-06  }
0x278: {  	v39 =	vsel vm1, $0x3F800000, v39  }
0x279: {  	(erf) = vrcp.f32 v39;
	_ =	sdelay $0x3  }
0x27a: {  	v51 =	vld.idx.msk [tilespmem:v47+s16+$0x0], $0xffff  }
0x27b: {  	v37 =	vld.idx.msk [tilespmem:v48+s16+$0x0], $0xffff;
	_ =	sdelay $0x1  }
0x27c: {  	v36 =	vxor.u32 $0x80000000, v47  }
0x27d: {  	(xrf0) =	vmax.scan.msk.u32 $0xffff, v36;
	v52 =	vsub.f32 v11, v49  }
0x27e: {  	v53 =	vpop (erf)  }
0x27f: {  	v37 =	vsub.f32 v37, v51;
	v36 =	vmul.f32 v53, v52;
	_ =	sdelay $0x1  }
0x280: {  	v36 =	vmul.f32 v36, v37;
	_ =	sdelay $0x1  }
0x281: {  	v54, _, _ =	vpop (xrf0);
	v36 =	vadd.f32 v36, v51  }
0x282: {  	(v2sf) =	vpush v54, $0xF  }
0x283: {  	(xrf0) =	vmax.scan.msk.f32 $0xffff, v36;
	_ =	sdelay $0x3  }
0x284: {  	v55 =	vld [tilespmem:$0x102B0]  }
0x285: {  	v35 =	vbroadcast v46, $0xF  }
0x286: {  	v56, _, _ =	vpop (xrf0)  }
0x287: {  	v35 =	vmax.f32 v56, v35  }
0x288: {  	(xrf0) =	vmax.scan.msk.f32 $0xffff, v35  }
0x289: {  	(xrf0) =	vadd.scan.msk.s32 $0xffff, v55;
	_ =	sdelay $0x4  }
0x28a: {  	s24 =	spop (v2sf);
	v57, _, _ =	vpop (xrf0)  }
0x28b: {  	s22 =	sxor.u32 $0x80000000, s24;
	v36, _, _ =	vpop (xrf0)  }
0x28c: {  	v58 =	vadd.s32 s22, v36  }
0x28d: {  	v36 =	vadd.s32 $0x1, v58  }
0x28e: {  	vm1 =	vlt.s32 v36, $0x3E  }
0x28f: {  	v59 =	vnsel vm1, $0x3E, v36;
	_ =	sdelay $0x3  }
0x290: {  	v60 =	vld.idx.msk [tilespmem:v58+s14+$0x0], $0xffff  }
0x291: {  	v41 =	vld.idx.msk [tilespmem:v59+s14+$0x0], $0xffff;
	_ =	sdelay $0x4  }
0x292: {  	v41 =	vsub.f32 v41, v60;
	_ =	sdelay $0x1  }
0x293: {  	vm1 =	vlt.f32 v41, $9.999999740e-06  }
0x294: {  	v41 =	vsel vm1, $0x3F800000, v41  }
0x295: {  	(erf) = vrcp.f32 v41;
	_ =	sdelay $0x3  }
0x296: {  	v61 =	vld.idx.msk [tilespmem:v58+s16+$0x0], $0xffff  }
0x297: {  	v39 =	vld.idx.msk [tilespmem:v59+s16+$0x0], $0xffff;
	_ =	sdelay $0x1  }
0x298: {  	v38 =	vxor.u32 $0x80000000, v58  }
0x299: {  	(xrf0) =	vmax.scan.msk.u32 $0xffff, v38;
	v62 =	vsub.f32 v12, v60  }
0x29a: {  	v63 =	vpop (erf)  }
0x29b: {  	v39 =	vsub.f32 v39, v61;
	v38 =	vmul.f32 v63, v62;
	_ =	sdelay $0x1  }
0x29c: {  	v38 =	vmul.f32 v38, v39;
	_ =	sdelay $0x1  }
0x29d: {  	v43, _, _ =	vpop (xrf0);
	v38 =	vadd.f32 v38, v61  }
0x29e: {  	(v2sf) =	vpush v43, $0xF  }
0x29f: {  	(xrf0) =	vmax.scan.msk.f32 $0xffff, v38;
	_ =	sdelay $0x3  }
0x2a0: {  	v44 =	vld [tilespmem:$0x102C0]  }
0x2a1: {  	v37 =	vbroadcast v57, $0xF  }
0x2a2: {  	v45, _, _ =	vpop (xrf0)  }
0x2a3: {  	v37 =	vmax.f32 v45, v37  }
0x2a4: {  	(xrf0) =	vmax.scan.msk.f32 $0xffff, v37  }
0x2a5: {  	(xrf0) =	vadd.scan.msk.s32 $0xffff, v44;
	_ =	sdelay $0x4  }
0x2a6: {  	s25 =	spop (v2sf);
	v46, _, _ =	vpop (xrf0)  }
0x2a7: {  	s22 =	sxor.u32 $0x80000000, s25;
	v38, _, _ =	vpop (xrf0)  }
0x2a8: {  	v47 =	vadd.s32 s22, v38  }
0x2a9: {  	v38 =	vadd.s32 $0x1, v47  }
0x2aa: {  	vm1 =	vlt.s32 v38, $0x3E  }
0x2ab: {  	v48 =	vnsel vm1, $0x3E, v38;
	_ =	sdelay $0x3  }
0x2ac: {  	v49 =	vld.idx.msk [tilespmem:v47+s14+$0x0], $0xffff  }
0x2ad: {  	v43 =	vld.idx.msk [tilespmem:v48+s14+$0x0], $0xffff;
	_ =	sdelay $0x4  }
0x2ae: {  	v43 =	vsub.f32 v43, v49;
	_ =	sdelay $0x1  }
0x2af: {  	vm1 =	vlt.f32 v43, $9.999999740e-06  }
0x2b0: {  	v43 =	vsel vm1, $0x3F800000, v43  }
0x2b1: {  	(erf) = vrcp.f32 v43;
	_ =	sdelay $0x3  }
0x2b2: {  	v50 =	vld.idx.msk [tilespmem:v47+s16+$0x0], $0xffff  }
0x2b3: {  	v41 =	vld.idx.msk [tilespmem:v48+s16+$0x0], $0xffff;
	_ =	sdelay $0x1  }
0x2b4: {  	v40 =	vxor.u32 $0x80000000, v47  }
0x2b5: {  	(xrf0) =	vmax.scan.msk.u32 $0xffff, v40;
	v51 =	vsub.f32 v13, v49  }
0x2b6: {  	v52 =	vpop (erf)  }
0x2b7: {  	v41 =	vsub.f32 v41, v50;
	v40 =	vmul.f32 v52, v51;
	_ =	sdelay $0x1  }
0x2b8: {  	v40 =	vmul.f32 v40, v41;
	_ =	sdelay $0x1  }
0x2b9: {  	v53, _, _ =	vpop (xrf0);
	v40 =	vadd.f32 v40, v50  }
0x2ba: {  	(v2sf) =	vpush v53, $0xF  }
0x2bb: {  	(xrf0) =	vmax.scan.msk.f32 $0xffff, v40;
	_ =	sdelay $0x3  }
0x2bc: {  	v54 =	vld [tilespmem:$0x102D0]  }
0x2bd: {  	v39 =	vbroadcast v46, $0xF  }
0x2be: {  	v55, _, _ =	vpop (xrf0)  }
0x2bf: {  	v39 =	vmax.f32 v55, v39  }
0x2c0: {  	(xrf0) =	vmax.scan.msk.f32 $0xffff, v39  }
0x2c1: {  	(xrf0) =	vadd.scan.msk.s32 $0xffff, v54;
	_ =	sdelay $0x4  }
0x2c2: {  	s26 =	spop (v2sf);
	v56, _, _ =	vpop (xrf0)  }
0x2c3: {  	s22 =	sxor.u32 $0x80000000, s26;
	v40, _, _ =	vpop (xrf0)  }
0x2c4: {  	v57 =	vadd.s32 s22, v40  }
0x2c5: {  	v40 =	vadd.s32 $0x1, v57  }
0x2c6: {  	vm1 =	vlt.s32 v40, $0x3E  }
0x2c7: {  	v58 =	vnsel vm1, $0x3E, v40;
	_ =	sdelay $0x3  }
0x2c8: {  	v59 =	vld.idx.msk [tilespmem:v57+s14+$0x0], $0xffff  }
0x2c9: {  	v60 =	vld.idx.msk [tilespmem:v58+s14+$0x0], $0xffff;
	_ =	sdelay $0x4  }
0x2ca: {  	v45 =	vsub.f32 v60, v59;
	_ =	sdelay $0x1  }
0x2cb: {  	vm1 =	vlt.f32 v45, $9.999999740e-06  }
0x2cc: {  	v45 =	vsel vm1, $0x3F800000, v45  }
0x2cd: {  	(erf) = vrcp.f32 v45;
	_ =	sdelay $0x3  }
0x2ce: {  	v61 =	vld.idx.msk [tilespmem:v57+s16+$0x0], $0xffff  }
0x2cf: {  	v43 =	vld.idx.msk [tilespmem:v58+s16+$0x0], $0xffff;
	_ =	sdelay $0x1  }
0x2d0: {  	v42 =	vxor.u32 $0x80000000, v57  }
0x2d1: {  	(xrf0) =	vmax.scan.msk.u32 $0xffff, v42;
	v62 =	vsub.f32 v14, v59  }
0x2d2: {  	v63 =	vpop (erf)  }
0x2d3: {  	v43 =	vsub.f32 v43, v61;
	v42 =	vmul.f32 v63, v62;
	_ =	sdelay $0x1  }
0x2d4: {  	v42 =	vmul.f32 v42, v43;
	_ =	sdelay $0x1  }
0x2d5: {  	v47, _, _ =	vpop (xrf0);
	v42 =	vadd.f32 v42, v61  }
0x2d6: {  	(v2sf) =	vpush v47, $0xF  }
0x2d7: {  	(xrf0) =	vmax.scan.msk.f32 $0xffff, v42;
	_ =	sdelay $0x3  }
0x2d8: {  	v48 =	vld [tilespmem:$0x102E0]  }
0x2d9: {  	v41 =	vbroadcast v56, $0xF  }
0x2da: {  	v49, _, _ =	vpop (xrf0)  }
0x2db: {  	v41 =	vmax.f32 v49, v41  }
0x2dc: {  	(xrf0) =	vmax.scan.msk.f32 $0xffff, v41  }
0x2dd: {  	(xrf0) =	vadd.scan.msk.s32 $0xffff, v48;
	_ =	sdelay $0x4  }
0x2de: {  	s28 =	spop (v2sf);
	v50, _, _ =	vpop (xrf0)  }
0x2df: {  	s22 =	sxor.u32 $0x80000000, s28;
	v42, _, _ =	vpop (xrf0)  }
0x2e0: {  	v51 =	vadd.s32 s22, v42  }
0x2e1: {  	v42 =	vadd.s32 $0x1, v51  }
0x2e2: {  	vm1 =	vlt.s32 v42, $0x3E  }
0x2e3: {  	v52 =	vnsel vm1, $0x3E, v42;
	_ =	sdelay $0x3  }
0x2e4: {  	v53 =	vld.idx.msk [tilespmem:v51+s14+$0x0], $0xffff  }
0x2e5: {  	v54 =	vld.idx.msk [tilespmem:v52+s14+$0x0], $0xffff;
	_ =	sdelay $0x4  }
0x2e6: {  	v47 =	vsub.f32 v54, v53;
	_ =	sdelay $0x1  }
0x2e7: {  	vm1 =	vlt.f32 v47, $9.999999740e-06  }
0x2e8: {  	v47 =	vsel vm1, $0x3F800000, v47  }
0x2e9: {  	(erf) = vrcp.f32 v47;
	_ =	sdelay $0x3  }
0x2ea: {  	v55 =	vld.idx.msk [tilespmem:v51+s16+$0x0], $0xffff  }
0x2eb: {  	v45 =	vld.idx.msk [tilespmem:v52+s16+$0x0], $0xffff;
	_ =	sdelay $0x1  }
0x2ec: {  	v44 =	vxor.u32 $0x80000000, v51  }
0x2ed: {  	(xrf0) =	vmax.scan.msk.u32 $0xffff, v44;
	v56 =	vsub.f32 v15, v53  }
0x2ee: {  	v57 =	vpop (erf)  }
0x2ef: {  	v45 =	vsub.f32 v45, v55;
	v44 =	vmul.f32 v57, v56;
	_ =	sdelay $0x1  }
0x2f0: {  	v44 =	vmul.f32 v44, v45;
	_ =	sdelay $0x1  }
0x2f1: {  	v58, _, _ =	vpop (xrf0);
	v44 =	vadd.f32 v44, v55  }
0x2f2: {  	(v2sf) =	vpush v58, $0xF  }
0x2f3: {  	(xrf0) =	vmax.scan.msk.f32 $0xffff, v44;
	_ =	sdelay $0x3  }
0x2f4: {  	v59 =	vld [tilespmem:$0x102F0]  }
0x2f5: {  	v43 =	vbroadcast v50, $0xF  }
0x2f6: {  	v60, _, _ =	vpop (xrf0)  }
0x2f7: {  	v43 =	vmax.f32 v60, v43  }
0x2f8: {  	(xrf0) =	vmax.scan.msk.f32 $0xffff, v43  }
0x2f9: {  	(xrf0) =	vadd.scan.msk.s32 $0xffff, v59;
	_ =	sdelay $0x4  }
0x2fa: {  	s29 =	spop (v2sf);
	v45, _, _ =	vpop (xrf0)  }
0x2fb: {  	s22 =	sxor.u32 $0x80000000, s29;
	v44, _, _ =	vpop (xrf0)  }
0x2fc: {  	v61 =	vadd.s32 s22, v44  }
0x2fd: {  	v44 =	vadd.s32 $0x1, v61  }
0x2fe: {  	vm1 =	vlt.s32 v44, $0x3E  }
0x2ff: {  	v62 =	vnsel vm1, $0x3E, v44;
	_ =	sdelay $0x2  }
0x300: {  	v48 =	vld.idx.msk [tilespmem:v61+s14+$0x0], $0xffff  }
0x301: {  	v63 =	vand.u32 $0xFFFFFF80, v30;
	v46 =	vld.idx.msk [tilespmem:v61+s16+$0x0], $0xffff  }
0x302: {  	v50 =	vadd.s32 v27, v63;
	v54 =	vand.u32 $0x7F, v30;
	v49 =	vld.idx.msk [tilespmem:v62+s14+$0x0], $0xffff  }
0x303: {  	v50 =	vor.u32 v54, v50;
	v47 =	vld.idx.msk [tilespmem:v62+s16+$0x0], $0xffff;
	[tilespmem:$0x10280] =	vst v7  }
0x304: {  	[tilespmem:$0x10290] =	vst v7  }
0x305: {  	[tilespmem:$0x102A0] =	vst v7  }
0x306: {  	[tilespmem:$0x102B0] =	vst v7  }
0x307: {  	[tilespmem:$0x102C0] =	vst v7  }
0x308: {  	v50 =	vld.idx.msk [tilespmem:v50+s1+$0x0], $0xffff;
	_ =	sdelay $0x4  }
0x309: {  	vm1 =	vle.f32 v50, v31  }
0x30a: {  	v50 =	vsel vm1, $0x1, v7  }
0x30b: {  	v50 =	vadd.s32 v50, v30  }
0x30c: {  	v30 =	vadd.s32 v0, v50  }
0x30d: {  	v29 =	vshll.u32 v29, $0x8;
	v55 =	vshll.u32 v30, $0x3  }
0x30e: {  	v29 =	vand.u32 $0x7800, v29;
	v51 =	vand.u32 $0xFFFFFC00, v55  }
0x30f: {  	v56 =	vand.u32 $0x7F, v30;
	v51 =	vadd.s32 v29, v51  }
0x310: {  	v57 =	vand.u32 $0xFFFFFF80, v32;
	v30 =	vand.u32 $0x380, v27;
	v51 =	vor.u32 v56, v51  }
0x311: {  	v58 =	vand.u32 $0x7F, v32;
	v52 =	vadd.s32 v27, v57;
	v51 =	vor.u32 v30, v51  }
0x312: {  	v52 =	vor.u32 v58, v52;
	_ =	sdelay $0x2  }
0x313: {  	[tilespmem:v50+s15+$0x0] =	vst.idx.add.s32.msk $0xffff, v8  }
0x314: {  	[tilespmem:v51+s13+$0x0] =	vst.idx.msk $0xffff, v31  }
0x315: {  	v31 =	vld.idx.msk [tilespmem:v52+s1+$0x0], $0xffff;
	_ =	sdelay $0x4  }
0x316: {  	vm1 =	vle.f32 v31, v33  }
0x317: {  	v31 =	vsel vm1, $0x1, v7  }
0x318: {  	v31 =	vadd.s32 v31, v32  }
0x319: {  	v32 =	vadd.s32 v17, v31  }
0x31a: {  	v59 =	vshll.u32 v32, $0x3  }
0x31b: {  	v50 =	vand.u32 $0xFFFFFC00, v59  }
0x31c: {  	v32 =	vand.u32 $0x7F, v32;
	v50 =	vadd.s32 v29, v50  }
0x31d: {  	v60 =	vand.u32 $0xFFFFFF80, v34;
	v32 =	vor.u32 v32, v50  }
0x31e: {  	v61 =	vand.u32 $0x7F, v34;
	v50 =	vadd.s32 v27, v60;
	v32 =	vor.u32 v30, v32  }
0x31f: {  	v50 =	vor.u32 v61, v50;
	_ =	sdelay $0x2  }
0x320: {  	[tilespmem:v31+s15+$0x0] =	vst.idx.add.s32.msk $0xffff, v8  }
0x321: {  	[tilespmem:v32+s13+$0x0] =	vst.idx.msk $0xffff, v33  }
0x322: {  	v31 =	vld.idx.msk [tilespmem:v50+s1+$0x0], $0xffff;
	_ =	sdelay $0x4  }
0x323: {  	vm1 =	vle.f32 v31, v35  }
0x324: {  	v31 =	vsel vm1, $0x1, v7  }
0x325: {  	v31 =	vadd.s32 v31, v34  }
0x326: {  	v62 =	vadd.s32 v18, v31  }
0x327: {  	v63 =	vshll.u32 v62, $0x3  }
0x328: {  	v33 =	vand.u32 $0xFFFFFC00, v63  }
0x329: {  	v32 =	vand.u32 $0x7F, v62;
	v33 =	vadd.s32 v29, v33  }
0x32a: {  	v50 =	vand.u32 $0xFFFFFF80, v36;
	v32 =	vor.u32 v32, v33  }
0x32b: {  	v51 =	vand.u32 $0x7F, v36;
	v33 =	vadd.s32 v27, v50;
	v32 =	vor.u32 v30, v32  }
0x32c: {  	v33 =	vor.u32 v51, v33;
	_ =	sdelay $0x2  }
0x32d: {  	[tilespmem:v31+s15+$0x0] =	vst.idx.add.s32.msk $0xffff, v8  }
0x32e: {  	[tilespmem:v32+s13+$0x0] =	vst.idx.msk $0xffff, v35  }
0x32f: {  	v31 =	vld.idx.msk [tilespmem:v33+s1+$0x0], $0xffff;
	_ =	sdelay $0x4  }
0x330: {  	vm1 =	vle.f32 v31, v37  }
0x331: {  	v31 =	vsel vm1, $0x1, v7  }
0x332: {  	v31 =	vadd.s32 v31, v36  }
0x333: {  	v52 =	vadd.s32 v19, v31  }
0x334: {  	v53 =	vshll.u32 v52, $0x3  }
0x335: {  	v33 =	vand.u32 $0xFFFFFC00, v53  }
0x336: {  	v32 =	vand.u32 $0x7F, v52;
	v33 =	vadd.s32 v29, v33  }
0x337: {  	v54 =	vand.u32 $0xFFFFFF80, v38;
	v32 =	vor.u32 v32, v33  }
0x338: {  	v55 =	vand.u32 $0x7F, v38;
	v33 =	vadd.s32 v27, v54;
	v32 =	vor.u32 v30, v32  }
0x339: {  	v33 =	vor.u32 v55, v33;
	_ =	sdelay $0x2  }
0x33a: {  	[tilespmem:v31+s15+$0x0] =	vst.idx.add.s32.msk $0xffff, v8  }
0x33b: {  	[tilespmem:v32+s13+$0x0] =	vst.idx.msk $0xffff, v37  }
0x33c: {  	v31 =	vld.idx.msk [tilespmem:v33+s1+$0x0], $0xffff;
	_ =	sdelay $0x4  }
0x33d: {  	vm1 =	vle.f32 v31, v39  }
0x33e: {  	v31 =	vsel vm1, $0x1, v7  }
0x33f: {  	v31 =	vadd.s32 v31, v38  }
0x340: {  	v56 =	vadd.s32 v20, v31  }
0x341: {  	v57 =	vshll.u32 v56, $0x3  }
0x342: {  	v33 =	vand.u32 $0xFFFFFC00, v57  }
0x343: {  	v32 =	vand.u32 $0x7F, v56;
	v33 =	vadd.s32 v29, v33  }
0x344: {  	v58 =	vand.u32 $0xFFFFFF80, v40;
	v32 =	vor.u32 v32, v33  }
0x345: {  	v59 =	vand.u32 $0x7F, v40;
	v33 =	vadd.s32 v27, v58;
	v32 =	vor.u32 v30, v32  }
0x346: {  	v33 =	vor.u32 v59, v33;
	_ =	sdelay $0x2  }
0x347: {  	[tilespmem:v31+s15+$0x0] =	vst.idx.add.s32.msk $0xffff, v8  }
0x348: {  	[tilespmem:v32+s13+$0x0] =	vst.idx.msk $0xffff, v39  }
0x349: {  	v31 =	vld.idx.msk [tilespmem:v33+s1+$0x0], $0xffff;
	_ =	sdelay $0x4  }
0x34a: {  	vm1 =	vle.f32 v31, v41  }
0x34b: {  	v31 =	vsel vm1, $0x1, v7  }
0x34c: {  	v31 =	vadd.s32 v31, v40  }
0x34d: {  	v60 =	vadd.s32 v21, v31  }
0x34e: {  	v61 =	vshll.u32 v60, $0x3  }
0x34f: {  	v33 =	vand.u32 $0xFFFFFC00, v61  }
0x350: {  	v32 =	vand.u32 $0x7F, v60;
	v33 =	vadd.s32 v29, v33  }
0x351: {  	v62 =	vand.u32 $0xFFFFFF80, v42;
	v32 =	vor.u32 v32, v33  }
0x352: {  	v63 =	vand.u32 $0x7F, v42;
	v33 =	vadd.s32 v27, v62;
	v32 =	vor.u32 v30, v32  }
0x353: {  	v33 =	vor.u32 v63, v33  }
0x354: {  	v36 =	vsub.f32 v49, v48;
	_ =	sdelay $0x1  }
0x355: {  	vm1 =	vlt.f32 v36, $9.999999740e-06;
	[tilespmem:v31+s15+$0x0] =	vst.idx.add.s32.msk $0xffff, v8  }
0x356: {  	v37 =	vsel vm1, $0x3F800000, v36;
	[tilespmem:v32+s13+$0x0] =	vst.idx.msk $0xffff, v41  }
0x357: {  	(erf) = vrcp.f32 v37;
	v38 =	vld.idx.msk [tilespmem:v33+s1+$0x0], $0xffff;
	_ =	sdelay $0x4  }
0x358: {  	vm1 =	vle.f32 v38, v43  }
0x359: {  	v31 =	vsel vm1, $0x1, v7  }
0x35a: {  	v31 =	vadd.s32 v31, v42  }
0x35b: {  	v39 =	vsub.f32 v16, v48;
	v40 =	vadd.s32 v22, v31  }
0x35c: {  	v41 =	vpop (erf);
	v42 =	vshll.u32 v40, $0x3  }
0x35d: {  	v47 =	vsub.f32 v47, v46;
	v32 =	vmul.f32 v41, v39;
	v35 =	vand.u32 $0xFFFFFC00, v42  }
0x35e: {  	v33 =	vand.u32 $0x7F, v40;
	v35 =	vadd.s32 v29, v35  }
0x35f: {  	v48 =	vand.u32 $0xFFFFFF80, v44;
	v32 =	vmul.f32 v32, v47;
	v33 =	vor.u32 v33, v35  }
0x360: {  	v49 =	vand.u32 $0x7F, v44;
	v27 =	vadd.s32 v27, v48;
	v33 =	vor.u32 v30, v33  }
0x361: {  	v27 =	vor.u32 v49, v27;
	v32 =	vadd.f32 v32, v46;
	_ =	sdelay $0x1  }
0x362: {  	(xrf0) =	vmax.scan.msk.f32 $0xffff, v32  }
0x363: {  	[tilespmem:v31+s15+$0x0] =	vst.idx.add.s32.msk $0xffff, v8  }
0x364: {  	[tilespmem:v33+s13+$0x0] =	vst.idx.msk $0xffff, v43  }
0x365: {  	v27 =	vld.idx.msk [tilespmem:v27+s1+$0x0], $0xffff;
	_ =	sdelay $0x1  }
0x366: {  	v50 =	vbroadcast v45, $0xF  }
0x367: {  	v32, _, _ =	vpop (xrf0)  }
0x368: {  	v31 =	vmax.f32 v32, v50  }
0x369: {  	vm1 =	vle.f32 v27, v31  }
0x36a: {  	v27 =	vsel vm1, $0x1, v7  }
0x36b: {  	v27 =	vadd.s32 v27, v44  }
0x36c: {  	v51 =	vadd.s32 v23, v27  }
0x36d: {  	v52 =	vshll.u32 v51, $0x3  }
0x36e: {  	v33 =	vand.u32 $0xFFFFFC00, v52  }
0x36f: {  	v32 =	vand.u32 $0x7F, v51;
	v33 =	vadd.s32 v29, v33  }
0x370: {  	v32 =	vor.u32 v32, v33  }
0x371: {  	v32 =	vor.u32 v30, v32;
	_ =	sdelay $0x3  }
0x372: {  	[tilespmem:v27+s15+$0x0] =	vst.idx.add.s32.msk $0xffff, v8  }
0x373: {  	[tilespmem:v32+s13+$0x0] =	vst.idx.msk $0xffff, v31  }
0x374: {  	v27 =	vld [tilespmem:$0x10280];
	_ =	sdelay $0x4  }
0x375: {  	(xrf0) =	vadd.scan.msk.s32 $0xffff, v27;
	_ =	sdelay $0x5  }
0x376: {  	v27, _, _ =	vpop (xrf0)  }
0x377: {  	v53 =	vxor.u32 $0x80000000, v27  }
0x378: {  	(xrf0) =	vmax.scan.msk.u32 $0xffff, v53  }
0x379: {  	v27 =	vadd.s32 v0, v27  }
0x37a: {  	v54 =	vshll.u32 v27, $0x3  }
0x37b: {  	v31 =	vand.u32 $0xFFFFFC00, v54  }
0x37c: {  	v27 =	vand.u32 $0x7F, v27;
	v31 =	vadd.s32 v29, v31  }
0x37d: {  	v27 =	vor.u32 v27, v31  }
0x37e: {  	v27 =	vor.u32 v30, v27;
	v55, _, _ =	vpop (xrf0)  }
0x37f: {  	(v2sf) =	vpush v55, $0xF;
	_ =	sdelay $0x3  }
0x380: {  	[tilespmem:v27+s13+$0x0] =	vst.idx.msk $0xffff, v28  }
0x381: {  	v27 =	vld [tilespmem:$0x10290];
	_ =	sdelay $0x4  }
0x382: {  	(xrf0) =	vadd.scan.msk.s32 $0xffff, v27;
	_ =	sdelay $0x4  }
0x383: {  	s30 =	spop (v2sf)  }
0x384: {  	v27, _, _ =	vpop (xrf0);
	s22 =	sxor.u32 $0x80000000, s30  }
0x385: {  	v27 =	vadd.s32 s22, v27  }
0x386: {  	v56 =	vxor.u32 $0x80000000, v27  }
0x387: {  	(xrf0) =	vmax.scan.msk.u32 $0xffff, v56  }
0x388: {  	v27 =	vadd.s32 v17, v27  }
0x389: {  	v57 =	vshll.u32 v27, $0x3  }
0x38a: {  	v28 =	vand.u32 $0xFFFFFC00, v57  }
0x38b: {  	v27 =	vand.u32 $0x7F, v27;
	v28 =	vadd.s32 v29, v28  }
0x38c: {  	v27 =	vor.u32 v27, v28  }
0x38d: {  	v27 =	vor.u32 v30, v27;
	v58, _, _ =	vpop (xrf0)  }
0x38e: {  	(v2sf) =	vpush v58, $0xF;
	_ =	sdelay $0x3  }
0x38f: {  	[tilespmem:v27+s13+$0x0] =	vst.idx.msk $0xffff, v26  }
0x390: {  	v26 =	vld [tilespmem:$0x102A0];
	_ =	sdelay $0x4  }
0x391: {  	(xrf0) =	vadd.scan.msk.s32 $0xffff, v26;
	_ =	sdelay $0x4  }
0x392: {  	s31 =	spop (v2sf)  }
0x393: {  	v26, _, _ =	vpop (xrf0);
	s22 =	sxor.u32 $0x80000000, s31  }
0x394: {  	v26 =	vadd.s32 s22, v26  }
0x395: {  	v59 =	vadd.s32 v18, v26  }
0x396: {  	v60 =	vshll.u32 v59, $0x3  }
0x397: {  	v28 =	vand.u32 $0xFFFFFC00, v60  }
0x398: {  	v27 =	vand.u32 $0x7F, v59;
	v28 =	vadd.s32 v29, v28  }
0x399: {  	v27 =	vor.u32 v27, v28  }
0x39a: {  	v27 =	vor.u32 v30, v27;
	_ =	sdelay $0x4  }
0x39b: {  	[tilespmem:v27+s13+$0x0] =	vst.idx.msk $0xffff, v25  }
0x39c: {  	v25 =	vld [tilespmem:$0x102B0];
	_ =	sdelay $0x1  }
0x39d: {  	v26 =	vxor.u32 $0x80000000, v26  }
0x39e: {  	(xrf0) =	vmax.scan.msk.u32 $0xffff, v26;
	_ =	sdelay $0x1  }
0x39f: {  	(xrf0) =	vadd.scan.msk.s32 $0xffff, v25;
	_ =	sdelay $0x3  }
0x3a0: {  	v61, _, _ =	vpop (xrf0)  }
0x3a1: {  	v25 =	vbroadcast v61, $0xF  }
0x3a2: {  	v62, _, _ =	vpop (xrf0)  }
0x3a3: {  	v25 =	vadd.s32 v25, v62  }
0x3a4: {  	v25 =	vadd.s32 v19, v25  }
0x3a5: {  	v63 =	vshll.u32 v25, $0x3  }
0x3a6: {  	v26 =	vand.u32 $0xFFFFFC00, v63  }
0x3a7: {  	v25 =	vand.u32 $0x7F, v25;
	v26 =	vadd.s32 v29, v26  }
0x3a8: {  	v25 =	vor.u32 v25, v26  }
0x3a9: {  	p0 =	sne.s32 s20, $0x7E;
	v25 =	vor.u32 v30, v25  }
.Ltmp0:
0x3aa: {  	_ = 	snop;
	(pc) =	sbr.rel @p0 .LBB2_3-.Ltmp0, $2  }
0x3ab: {  	_ =	sdelay $0x2  }
0x3ac: {  	s20 =	sadd.s32 $0x2, s20;
	s21 =	sadd.s32 $0x100, s21;
	[tilespmem:v25+s13+$0x0] =	vst.idx.msk $0xffff, v24  }
0x3ad: {  	s18 =	sadd.s32 $0x1, s18  }
0x3ae: {  	s19 =	sshll.u32 s19, $0x5;
	p0 =	sne.s32 s18, $0x10  }
.Ltmp1:
0x3af: {  	s19 =	sadd.s32 s3, s19;
	(pc) =	sbr.rel @p0 .LBB2_2-.Ltmp1, $4  }
0x3b0: {  	[hbm4b:s19+s1] =	stream.linear.scatter [tilespmem:s13], [sflag:$0x1], $0x8000, $0x38;
	[tilespmem:$0x10300] =	vst v63  }
0x3b1: {  	_ =	swait.ge [sflag:s11], $0x8000  }
0x3b2: {  	[sflag:s11] =	ssyncset.done $0x0  }
0x3b3: {  	[sflag:s11] =	ssyncadd.s32 $0xFFFF8000  }
0x3b4: {  	s17 =	sadd.s32 $0x1, s17  }
0x3b5: {  	p0 =	sne.s32 s17, s10  }
.Ltmp2:
0x3b6: {  	_ = 	snop;
	(pc) =	sbr.rel @p0 .LBB2_1-.Ltmp2, $1  }
0x3b7: {  	_ =	sdelay $0x3  }
0x3b8: {  	_ =	sfence.sel $0x180000  }
0x3b9: {  	[bflag:$0x0] =	sbarrier.arrive $0xFFFF  }
0x3ba: {  	p0 =	sne.s32 s4, $0x0;
	_ =	strace $0x90000047  }
0x3bb: {  	s0 =	sadd.s32 @!p0 $0x100000, s0;
	[bflag:$0x2] =	sbarrier.arrive $0xFFFF  }
0x3bc: {  	[sflag:s0] =	ssyncadd.tile.s32 @!p0 $0x1;
	_ =	shalt  }
.Lfunc_end2:
_tile_overlayer_lowered:
.L_overlay_start_2:
0x3bd: {  	(tag) =	ssettag $0x2  }
0x3be: {  	s0 =	rddreg [dreg:$0x0];
	s2 =	stileid.u32  }
0x3bf: {  	s1 =	rddreg [dreg:$0x1];
	p0 =	sne.s32 s2, $0x0  }
0x3c0: {  	s3 =	rddreg [dreg:$0x2];
	[bflag:$0x3] =	sbarrier.arrive $0xFFFF;
	s2 =	simm.s32 @!p0 $0x1C01  }
0x3c1: {  	[timem:s3], [sflag:s2] =	dma.local @!p0 [hbm:s0], s1  }
0x3c2: {  	s0 =	simm.s32 @!p0 $0x1  }
0x3c3: {  	_ =	swait.ge @!p0 [sflag:s0], s1  }
0x3c4: {  	s1 =	ssub.s32 @!p0 $0x0, s1;
	[sflag:s0] =	ssyncset.done @!p0 $0x0  }
0x3c5: {  	[sflag:s0] =	ssyncadd.s32 @!p0 s1  }
0x3c6: {  	[bflag:$0x3] =	sbarrier.arrive $0xFFFF  }
0x3c7: {  	_ =	shalt  }

// kernel: sparse-core-data-format-call.cloned.1.call-start
scs
called_computation_lowered:
.L_overlay_start_0:
0x0: {  	s2 =	sld [smem:$0x3FD9]  }
0x1: {  	s3 =	sld [smem:$0x3FFE];
	_ =	sdelay $0x1  }
0x2: {  	s1 =	srdreg.scid  }
0x3: {  	s0 =	sand.u32 $0x1, s1  }
0x4: {  	s15 =	sshll.u32 s0, $0xA;
	s2 =	sadd.s32 s3, s2  }
0x5: {  	s2 =	sadd.s32 s2, s15  }
0x6: {  	[smem:$0x3FC4] =	sst s2  }
0x7: {  	_ = 	snop  }
0x8: {  	s2 =	sld [smem:$0x3FD0];
	_ =	sdelay $0x2  }
0x9: {  	s16 =	simm.s32 $0xA;
	s4 =	simm.s32 $0x10  }
0xa: {  	[smem:s4], [sflag:s16] =	dma.local [hbm:s2], $0x1  }
0xb: {  	_ =	swait.eq [sflag:s16], $0x1  }
0xc: {  	[sflag:s16] =	ssyncset.done $0x0  }
0xd: {  	[sflag:s16] =	ssyncadd.s32 $0xFFFFFFFF  }
0xe: {  	s17 =	sld [smem:$0x10];
	(tm) =	ssettm $0x1  }
0xf: {  	s18 =	sld [smem:$0x3FFB];
	_ =	sdelay $0x3  }
0x10: {  	_ =	strace s18  }
0x11: {  	s3 =	sld [smem:$0x3FFC];
	_ =	sdelay $0x3  }
0x12: {  	_ =	strace s3  }
0x13: {  	s3 =	sld [smem:$0x3FFD];
	_ =	sdelay $0x3  }
0x14: {  	_ =	strace s3  }
0x15: {  	_ =	strace $0x8FFFFFFF  }
0x16: {  	s19 =	sld [smem:$0x3FDB];
	_ =	sdelay $0x1  }
0x17: {  	s20 =	simm.s32 $_scs_section_size  }
0x18: {  	s5 =	simm.s32 $_size__tile_overlayer_lowered;
	s6 =	simm.s32 $_tile_overlayer_lowered  }
0x19: {  	s23 =	simm.s32 $0x1BFF;
	s22 =	sshll.u32 s6, $0x1;
	s3 =	sadd.s32 s20, s19  }
0x1a: {  	s7 =	simm.s32 $0x0;
	s21 =	sshll.u32 s5, $0x1;
	s5 =	sadd.s32 s22, s3  }
0x1b: {  	[timem:s7], [sflag:s23] =	dma.local [hbm:s5], s21  }
0x1c: {  	_ =	swait.ge [sflag:s23], s21  }
0x1d: {  	s4 =	ssub.s32 $0x0, s21;
	[sflag:s23] =	ssyncset.done $0x0  }
0x1e: {  	[sflag:s23] =	ssyncadd.s32 s4;
	_ =	sdelay $0x1  }
0x1f: {  	s24 =	simm.s32 $0x1B8B  }
0x20: {  	_ =	swait.ge [sflag:s24], $0x1  }
0x21: {  	[sflag:s24] =	ssyncset.done $0x0  }
0x22: {  	s26 =	simm.s32 $0x1B8E;
	s25 =	sld [smem:$0x3FFE];
	[sflag:s24] =	ssyncadd.s32 $0xFFFFFFFF  }
0x23: {  	s27 =	simm.s32 $execute0_lowered;
	[smem:$0x3FD2] =	sst s26  }
0x24: {  	s5 =	sshll.u32 s27, $0x1;
	_ =	strace $0x80000049;
	[dreg:$0x1] =	wrdreg $0xFFFFFFFF  }
0x25: {  	s28 =	simm.s32 $_size_execute0_lowered;
	s3 =	sadd.s32 s3, s5;
	[dreg:$0x0] =	wrdreg $0x0  }
0x26: {  	s5 =	sshll.u32 s28, $0x1;
	[dreg:$0x2] =	wrdreg s3  }
0x27: {  	[dreg:$0x3] =	wrdreg s5  }
0x28: {  	[dreg:$0x4] =	wrdreg $0xC0  }
0x29: {  	_ =	task [dreg:s7], $0x5FFFF  }
0x2a: {  	[dreg:$0x1] =	wrdreg $0xFFFFFFFF  }
0x2b: {  	[dreg:$0x0] =	wrdreg $0x60  }
0x2c: {  	[dreg:$0x2] =	wrdreg s25  }
0x2d: {  	[dreg:$0x3] =	wrdreg s17  }
0x2e: {  	[dreg:$0x4] =	wrdreg $0x9  }
0x2f: {  	_ =	task.clear_ibuf [dreg:s7], $0x5FFFF;
	_ =	strace $0x90000049  }
0x30: {  	s29 =	simm.s32 $0x9;
	_ =	strace $0x8000004B  }
0x31: {  	_ =	swait.ge [sflag:s29], $0x1  }
0x32: {  	[sflag:s29] =	ssyncadd.s32 $0xFFFFFFFF  }
0x33: {  	_ =	strace $0x9000004B  }
0x34: {  	_ =	sfence  }
0x35: {  	s30 =	sld [smem:$0x0];
	_ =	sdelay $0x2  }
0x36: {  	s31 =	sshll.u32 s1, $0xD;
	s1 =	sshrl.u32 s1, $0x2  }
0x37: {  	s3 =	sand.u32 $0x4000, s31;
	s1 =	sadd.s32 s1, s30  }
0x38: {  	s0 =	sor.u32 s3, s0;
	s1 =	sshll.u32 s1, $0x11  }
0x39: {  	s0 =	sor.u32 s1, s0  }
0x3a: {  	s0 =	sadd.s32 $0x8F2B, s0  }
0x3b: {  	[sflag:s0] =	ssyncadd.remote.s32 $0x1  }
0x3c: {  	_ =	sfence.sel $0xFFFF  }
0x3d: {  	[dreg:$0x0] =	wrdreg $0xFFFFFFFF;
	(pc) =	sbr.abs _section_cstart, $3  }
0x3e: {  	[dreg:$0x1] =	wrdreg $0xFFFFFFFF  }
0x3f: {  	_ =	task.clear_ibuf [dreg:s7], $0x2FFFF;
	_ =	strace $0x9FFFFFFF  }
0x40: {  	(tm) =	ssettm $0x7FFFFFFF  }
0x41: {  	_ =	shalt  }
tec
execute0_lowered:
.L_overlay_start_1:
0x0: {  	(tag) =	ssettag $0x1  }
0x1: {  	s0 =	srdreg.scid  }
0x2: {  	s1 =	sshll.u32 s0, $0x4  }
0x3: {  	s6 =	rddreg [dreg:$0x0];
	s0 =	stileid.u32;
	s1 =	sand.u32 $0x10, s1  }
0x4: {  	s3 =	rddreg [dreg:$0x1];
	s1 =	sor.u32 s0, s1  }
0x5: {  	s5 =	simm.s32 $0x1;
	s31 =	simm.s32 $0x2;
	s2 =	sshll.u32 s1, $0x7  }
0x6: {  	s14 =	simm.s32 $0x0;
	s8 =	simm.s32 $0x80000;
	s4 =	ssub.s32 $0x10000, s2  }
0x7: {  	s9 =	simm.s32 $0x0;
	s15 =	simm.s32 $0x0;
	s30 =	sand.u32 $0xF80, s4  }
0x8: {  	s16 =	simm.s32 $0x0;
	s11 =	simm.s32 $0x0;
	p0 =	sne.s32 s30, $0x0  }
.Ltmp0:
0x9: {  	s7 =	sshrl.u32 s4, $0xC;
	s5 =	simm.s32 @!p0 $0x0;
	(pc) =	sbr.rel .LBB1_1-.Ltmp0, $4  }
0xa: {  	s12 =	simm.s32 $0x0;
	s1 =	rddreg [dreg:$0x2];
	s5 =	sadd.s32 s5, s7  }
0xb: {  	_ =	strace $0x8000004A;
	s4 =	simm.s32 $0x1;
	s5 =	smul.u32 $0x9, s5  }
0xc: {  	s13 =	simm.s32 $0x0;
	s6 =	sadd.s32 $0x401E00, s6;
	[sflag:s4] =	ssyncpa.u1 $0x0  }
0xd: {  	s10 =	smov.u32 s2;
	[sflag:s31] =	ssyncpa.u1 $0x0;
	s7 =	sadd.s32 $0x1, s5  }
.LBB1_4:
0xe: {  	_ =	sdelay $0x3  }
0xf: {  	[tilespmem:v0+s19+$0xFFFFFFD0 ss:$0x1] =	vst.idx.msk $0xffff, v6  }
0x10: {  	s20 =	sshll.u32 s16, $0x10;
	v56 =	vld.idx.msk [tilespmem:v1+s18+$0x0 ss:$0x1], $0xffff;
	[tilespmem:v0+s19+$0xFFFFFFE0 ss:$0x1] =	vst.idx.msk $0xffff, v5  }
0x11: {  	s21 =	sshll.u32 s14, $0x3;
	v57 =	vld.idx.msk [tilespmem:v1+s18+$0xFFFFFF90 ss:$0x1], $0xffff;
	[tilespmem:v0+s19+$0xFFFFFFF0 ss:$0x1] =	vst.idx.msk $0xffff, v4;
	s20 =	sand.u32 $0xFFF80000, s20  }
0x12: {  	v58 =	vld.idx.msk [tilespmem:v1+s18+$0xFFFFFFA0 ss:$0x1], $0xffff;
	[tilespmem:v0+s19+$0x0 ss:$0x1] =	vst.idx.msk $0xffff, v2;
	s20 =	sadd.s32 s20, s21  }
0x13: {  	v59 =	vld.idx.msk [tilespmem:v1+s18+$0xFFFFFFB0 ss:$0x1], $0xffff;
	[tilespmem:v0+s19+$0x10 ss:$0x1] =	vst.idx.msk $0xffff, v3;
	s20 =	sshrl.u32 s20, $0x10  }
0x14: {  	v60 =	vld.idx.msk [tilespmem:v1+s18+$0xFFFFFFC0 ss:$0x1], $0xffff;
	[tilespmem:v0+s19+$0x20 ss:$0x1] =	vst.idx.msk $0xffff, v7;
	s22 =	smul.u32 $0xAAAB, s20  }
0x15: {  	v61 =	vld.idx.msk [tilespmem:v1+s18+$0xFFFFFFD0 ss:$0x1], $0xffff;
	[tilespmem:v0+s18+$0x30 ss:$0x1] =	vst.idx.msk $0xffff, v56  }
0x16: {  	s27 =	sshll.u32 s16, $0x7;
	v62 =	vld.idx.msk [tilespmem:v1+s18+$0xFFFFFFE0 ss:$0x1], $0xffff;
	[tilespmem:v0+s18+$0xFFFFFFC0 ss:$0x1] =	vst.idx.msk $0xffff, v57;
	s28 =	sshrl.u32 s22, $0x17  }
0x17: {  	s29 =	sand.u32 $0x78, s14;
	v63 =	vld.idx.msk [tilespmem:v1+s18+$0xFFFFFFF0 ss:$0x1], $0xffff;
	s16 =	sand.u32 $0x380, s27;
	[tilespmem:v0+s18+$0xFFFFFFD0 ss:$0x1] =	vst.idx.msk $0xffff, v58;
	s19 =	smul.u32 $0xC0, s28  }
0x18: {  	s15 =	smul.u32 $0x180000, s15;
	s30 =	sand.u32 $0xFC00, s21;
	s16 =	sor.u32 s16, s29;
	[tilespmem:v0+s18+$0xFFFFFFE0 ss:$0x1] =	vst.idx.msk $0xffff, v59  }
0x19: {  	s31 =	sand.u32 $0x7, s14;
	s16 =	sor.u32 s30, s16;
	[tilespmem:v0+s18+$0xFFFFFFF0 ss:$0x1] =	vst.idx.msk $0xffff, v60;
	s19 =	ssub.s32 s20, s19  }
0x1a: {  	s15 =	sadd.s32 s3, s15;
	s16 =	sshrl.u32 s16, $0x3;
	[tilespmem:v0+s18+$0x0 ss:$0x1] =	vst.idx.msk $0xffff, v61;
	s19 =	sand.u32 $0xFFFF, s19  }
0x1b: {  	s14 =	sshll.u32 s31, $0x12;
	[tilespmem:v0+s18+$0x10 ss:$0x1] =	vst.idx.msk $0xffff, v62;
	s15 =	sadd.s32 s16, s15;
	s19 =	sshll.u32 s19, $0xD  }
0x1c: {  	s14 =	sor.u32 $0x400, s14;
	[tilespmem:v0+s18+$0x20 ss:$0x1] =	vst.idx.msk $0xffff, v63;
	s15 =	sadd.s32 s19, s15  }
0x1d: {  	[hbm4b:s15+s14] =	stream.strided.scatter [tilespmem:s17], [sflag:$0x2], $0x2000, s8, s14, $0x38;
	[tilespmem:$0x8000] =	vst v63  }
.LBB1_5:
0x1e: {  	s17 =	sadd.s32 $0x1000, s10  }
0x1f: {  	s14 =	simm.s32 $0x1;
	p1 =	sgt.s32 s17, $0xFFFF  }
0x20: {  	s14 =	simm.s32 @!p1 $0x0  }
0x21: {  	s18 =	sadd.s32 s14, s11  }
0x22: {  	s20 =	smov.u32 s12;
	s14 =	sadd.s32 $0x40, s12;
	p2 =	sgt.s32 s18, $0x2  }
0x23: {  	s20 =	smov.u32 @p2 s14  }
0x24: {  	p0 =	slt.u32 s13, $0x2;
	s17 =	smov.u32 @p1 s2;
	p1 =	sgt.s32 s20, $0xBF  }
0x25: {  	s19 =	simm.s32 @!p0 $0x2;
	s20 =	simm.s32 @p1 $0x0;
	p1 =	sne.s32 s13, s7  }
.Ltmp1:
0x26: {  	_ =	swait.ge @!p0 [sflag:s19], $0x2000;
	(pc) =	sbr.rel @!p1 .LBB1_6-.Ltmp1, $4  }
0x27: {  	s15 =	smov.u32 s11;
	[sflag:s19] =	ssyncset.done @!p0 $0x0  }
0x28: {  	s16 =	smov.u32 s12;
	s9 =	sadd.s32 $0x2000, s9;
	[sflag:s19] =	ssyncadd.s32 @!p0 $0xFFFFE000  }
0x29: {  	s18 =	simm.s32 @p2 $0x0;
	s14 =	smov.u32 s10;
	s10 =	smov.u32 s17  }
0x2a: {  	s11 =	smov.u32 s18;
	s13 =	sadd.s32 $0x1, s13;
	s12 =	smov.u32 s20  }
.LBB1_1:
0x2b: {  	p0 =	sge.u32 s13, s5  }
0x2c: {  	s17 =	sshll.u32 @!p0 s11, $0x7  }
0x2d: {  	s18 =	sand.u32 @!p0 $0x78, s10;
	s19 =	sshll.u32 @!p0 s10, $0x2;
	s17 =	sand.u32 @!p0 $0x180, s17  }
0x2e: {  	s31 =	sadd.s32 $0xFFFFFFFF, s13;
	s19 =	sand.u32 @!p0 $0xFE00, s19;
	s17 =	sor.u32 @!p0 s17, s18  }
0x2f: {  	s18 =	sshll.u32 @!p0 s12, $0xF;
	s17 =	sor.u32 @!p0 s19, s17;
	s19 =	sshrl.u32 @!p0 s10, $0x1  }
0x30: {  	s20 =	sxor.u32 @!p0 $0xFFFFFFFF, s13;
	s18 =	sadd.s32 @!p0 s6, s18;
	s19 =	sand.u32 @!p0 $0x6000, s19  }
0x31: {  	s20 =	sshll.u32 @!p0 s20, $0xD;
	s18 =	sadd.s32 @!p0 s19, s18;
	s19 =	sand.u32 @!p0 $0x7, s10  }
0x32: {  	s20 =	sand.u32 @!p0 $0x2000, s20;
	s17 =	sshrl.u32 @!p0 s17, $0x3;
	s19 =	sshll.u32 @!p0 s19, $0x12  }
0x33: {  	s17 =	sadd.s32 @!p0 s17, s18;
	s18 =	sor.u32 @!p0 $0x80, s19;
	s19 =	simm.s32 @!p0 $0x40000  }
0x34: {  	[tilespmem:s20], [sflag:$0x1] =	stream.strided.gather @!p0 [hbm4b:s17+s18], $0x2000, s19, s18, $0x38;
	[tilespmem:$0x8000] =	vst v63  }
0x35: {  	p0 =	sge.u32 s31, s5  }
.Ltmp2:
0x36: {  	_ = 	snop;
	(pc) =	sbr.rel @p0 .LBB1_5-.Ltmp2, $1  }
0x37: {  	_ =	sdelay $0x3  }
0x38: {  	s17 =	sand.u32 $0x2000, s9  }
0x39: {  	s18 =	sor.u32 $0x70, s17  }
0x3a: {  	v1 =	vmov s18;
	_ =	sdelay $0x1  }
0x3b: {  	_ =	swait.ge [sflag:s4], $0x2000  }
0x3c: {  	[sflag:s4] =	ssyncset.done $0x0  }
0x3d: {  	s19 =	simm.s32 $0x0;
	[sflag:s4] =	ssyncadd.s32 $0xFFFFE000  }
0x3e: {  	s17 =	sor.u32 $0x4040, s17;
	v7 =	vld.idx.msk [tilespmem:v1+s19+$0x0 ss:$0x1], $0xffff  }
0x3f: {  	v0 =	vmov s17;
	v8 =	vld.idx.msk [tilespmem:v1+s19+$0xFFFFFF90 ss:$0x1], $0xffff  }
0x40: {  	v6 =	vld.idx.msk [tilespmem:v1+s19+$0xFFFFFFA0 ss:$0x1], $0xffff  }
0x41: {  	v5 =	vld.idx.msk [tilespmem:v1+s19+$0xFFFFFFB0 ss:$0x1], $0xffff  }
0x42: {  	v4 =	vld.idx.msk [tilespmem:v1+s19+$0xFFFFFFC0 ss:$0x1], $0xffff  }
0x43: {  	s31 =	sshll.u32 s13, $0xD;
	v2 =	vld.idx.msk [tilespmem:v1+s19+$0xFFFFFFD0 ss:$0x1], $0xffff  }
0x44: {  	s17 =	sand.u32 $0x2000, s31;
	v3 =	vld.idx.msk [tilespmem:v1+s19+$0xFFFFFFE0 ss:$0x1], $0xffff;
	[tilespmem:v0+s19+$0x30 ss:$0x1] =	vst.idx.msk $0xffff, v7  }
0x45: {  	s20 =	simm.s32 $0x400;
	s18 =	simm.s32 $0x80;
	s17 =	sor.u32 $0x4000, s17;
	[tilespmem:v0+s19+$0xFFFFFFC0 ss:$0x1] =	vst.idx.msk $0xffff, v8;
	v7 =	vld.idx.msk [tilespmem:v1+s19+$0xFFFFFFF0 ss:$0x1], $0xffff  }
.LBB1_3:
0x46: {  	p0 =	sne.s32 s20, $0x7E00;
	v8 =	vld.idx.msk [tilespmem:v1+s18+$0x0 ss:$0x1], $0xffff;
	[tilespmem:v0+s19+$0xFFFFFFD0 ss:$0x1] =	vst.idx.msk $0xffff, v6  }
0x47: {  	v9 =	vld.idx.msk [tilespmem:v1+s18+$0xFFFFFF90 ss:$0x1], $0xffff;
	[tilespmem:v0+s19+$0xFFFFFFE0 ss:$0x1] =	vst.idx.msk $0xffff, v5  }
0x48: {  	v6 =	vld.idx.msk [tilespmem:v1+s18+$0xFFFFFFA0 ss:$0x1], $0xffff;
	[tilespmem:v0+s19+$0xFFFFFFF0 ss:$0x1] =	vst.idx.msk $0xffff, v4  }
.Ltmp3:
0x49: {  	v5 =	vld.idx.msk [tilespmem:v1+s18+$0xFFFFFFB0 ss:$0x1], $0xffff;
	[tilespmem:v0+s19+$0x0 ss:$0x1] =	vst.idx.msk $0xffff, v2;
	(pc) =	sbr.rel @p0 .LBB1_3-.Ltmp3, $4  }
0x4a: {  	v4 =	vld.idx.msk [tilespmem:v1+s18+$0xFFFFFFC0 ss:$0x1], $0xffff;
	[tilespmem:v0+s19+$0x10 ss:$0x1] =	vst.idx.msk $0xffff, v3  }
0x4b: {  	v2 =	vld.idx.msk [tilespmem:v1+s18+$0xFFFFFFD0 ss:$0x1], $0xffff;
	[tilespmem:v0+s19+$0x20 ss:$0x1] =	vst.idx.msk $0xffff, v7;
	s19 =	smov.u32 s18  }
0x4c: {  	v3 =	vld.idx.msk [tilespmem:v1+s19+$0xFFFFFFE0 ss:$0x1], $0xffff;
	[tilespmem:v0+s19+$0x30 ss:$0x1] =	vst.idx.msk $0xffff, v8  }
0x4d: {  	s18 =	sshra.s32 s20, $0x2;
	s20 =	sadd.s32 $0x200, s20;
	[tilespmem:v0+s19+$0xFFFFFFC0 ss:$0x1] =	vst.idx.msk $0xffff, v9;
	v7 =	vld.idx.msk [tilespmem:v1+s19+$0xFFFFFFF0 ss:$0x1], $0xffff  }
.Ltmp4:
0x4e: {  	_ = 	snop;
	(pc) =	sbr.rel .LBB1_4-.Ltmp4, $1  }
0x4f: {  	_ =	sdelay $0x3  }
.LBB1_6:
0x50: {  	_ =	sfence.sel $0x180000  }
0x51: {  	s2 =	simm.s32 $0x1;
	[bflag:$0x0] =	sbarrier.arrive $0xFFFF  }
0x52: {  	s31 =	simm.s32 $0x2;
	[sflag:s2] =	ssyncpa.u1 $0x1  }
0x53: {  	[sflag:s31] =	ssyncpa.u1 $0x1  }
0x54: {  	p0 =	sne.s32 s0, $0x0;
	_ =	strace $0x9000004A  }
0x55: {  	s0 =	sadd.s32 @!p0 $0x100000, s1;
	[bflag:$0x2] =	sbarrier.arrive $0xFFFF  }
0x56: {  	[sflag:s0] =	ssyncadd.tile.s32 @!p0 $0x1;
	_ =	shalt  }
.Lfunc_end1:
_tile_overlayer_lowered:
.L_overlay_start_2:
0x57: {  	(tag) =	ssettag $0x2  }
0x58: {  	s0 =	rddreg [dreg:$0x0];
	s2 =	stileid.u32  }
0x59: {  	s1 =	rddreg [dreg:$0x1];
	p0 =	sne.s32 s2, $0x0  }
0x5a: {  	s3 =	rddreg [dreg:$0x2];
	[bflag:$0x3] =	sbarrier.arrive $0xFFFF;
	s2 =	simm.s32 @!p0 $0x1C01  }
0x5b: {  	[timem:s3], [sflag:s2] =	dma.local @!p0 [hbm:s0], s1  }
0x5c: {  	s0 =	simm.s32 @!p0 $0x1  }
0x5d: {  	_ =	swait.ge @!p0 [sflag:s0], s1  }
0x5e: {  	s1 =	ssub.s32 @!p0 $0x0, s1;
	[sflag:s0] =	ssyncset.done @!p0 $0x0  }
0x5f: {  	[sflag:s0] =	ssyncadd.s32 @!p0 s1  }
0x60: {  	[bflag:$0x3] =	sbarrier.arrive $0xFFFF  }
0x61: {  	_ =	shalt  }

</sc_bundles>
